<compile_context>
chip_gen: v7x
topology: tpu7x:2x2x1
jax: 0.10.2.dev20260603
libtpu: 0.0.44.dev20260713+nightly
codegen_flags: <defaults>
</compile_context>

<pallas_src>
import functools

import jax
import jax.numpy as jnp
from jax import lax
from jax.experimental import pallas as pl
from jax.experimental.pallas import tpu as pltpu
from jax.experimental.pallas import tpu_sc as plsc

T = 8
N = 512
D_IN = 256
D = 256
HEADS = 8
D_HEAD = 32
WWIN = 4
TOPK = 16
E = 8192
TAUS = (4.0, 16.0)
NFREQ = 3
D_PE = len(TAUS) + 2 * NFREQ
SCALE = D_HEAD ** (-0.5)
NEG = -1e9
NWIN = WWIN + 1
L = NWIN * N
TH = T * HEADS

NC = 2
NS = 16
NTEC = NC * NS
VL = 16
DPT = N // NTEC
CH = 64
CAND_MAX = NWIN * N
MAXCH = CAND_MAX // CH
NBUF = 2


def _proj_body(h_ref, wq_ref, wv_ref, q_ref, v_ref):
    h = h_ref[...]
    q_ref[...] = jax.lax.dot(h, wq_ref[...], preferred_element_type=jnp.float32)
    v_ref[...] = jax.lax.dot(h, wv_ref[...], preferred_element_type=jnp.float32)


def _kproj_body(h_ref, pe_ref, wk_ref, k_ref):
    dt = pl.program_id(1)
    pe = pe_ref[pl.ds(dt, 1)][0]
    kin = jnp.concatenate(
        [h_ref[0], jnp.broadcast_to(pe[None, :], (N, D_PE))], axis=1)
    k_ref[0, 0] = jax.lax.dot(kin, wk_ref[...],
                              preferred_element_type=jnp.float32)


def _score_body(q_ref, k_ref, a_ref, gate_ref, rel_ref, l_ref):
    t = pl.program_id(0)
    q = q_ref[0, 0]
    a_valid = a_ref[...] > 0
    for dt in range(NWIN):
        live = dt <= t
        tp = jnp.maximum(t - dt, 0)
        k = k_ref[pl.ds(tp, 1), dt, 0][0]
        s = jax.lax.dot_general(q, k, (((1,), (1,)), ((), ())),
                                preferred_element_type=jnp.float32) * SCALE
        s = s + rel_ref[0, dt]
        col_bias = gate_ref[pl.ds(tp, 1)][0]
        s = s + col_bias[None, :]
        ch = jnp.where(a_valid & live, s, NEG)
        for kk in range(4):
            l_ref[0, dt * 4 + kk] = ch[:, kk * 128:(kk + 1) * 128]


def _finish_body(l_ref, v_ref, a_ref, th_ref, out_ref):
    t = pl.program_id(0)
    a_valid = a_ref[...] > 0
    thresh = th_ref[0, 0, 0][:, None]
    chunks = []
    mx = jnp.full((N, 1), NEG, jnp.float32)
    for dt in range(NWIN):
        l_dt = jnp.concatenate([l_ref[0, dt * 4 + kk] for kk in range(4)],
                               axis=1)
        keep = (l_dt >= thresh) & a_valid & (dt <= t)
        chunks.append((l_dt, keep))
        mx = jnp.maximum(
            mx, jnp.max(jnp.where(keep, l_dt, NEG), axis=1, keepdims=True))
    es = []
    denom = jnp.zeros((N, 1), jnp.float32)
    for dt in range(NWIN):
        l_dt, keep = chunks[dt]
        e = jnp.where(keep, jnp.exp(l_dt - mx), 0.0)
        es.append(e)
        denom = denom + jnp.sum(e, axis=1, keepdims=True)
    inv = 1.0 / jnp.maximum(denom, 1e-12)
    acc = jnp.zeros((N, D_HEAD), jnp.float32)
    for dt in range(NWIN):
        v_tp = v_ref[pl.ds(jnp.maximum(t - dt, 0), 1), 0][0]
        acc = acc + jax.lax.dot(es[dt] * inv, v_tp,
                                preferred_element_type=jnp.float32)
    out_ref[0, 0] = acc


def _sc_thresh_body(src_hbm, dst_hbm, l_hbm, out_hbm,
                    srcb, dstb, flags, nbr, cand, deg_s,
                    idxb, valb, outrow, sem0, sem1):
    wid = lax.axis_index("s") * NC + lax.axis_index("c")
    lo = wid * DPT
    iota = jnp.arange(VL, dtype=jnp.int32)
    ones = jnp.ones((VL,), jnp.int32)

    pltpu.sync_copy(src_hbm, srcb)
    pltpu.sync_copy(dst_hbm, dstb)

    def zero(c, _):
        flags[pl.ds(c * VL, VL)] = jnp.zeros((VL,), jnp.int32)
        return 0
    lax.fori_loop(0, DPT * N // VL, zero, 0)

    def scan(c, _):
        s = srcb[pl.ds(c * VL, VL)]
        d = dstb[pl.ds(c * VL, VL)]
        m = (d >= lo) & (d < lo + DPT)
        idx = jnp.where(m, (d - lo) * N + s, 0)
        plsc.store_scatter(flags, [idx], ones, mask=m)
        return 0
    lax.fori_loop(0, E // VL, scan, 0)

    def per_dst(dl, _):
        def per_chunk(c, base):
            f = flags[pl.ds(dl * N + c * VL, VL)]
            m = f > 0
            cs = plsc.cumsum(jnp.where(m, 1, 0))
            pos = dl * N + base + cs - 1
            plsc.store_scatter(nbr, [pos], c * VL + iota, mask=m)
            return base + plsc.all_reduce_population_count(m)
        base = lax.fori_loop(0, N // VL, per_chunk,
                             jnp.zeros((VL,), jnp.int32))
        deg_s[dl] = jnp.max(base)
        return 0
    lax.fori_loop(0, DPT, per_dst, 0)

    def process_dst(dl, _):
        deg = deg_s[dl]
        cnt = NWIN * deg
        kdma = (cnt + CH - 1) // CH
        nch = kdma * (CH // VL)
        dsafe = jnp.maximum(deg, 1)

        def mk(c, _):
            lanes = c * VL + iota
            dt = jnp.minimum(lanes // dsafe, NWIN - 1)
            nn = lanes - dt * dsafe
            valid = lanes < cnt
            j = plsc.load_gather(nbr, [dl * N + nn], mask=valid)
            j = jnp.where(valid, j, 0)
            cand[pl.ds(c * VL, VL)] = (
                (dt * 4 + (j >> 7)) * (N * 128) + (j & 127))
            return 0
        lax.fori_loop(0, nch, mk, 0)

        def issue_p(u, par, sem):
            roff = u * (NWIN * 4 * N * 128) + (lo + dl) * 128

            def bld(c, _):
                idxb[par, pl.ds(c * VL, VL)] = (
                    cand[pl.ds(c * VL, VL)] + roff)
                return 0
            lax.fori_loop(0, nch, bld, 0)

            def fire(k2, _):
                pltpu.async_copy(
                    l_hbm.at[idxb.at[par, pl.ds(k2 * CH, CH)]],
                    valb.at[par, pl.ds(k2 * CH, CH)], sem)
                return 0
            lax.fori_loop(0, kdma, fire, 0)

        def drain(par, sem):
            def dr(k2, _):
                pltpu.make_async_copy(
                    l_hbm.at[idxb.at[par, pl.ds(k2 * CH, CH)]],
                    valb.at[par, pl.ds(k2 * CH, CH)], sem).wait()
                return 0
            lax.fori_loop(0, kdma, dr, 0)

        def select_store(u, pstat):
            def sel(c, run):
                lanes = c * VL + iota
                v = valb[pstat, pl.ds(c * VL, VL)]
                v = jnp.where(lanes < cnt, v, NEG)
                s = jnp.sort(v)
                merged = jnp.maximum(run, lax.rev(s, dimensions=(0,)))
                return jnp.sort(merged)
            run = lax.fori_loop(0, nch, sel,
                                jnp.full((VL,), NEG, jnp.float32))
            thresh = jnp.min(run)
            plsc.store_scatter(outrow, [jnp.full((VL,), u, jnp.int32)],
                               jnp.full((VL,), thresh, jnp.float32),
                               mask=iota == 0)

        @pl.when(cnt > 0)
        def _():
            issue_p(0, 0, sem0)

        def unit(u, _):
            par = lax.rem(u, 2)

            @pl.when(par == 0)
            def _():
                @pl.when((u + 1 < TH) & (cnt > 0))
                def _():
                    issue_p(u + 1, 1, sem1)

                @pl.when(cnt > 0)
                def _():
                    drain(0, sem0)
                select_store(u, 0)

            @pl.when(par == 1)
            def _():
                @pl.when((u + 1 < TH) & (cnt > 0))
                def _():
                    issue_p(u + 1, 0, sem0)

                @pl.when(cnt > 0)
                def _():
                    drain(1, sem1)
                select_store(u, 1)
            return 0
        lax.fori_loop(0, TH, unit, 0)

        pltpu.sync_copy(outrow, out_hbm.at[lo + dl])
        return 0
    lax.fori_loop(0, DPT, process_dst, 0)


@jax.jit
def kernel(H_tilde, S, edge_index, time_idx, W_q, W_k, W_v):
    del time_idx
    dts = jnp.arange(NWIN, dtype=jnp.float32)
    decays = jnp.stack([jnp.exp(-dts / tau) for tau in TAUS], axis=-1)
    freqs = 1.0 / (10000.0 ** (jnp.arange(NFREQ, dtype=jnp.float32) / NFREQ))
    ang = dts[:, None] * freqs[None, :]
    pe_table = jnp.concatenate([decays, jnp.sin(ang), jnp.cos(ang)], axis=-1)
    rel_bias = -jnp.log1p(dts)

    hf = H_tilde.reshape(T * N, D_IN)
    q_flat, v_flat = pl.pallas_call(
        _proj_body,
        out_shape=[jax.ShapeDtypeStruct((T * N, D), jnp.float32)] * 2,
    )(hf, W_q, W_v)

    k_all = pl.pallas_call(
        _kproj_body,
        grid=(T, NWIN),
        in_specs=[
            pl.BlockSpec((1, N, D_IN), lambda tp, dt: (tp, 0, 0)),
            pl.BlockSpec((NWIN, D_PE), lambda tp, dt: (0, 0)),
            pl.BlockSpec((D_IN + D_PE, D), lambda tp, dt: (0, 0)),
        ],
        out_specs=pl.BlockSpec((1, 1, N, D), lambda tp, dt: (tp, dt, 0, 0)),
        out_shape=jax.ShapeDtypeStruct((T, NWIN, N, D), jnp.float32),
    )(H_tilde, pe_table, W_k)

    rel_b = jnp.broadcast_to(rel_bias[None, :], (1, NWIN))
    qh = q_flat.reshape(T, N, HEADS, D_HEAD).transpose(0, 2, 1, 3)
    kh = k_all.reshape(T, NWIN, N, HEADS, D_HEAD).transpose(0, 1, 3, 2, 4)
    vh = v_flat.reshape(T, N, HEADS, D_HEAD).transpose(0, 2, 1, 3)

    a_dense = jnp.zeros((N, N), jnp.float32).at[
        edge_index[1], edge_index[0]].set(1.0)
    gate_log = jnp.log(jnp.clip(S, 0.0, 1.0) + 1e-6)

    l_dense = pl.pallas_call(
        _score_body,
        grid=(T, HEADS),
        in_specs=[
            pl.BlockSpec((1, 1, N, D_HEAD), lambda t, h: (t, h, 0, 0)),
            pl.BlockSpec((T, NWIN, 1, N, D_HEAD), lambda t, h: (0, 0, h, 0, 0)),
            pl.BlockSpec((N, N), lambda t, h: (0, 0)),
            pl.BlockSpec((T, N), lambda t, h: (0, 0)),
            pl.BlockSpec((1, NWIN), lambda t, h: (0, 0)),
        ],
        out_specs=pl.BlockSpec((1, NWIN * 4, N, 128),
                               lambda t, h: (t * HEADS + h, 0, 0, 0)),
        out_shape=jax.ShapeDtypeStruct((TH, NWIN * 4, N, 128), jnp.float32),
    )(qh, kh, a_dense, gate_log, rel_b)

    mesh = plsc.VectorSubcoreMesh(core_axis_name="c", subcore_axis_name="s")
    thr = pl.kernel(
        _sc_thresh_body,
        out_type=jax.ShapeDtypeStruct((N, TH), jnp.float32),
        mesh=mesh,
        compiler_params=pltpu.CompilerParams(needs_layout_passes=False),
        scratch_types=[
            pltpu.VMEM((E,), jnp.int32),
            pltpu.VMEM((E,), jnp.int32),
            pltpu.VMEM((DPT * N,), jnp.int32),
            pltpu.VMEM((DPT * N,), jnp.int32),
            pltpu.VMEM((CAND_MAX,), jnp.int32),
            pltpu.SMEM((DPT,), jnp.int32),
            pltpu.VMEM((NBUF, CAND_MAX), jnp.int32),
            pltpu.VMEM((NBUF, CAND_MAX), jnp.float32),
            pltpu.VMEM((TH,), jnp.float32),
            pltpu.SemaphoreType.DMA,
            pltpu.SemaphoreType.DMA,
        ],
    )(edge_index[0], edge_index[1], l_dense.reshape(TH * NWIN * 4 * N * 128))

    thr_thn = thr.transpose(1, 0).reshape(T, HEADS, 1, N)

    out = pl.pallas_call(
        _finish_body,
        grid=(T, HEADS),
        in_specs=[
            pl.BlockSpec((1, NWIN * 4, N, 128),
                         lambda t, h: (t * HEADS + h, 0, 0, 0)),
            pl.BlockSpec((T, 1, N, D_HEAD), lambda t, h: (0, h, 0, 0)),
            pl.BlockSpec((N, N), lambda t, h: (0, 0)),
            pl.BlockSpec((1, 1, 1, N), lambda t, h: (t, h, 0, 0)),
        ],
        out_specs=pl.BlockSpec((1, 1, N, D_HEAD), lambda t, h: (t, h, 0, 0)),
        out_shape=jax.ShapeDtypeStruct((T, HEADS, N, D_HEAD), jnp.float32),
    )(l_dense, vh, a_dense, thr_thn)

    return out.transpose(0, 2, 1, 3).reshape(T, N, D)

# --- scband reference (transcript-rebuilt; emitter-appended) ---
"""Pipeline reference for scband-spiking-temporal-attention-1314259992786 (READ-ONLY COPY).

The authoritative reference and input builder live on the scoring server;
editing this copy changes nothing except your own understanding.
"""

import jax, jax.numpy as jnp
import numpy as np

T = 8; N = 512; D_IN = 256; D = 256; HEADS = 8; D_HEAD = 32
WWIN = 4; TOPK = 16; TEMP = 1.0; E = 8192
TAUS = (4.0, 16.0); NFREQ = 3; D_PE = len(TAUS) + 2 * NFREQ
SCALE = D_HEAD ** (-0.5)


def _xavier(key, fan_in, fan_out):
    a = float(np.sqrt(6.0 / (fan_in + fan_out)))
    return jax.random.uniform(key, (fan_in, fan_out), jnp.float32, -a, a)


def _rel_enc(W):
    # RelativeTimeEncoding: exponential decays per tau + sin/cos frequencies; rel_bias = -log(1+dt)
    dts = jnp.arange(W + 1, dtype=jnp.float32)
    decays = jnp.stack([jnp.exp(-dts / t) for t in TAUS], axis=-1)          # [W+1, 2]
    freqs = 1.0 / (10000.0 ** (jnp.arange(NFREQ, dtype=jnp.float32) / NFREQ))
    ang = dts[:, None] * freqs[None, :]
    pe = jnp.concatenate([decays, jnp.sin(ang), jnp.cos(ang)], axis=-1)     # [W+1, D_PE]
    rel_bias = -jnp.log1p(dts)                                              # [W+1]
    return pe, rel_bias


def _masked_topk_softmax(logits, mask, k, temperature):
    NEG = -1e9
    l = jnp.where(mask, logits / temperature, NEG)
    topv = jax.lax.top_k(l, k)[0]
    thresh = topv[..., -1:]
    keep = (l >= thresh) & mask
    m = jnp.max(jnp.where(keep, l, NEG), axis=-1, keepdims=True)
    e = jnp.where(keep, jnp.exp(l - m), 0.0)
    denom = jnp.sum(e, axis=-1, keepdims=True)
    return e / jnp.maximum(denom, 1e-12)


def setup_inputs(seed: int = 0):
    key = jax.random.key(seed)
    ks = jax.random.split(key, 8)
    H_tilde = jax.random.normal(ks[0], (T, N, D_IN), jnp.float32)
    S = jax.random.uniform(ks[1], (T, N), jnp.float32)
    edge_index = jax.random.randint(ks[2], (2, E), 0, N)
    time_idx = jnp.arange(T)
    W_q = _xavier(ks[3], D_IN, D)
    W_k = _xavier(ks[4], D_IN + D_PE, D)
    W_v = _xavier(ks[5], D_IN, D)
    return {"H_tilde": H_tilde, "S": S, "edge_index": edge_index,
            "time_idx": time_idx, "W_q": W_q, "W_k": W_k, "W_v": W_v}


def reference(H_tilde, S, edge_index, time_idx, W_q, W_k, W_v):
    # dense adjacency: A[i, j] = True means edge j -> i
    A = jnp.zeros((N, N), dtype=bool).at[edge_index[1], edge_index[0]].set(True)
    pe_table, rel_bias = _rel_enc(WWIN)
    Q_all = H_tilde @ W_q   # [T, N, D]
    V_all = H_tilde @ W_v   # [T, N, D]
    eps_gate = 1e-6
    M_list = []
    for t in range(T):
        W_eff = min(WWIN, t)
        Q_t = Q_all[t].reshape(N, HEADS, D_HEAD).transpose(1, 0, 2)  # [H, N, dh]
        logits_chunks = []; mask_chunks = []; V_chunks = []; gate_chunks = []
        for dt in range(W_eff + 1):
            tp = t - dt
            pe = pe_table[dt]
            pe_expand = jnp.broadcast_to(pe[None, :], (N, D_PE))
            K_in = jnp.concatenate([H_tilde[tp], pe_expand], axis=-1)
            K_tp = (K_in @ W_k).reshape(N, HEADS, D_HEAD).transpose(1, 0, 2)
            V_tp = V_all[tp].reshape(N, HEADS, D_HEAD).transpose(1, 0, 2)
            scores = jnp.einsum('hid,hjd->hij', Q_t, K_tp) * SCALE + rel_bias[dt]
            gate_j = jnp.clip(S[tp], 0.0, 1.0)
            gate_chunks.append(jnp.log(gate_j + eps_gate)[None, None, :])
            logits_chunks.append(scores)
            mask_chunks.append(jnp.broadcast_to(A[None, :, :], (HEADS, N, N)))
            V_chunks.append(V_tp)
        logits_flat = jnp.concatenate(logits_chunks, axis=2)
        mask_flat = jnp.concatenate(mask_chunks, axis=2)
        gate_log_flat = jnp.concatenate(
            [jnp.broadcast_to(g, (HEADS, N, g.shape[-1])) for g in gate_chunks], axis=2)
        logits_flat = logits_flat + gate_log_flat
        k_eff = min(TOPK, logits_flat.shape[-1])
        probs = _masked_topk_softmax(logits_flat, mask_flat, k_eff, TEMP)
        probs = jnp.nan_to_num(probs, nan=0.0)
        V_cat = jnp.concatenate(V_chunks, axis=1)
        msg_h = jnp.einsum('hni,hid->hnd', probs, V_cat)
        M_list.append(msg_h.transpose(1, 0, 2).reshape(N, D))
    return jnp.stack(M_list, axis=0)

if __name__ == "__main__":
    import jax
    _d = setup_inputs()
    print(jax.jit(kernel)(*tuple(_d.values())))

</pallas_src>

<mosaic_0001>
#map = affine_map<(d0, d1) -> (0)>
#map1 = affine_map<(d0, d1) -> (0, 0)>
module attributes {stable_mosaic.version = 14 : i64} {
  func.func @_sc_thresh_body(%arg0: i32, %arg1: i32, %arg2: memref<8192xi32, #tpu.memory_space<hbm>>, %arg3: memref<8192xi32, #tpu.memory_space<hbm>>, %arg4: memref<83886080xf32, #tpu.memory_space<hbm>>, %arg5: memref<512x64xf32, #tpu.memory_space<hbm>>, %arg6: memref<8192xi32, #tpu.memory_space<vmem>>, %arg7: memref<8192xi32, #tpu.memory_space<vmem>>, %arg8: memref<8192xi32, #tpu.memory_space<vmem>>, %arg9: memref<8192xi32, #tpu.memory_space<vmem>>, %arg10: memref<2560xi32, #tpu.memory_space<vmem>>, %arg11: memref<16xi32, #tpu.memory_space<smem>>, %arg12: memref<2x2560xi32, #tpu.memory_space<vmem>>, %arg13: memref<2x2560xf32, #tpu.memory_space<vmem>>, %arg14: memref<64xf32, #tpu.memory_space<vmem>>, %arg15: memref<!tpu.dma_semaphore, #tpu.memory_space<semaphore_mem>>, %arg16: memref<!tpu.dma_semaphore, #tpu.memory_space<semaphore_mem>>) attributes {dimension_semantics = [#tpu.dimension_semantics<core_parallel>, #tpu.dimension_semantics<subcore_parallel>], iteration_bounds = array<i64: 2, 16>, scalar_prefetch = 0 : i64, scratch_operands = 11 : i64, tpu.core_type = #tpu.core_type<sc_vector_subcore>, window_params = [{transform_indices = #map}, {transform_indices = #map}, {transform_indices = #map}, {transform_indices = #map1}]} {
    %mul3A = arith.constant 2 : i32
    %mul3A_0 = arith.muli %arg1, %mul3A : i32
    %add3A = arith.addi %mul3A_0, %arg0 : i32
    %mul3A_1 = arith.constant 16 : i32
    %mul3A_2 = arith.muli %add3A, %mul3A_1 : i32
    %iota3A = tpu.iota {dimensions = array<i32: 0>} : vector<16xi32>
    %broadcast_in_dim3A = arith.constant 1 : i32
    %broadcast_in_dim3A_3 = vector.broadcast %broadcast_in_dim3A : i32 to vector<16xi32>
    "tpu.region"() ({
      %run_scoped3A = tpu.sem_alloc : memref<!tpu.dma_semaphore, #tpu.memory_space<semaphore_mem>>
      tpu.enqueue_dma source(%arg2 : memref<8192xi32, #tpu.memory_space<hbm>>) target(%arg6 : memref<8192xi32, #tpu.memory_space<vmem>>) target_semaphore(%run_scoped3A : memref<!tpu.dma_semaphore, #tpu.memory_space<semaphore_mem>>)
      tpu.wait_dma2 semaphore(%run_scoped3A : memref<!tpu.dma_semaphore, #tpu.memory_space<semaphore_mem>>) src(%arg2 : memref<8192xi32, #tpu.memory_space<hbm>>) dst(%arg6 : memref<8192xi32, #tpu.memory_space<vmem>>)
      tpu.yield
    }) : () -> ()
    "tpu.region"() ({
      %run_scoped3A = tpu.sem_alloc : memref<!tpu.dma_semaphore, #tpu.memory_space<semaphore_mem>>
      tpu.enqueue_dma source(%arg3 : memref<8192xi32, #tpu.memory_space<hbm>>) target(%arg7 : memref<8192xi32, #tpu.memory_space<vmem>>) target_semaphore(%run_scoped3A : memref<!tpu.dma_semaphore, #tpu.memory_space<semaphore_mem>>)
      tpu.wait_dma2 semaphore(%run_scoped3A : memref<!tpu.dma_semaphore, #tpu.memory_space<semaphore_mem>>) src(%arg3 : memref<8192xi32, #tpu.memory_space<hbm>>) dst(%arg7 : memref<8192xi32, #tpu.memory_space<vmem>>)
      tpu.yield
    }) : () -> ()
    %scan3A = arith.constant 0 : i32
    %scan3A_4 = arith.constant 0 : i32
    %scan3A_5 = arith.constant 512 : i32
    %scan3A_6 = arith.addi %scan3A_4, %scan3A_5 : i32
    %scan3A_7 = arith.constant 1 : i32
    %scan3A_8 = scf.for %scan3A_31 = %scan3A_4 to %scan3A_6 step %scan3A_7 iter_args(%scan3A_32 = %scan3A) -> (i32)  : i32 {
      %broadcast_in_dim3A_33 = arith.constant 0 : i32
      %broadcast_in_dim3A_34 = vector.broadcast %broadcast_in_dim3A_33 : i32 to vector<16xi32>
      %mul3A_35 = arith.constant 16 : i32
      %mul3A_36 = arith.muli %scan3A_31, %mul3A_35 : i32
      %swap3A = arith.index_cast %mul3A_36 : i32 to index
      %swap3A_37 = tpu.vector_load %arg8[%swap3A] {strides = array<i32>} : memref<8192xi32, #tpu.memory_space<vmem>>, vector<16xi32>,
      tpu.vector_store %arg8[%swap3A], %broadcast_in_dim3A_34 {strides = array<i32>} : memref<8192xi32, #tpu.memory_space<vmem>>, vector<16xi32>,
      %scan3A_38 = arith.constant 0 : i32
      scf.yield %scan3A_38 : i32
    }
    %scan3A_9 = arith.constant 512 : i32
    %scan3A_10 = arith.constant 0 : i32
    %scan3A_11 = arith.constant 0 : i32
    %scan3A_12 = arith.constant 512 : i32
    %scan3A_13 = arith.addi %scan3A_11, %scan3A_12 : i32
    %scan3A_14 = arith.constant 1 : i32
    %scan3A_15 = scf.for %scan3A_31 = %scan3A_11 to %scan3A_13 step %scan3A_14 iter_args(%scan3A_32 = %scan3A_10) -> (i32)  : i32 {
      %mul3A_33 = arith.constant 16 : i32
      %mul3A_34 = arith.muli %scan3A_31, %mul3A_33 : i32
      %get3A = arith.index_cast %mul3A_34 : i32 to index
      %get3A_35 = tpu.vector_load %arg6[%get3A] {strides = array<i32>} : memref<8192xi32, #tpu.memory_space<vmem>>, vector<16xi32>,
      %mul3A_36 = arith.constant 16 : i32
      %mul3A_37 = arith.muli %scan3A_31, %mul3A_36 : i32
      %get3A_38 = arith.index_cast %mul3A_37 : i32 to index
      %get3A_39 = tpu.vector_load %arg7[%get3A_38] {strides = array<i32>} : memref<8192xi32, #tpu.memory_space<vmem>>, vector<16xi32>,
      %ge3A = vector.broadcast %mul3A_2 : i32 to vector<16xi32>
      %ge3A_40 = arith.cmpi sge, %get3A_39, %ge3A : vector<16xi32>
      %add3A_41 = arith.constant 16 : i32
      %add3A_42 = arith.addi %mul3A_2, %add3A_41 : i32
      %lt3A = vector.broadcast %add3A_42 : i32 to vector<16xi32>
      %lt3A_43 = arith.cmpi slt, %get3A_39, %lt3A : vector<16xi32>
      %and3A = arith.andi %ge3A_40, %lt3A_43 : vector<16xi1>
      %sub3A = vector.broadcast %mul3A_2 : i32 to vector<16xi32>
      %sub3A_44 = arith.subi %get3A_39, %sub3A : vector<16xi32>
      %mul3A_45 = arith.constant 512 : i32
      %mul3A_46 = vector.broadcast %mul3A_45 : i32 to vector<16xi32>
      %mul3A_47 = arith.muli %sub3A_44, %mul3A_46 : vector<16xi32>
      %add3A_48 = arith.addi %mul3A_47, %get3A_35 : vector<16xi32>
      %jit3A = arith.constant 0 : i32
      %broadcast_in_dim3A_49 = vector.broadcast %jit3A : i32 to vector<16xi32>
      %select_n3A = arith.select %and3A, %add3A_48, %broadcast_in_dim3A_49 : vector<16xi1>, vector<16xi32>
      tpu.vector_store_idx %arg8[%select_n3A], %broadcast_in_dim3A_3 masked %and3A : memref<8192xi32, #tpu.memory_space<vmem>>[vector<16xi32>], vector<16xi32>, vector<16xi1>
      %scan3A_50 = arith.constant 0 : i32
      scf.yield %scan3A_50 : i32
    }
    %scan3A_16 = arith.constant 512 : i32
    %scan3A_17 = arith.constant 0 : i32
    %scan3A_18 = arith.constant 0 : i32
    %scan3A_19 = arith.constant 16 : i32
    %scan3A_20 = arith.addi %scan3A_18, %scan3A_19 : i32
    %scan3A_21 = arith.constant 1 : i32
    %scan3A_22 = scf.for %scan3A_31 = %scan3A_18 to %scan3A_20 step %scan3A_21 iter_args(%scan3A_32 = %scan3A_17) -> (i32)  : i32 {
      %broadcast_in_dim3A_33 = arith.constant 0 : i32
      %broadcast_in_dim3A_34 = vector.broadcast %broadcast_in_dim3A_33 : i32 to vector<16xi32>
      %scan3A_35 = arith.constant 0 : i32
      %scan3A_36 = arith.constant 32 : i32
      %scan3A_37 = arith.addi %scan3A_35, %scan3A_36 : i32
      %scan3A_38 = arith.constant 1 : i32
      %scan3A_39 = scf.for %scan3A_50 = %scan3A_35 to %scan3A_37 step %scan3A_38 iter_args(%scan3A_51 = %broadcast_in_dim3A_34) -> (vector<16xi32>)  : i32 {
        %mul3A_52 = arith.constant 512 : i32
        %mul3A_53 = arith.muli %scan3A_31, %mul3A_52 : i32
        %mul3A_54 = arith.constant 16 : i32
        %mul3A_55 = arith.muli %scan3A_50, %mul3A_54 : i32
        %add3A_56 = arith.addi %mul3A_53, %mul3A_55 : i32
        %get3A = arith.index_cast %add3A_56 : i32 to index
        %get3A_57 = tpu.vector_load %arg8[%get3A] {strides = array<i32>} : memref<8192xi32, #tpu.memory_space<vmem>>, vector<16xi32>,
        %gt3A = arith.constant 0 : i32
        %gt3A_58 = vector.broadcast %gt3A : i32 to vector<16xi32>
        %gt3A_59 = arith.cmpi sgt, %get3A_57, %gt3A_58 : vector<16xi32>
        %jit3A = arith.constant 1 : i32
        %jit3A_60 = arith.constant 0 : i32
        %broadcast_in_dim3A_61 = vector.broadcast %jit3A : i32 to vector<16xi32>
        %broadcast_in_dim3A_62 = vector.broadcast %jit3A_60 : i32 to vector<16xi32>
        %select_n3A = arith.select %gt3A_59, %broadcast_in_dim3A_61, %broadcast_in_dim3A_62 : vector<16xi1>, vector<16xi32>
        %broadcast_in_dim3A_63 = arith.constant true
        %broadcast_in_dim3A_64 = vector.broadcast %broadcast_in_dim3A_63 : i1 to vector<16xi1>
        %masked_cumsum3A = tpu.scan <sum>, %select_n3A masked %broadcast_in_dim3A_64 : vector<16xi32>, vector<16xi1> -> vector<16xi32>
        %mul3A_65 = arith.constant 512 : i32
        %mul3A_66 = arith.muli %scan3A_31, %mul3A_65 : i32
        %add3A_67 = vector.broadcast %mul3A_66 : i32 to vector<16xi32>
        %add3A_68 = arith.addi %add3A_67, %scan3A_51 : vector<16xi32>
        %add3A_69 = arith.addi %add3A_68, %masked_cumsum3A : vector<16xi32>
        %sub3A = arith.constant 1 : i32
        %sub3A_70 = vector.broadcast %sub3A : i32 to vector<16xi32>
        %sub3A_71 = arith.subi %add3A_69, %sub3A_70 : vector<16xi32>
        %mul3A_72 = arith.constant 16 : i32
        %mul3A_73 = arith.muli %scan3A_50, %mul3A_72 : i32
        %add3A_74 = vector.broadcast %mul3A_73 : i32 to vector<16xi32>
        %add3A_75 = arith.addi %add3A_74, %iota3A : vector<16xi32>
        tpu.vector_store_idx %arg9[%sub3A_71], %add3A_75 masked %gt3A_59 : memref<8192xi32, #tpu.memory_space<vmem>>[vector<16xi32>], vector<16xi32>, vector<16xi1>
        %all_reduce_population_count3A = tpu.all_reduce %gt3A_59 {dim = 0 : i64, kind = #tpu.reduction_kind<sum>} : vector<16xi1> -> vector<16xi32>
        %add3A_76 = arith.addi %scan3A_51, %all_reduce_population_count3A : vector<16xi32>
        scf.yield %add3A_76 : vector<16xi32>
      }
      %scan3A_40 = arith.constant 32 : i32
      %reduce_max3A = arith.constant true
      %reduce_max3A_41 = vector.broadcast %reduce_max3A : i1 to vector<16xi1>
      %reduce_max3A_42 = arith.constant -2147483648 : i32
      %reduce_max3A_43 = vector.broadcast %reduce_max3A_42 : i32 to vector<16xi32>
      %reduce_max3A_44 = arith.xori %scan3A_39, %reduce_max3A_43 : vector<16xi32>
      %reduce_max3A_45 = tpu.scan <max>, %reduce_max3A_44 masked %reduce_max3A_41 : vector<16xi32>, vector<16xi1> -> vector<16xi32>
      %reduce_max3A_46 = arith.xori %reduce_max3A_45, %reduce_max3A_43 : vector<16xi32>
      %reduce_max3A_47 = vector.extract %reduce_max3A_46[15] : i32 from vector<16xi32>
      %swap3A = arith.index_cast %scan3A_31 : i32 to index
      %swap3A_48 = memref.load %arg11[%swap3A] : memref<16xi32, #tpu.memory_space<smem>>
      memref.store %reduce_max3A_47, %arg11[%swap3A] : memref<16xi32, #tpu.memory_space<smem>>
      %scan3A_49 = arith.constant 0 : i32
      scf.yield %scan3A_49 : i32
    }
    %scan3A_23 = arith.constant 16 : i32
    %scan3A_24 = arith.constant 0 : i32
    %scan3A_25 = arith.constant 0 : i32
    %scan3A_26 = arith.constant 16 : i32
    %scan3A_27 = arith.addi %scan3A_25, %scan3A_26 : i32
    %scan3A_28 = arith.constant 1 : i32
    %scan3A_29 = scf.for %scan3A_31 = %scan3A_25 to %scan3A_27 step %scan3A_28 iter_args(%scan3A_32 = %scan3A_24) -> (i32)  : i32 {
      %get3A = arith.index_cast %scan3A_31 : i32 to index
      %get3A_33 = memref.load %arg11[%get3A] : memref<16xi32, #tpu.memory_space<smem>>
      %mul3A_34 = arith.constant 5 : i32
      %mul3A_35 = arith.muli %mul3A_34, %get3A_33 : i32
      %add3A_36 = arith.constant 64 : i32
      %add3A_37 = arith.addi %mul3A_35, %add3A_36 : i32
      %sub3A = arith.constant 1 : i32
      %sub3A_38 = arith.subi %add3A_37, %sub3A : i32
      %jit3A = arith.constant 64 : i32
      %div3A = arith.divsi %sub3A_38, %jit3A : i32
      %sign3A = arith.constant 0 : i32
      %sign3A_39 = arith.cmpi sgt, %sub3A_38, %sign3A : i32
      %sign3A_40 = arith.extui %sign3A_39 : i1 to i32
      %sign3A_41 = arith.constant 0 : i32
      %sign3A_42 = arith.cmpi slt, %sub3A_38, %sign3A_41 : i32
      %sign3A_43 = arith.extui %sign3A_42 : i1 to i32
      %sign3A_44 = arith.subi %sign3A_40, %sign3A_43 : i32
      %sign3A_45 = arith.constant 0 : i32
      %sign3A_46 = arith.cmpi sgt, %jit3A, %sign3A_45 : i32
      %sign3A_47 = arith.extui %sign3A_46 : i1 to i32
      %sign3A_48 = arith.constant 0 : i32
      %sign3A_49 = arith.cmpi slt, %jit3A, %sign3A_48 : i32
      %sign3A_50 = arith.extui %sign3A_49 : i1 to i32
      %sign3A_51 = arith.subi %sign3A_47, %sign3A_50 : i32
      %ne3A = arith.cmpi ne, %sign3A_44, %sign3A_51 : i32
      %rem3A = arith.remsi %sub3A_38, %jit3A : i32
      %ne3A_52 = arith.constant 0 : i32
      %ne3A_53 = arith.cmpi ne, %rem3A, %ne3A_52 : i32
      %and3A = arith.andi %ne3A, %ne3A_53 : i1
      %sub3A_54 = arith.constant 1 : i32
      %sub3A_55 = arith.subi %div3A, %sub3A_54 : i32
      %select_n3A = arith.select %and3A, %sub3A_55, %div3A : i32
      %mul3A_56 = arith.constant 4 : i32
      %mul3A_57 = arith.muli %select_n3A, %mul3A_56 : i32
      %max3A = arith.constant 1 : i32
      %max3A_58 = arith.maxsi %get3A_33, %max3A : i32
      %while3A = arith.constant 0 : i32
      %while3A_59 = arith.constant 0 : i32
      %while3A_60 = arith.subi %mul3A_57, %while3A : i32
      %while3A_61 = arith.addi %while3A, %while3A_60 : i32
      %while3A_62 = arith.constant 1 : i32
      %while3A_63 = arith.divsi %while3A_60, %while3A_62 : i32
      %while3A_64 = arith.muli %while3A_63, %while3A_62 : i32
      %while3A_65 = arith.addi %while3A, %while3A_64 : i32
      %while3A_66 = arith.constant 1 : i32
      %while3A_67 = scf.for %while3A_81 = %while3A to %while3A_65 step %while3A_66 iter_args(%while3A_82 = %while3A_59) -> (i32)  : i32 {
        %mul3A_83 = arith.constant 16 : i32
        %mul3A_84 = arith.muli %while3A_81, %mul3A_83 : i32
        %add3A_85 = vector.broadcast %mul3A_84 : i32 to vector<16xi32>
        %add3A_86 = arith.addi %add3A_85, %iota3A : vector<16xi32>
        %div3A_87 = vector.broadcast %max3A_58 : i32 to vector<16xi32>
        %div3A_88 = arith.divsi %add3A_86, %div3A_87 : vector<16xi32>
        %sign3A_89 = arith.constant 0 : i32
        %sign3A_90 = vector.broadcast %sign3A_89 : i32 to vector<16xi32>
        %sign3A_91 = arith.cmpi sgt, %add3A_86, %sign3A_90 : vector<16xi32>
        %sign3A_92 = arith.extui %sign3A_91 : vector<16xi1> to vector<16xi32>
        %sign3A_93 = arith.constant 0 : i32
        %sign3A_94 = vector.broadcast %sign3A_93 : i32 to vector<16xi32>
        %sign3A_95 = arith.cmpi slt, %add3A_86, %sign3A_94 : vector<16xi32>
        %sign3A_96 = arith.extui %sign3A_95 : vector<16xi1> to vector<16xi32>
        %sign3A_97 = arith.subi %sign3A_92, %sign3A_96 : vector<16xi32>
        %sign3A_98 = arith.constant 0 : i32
        %sign3A_99 = arith.cmpi sgt, %max3A_58, %sign3A_98 : i32
        %sign3A_100 = arith.extui %sign3A_99 : i1 to i32
        %sign3A_101 = arith.constant 0 : i32
        %sign3A_102 = arith.cmpi slt, %max3A_58, %sign3A_101 : i32
        %sign3A_103 = arith.extui %sign3A_102 : i1 to i32
        %sign3A_104 = arith.subi %sign3A_100, %sign3A_103 : i32
        %ne3A_105 = vector.broadcast %sign3A_104 : i32 to vector<16xi32>
        %ne3A_106 = arith.cmpi ne, %sign3A_97, %ne3A_105 : vector<16xi32>
        %rem3A_107 = vector.broadcast %max3A_58 : i32 to vector<16xi32>
        %rem3A_108 = arith.remsi %add3A_86, %rem3A_107 : vector<16xi32>
        %ne3A_109 = arith.constant 0 : i32
        %ne3A_110 = vector.broadcast %ne3A_109 : i32 to vector<16xi32>
        %ne3A_111 = arith.cmpi ne, %rem3A_108, %ne3A_110 : vector<16xi32>
        %and3A_112 = arith.andi %ne3A_106, %ne3A_111 : vector<16xi1>
        %sub3A_113 = arith.constant 1 : i32
        %sub3A_114 = vector.broadcast %sub3A_113 : i32 to vector<16xi32>
        %sub3A_115 = arith.subi %div3A_88, %sub3A_114 : vector<16xi32>
        %select_n3A_116 = arith.select %and3A_112, %sub3A_115, %div3A_88 : vector<16xi1>, vector<16xi32>
        %min3A = arith.constant 4 : i32
        %min3A_117 = vector.broadcast %min3A : i32 to vector<16xi32>
        %min3A_118 = arith.minsi %select_n3A_116, %min3A_117 : vector<16xi32>
        %mul3A_119 = vector.broadcast %max3A_58 : i32 to vector<16xi32>
        %mul3A_120 = arith.muli %min3A_118, %mul3A_119 : vector<16xi32>
        %sub3A_121 = arith.subi %add3A_86, %mul3A_120 : vector<16xi32>
        %lt3A = vector.broadcast %mul3A_35 : i32 to vector<16xi32>
        %lt3A_122 = arith.cmpi slt, %add3A_86, %lt3A : vector<16xi32>
        %mul3A_123 = arith.constant 512 : i32
        %mul3A_124 = arith.muli %scan3A_31, %mul3A_123 : i32
        %add3A_125 = vector.broadcast %mul3A_124 : i32 to vector<16xi32>
        %add3A_126 = arith.addi %add3A_125, %sub3A_121 : vector<16xi32>
        %gather3A = tpu.vector_load_idx %arg9[%add3A_126] masked %lt3A_122 : memref<8192xi32, #tpu.memory_space<vmem>>[vector<16xi32>], vector<16xi32>, vector<16xi1>
        %jit3A_127 = arith.constant 0 : i32
        %broadcast_in_dim3A_128 = vector.broadcast %jit3A_127 : i32 to vector<16xi32>
        %select_n3A_129 = arith.select %lt3A_122, %gather3A, %broadcast_in_dim3A_128 : vector<16xi1>, vector<16xi32>
        %mul3A_130 = arith.constant 4 : i32
        %mul3A_131 = vector.broadcast %mul3A_130 : i32 to vector<16xi32>
        %mul3A_132 = arith.muli %min3A_118, %mul3A_131 : vector<16xi32>
        %shift_right_arithmetic3A = arith.constant 7 : i32
        %shift_right_arithmetic3A_133 = vector.broadcast %shift_right_arithmetic3A : i32 to vector<16xi32>
        %shift_right_arithmetic3A_134 = arith.shrsi %select_n3A_129, %shift_right_arithmetic3A_133 : vector<16xi32>
        %add3A_135 = arith.addi %mul3A_132, %shift_right_arithmetic3A_134 : vector<16xi32>
        %mul3A_136 = arith.constant 65536 : i32
        %mul3A_137 = vector.broadcast %mul3A_136 : i32 to vector<16xi32>
        %mul3A_138 = arith.muli %add3A_135, %mul3A_137 : vector<16xi32>
        %and3A_139 = arith.constant 127 : i32
        %and3A_140 = vector.broadcast %and3A_139 : i32 to vector<16xi32>
        %and3A_141 = arith.andi %select_n3A_129, %and3A_140 : vector<16xi32>
        %add3A_142 = arith.addi %mul3A_138, %and3A_141 : vector<16xi32>
        %mul3A_143 = arith.constant 16 : i32
        %mul3A_144 = arith.muli %while3A_81, %mul3A_143 : i32
        %swap3A = arith.index_cast %mul3A_144 : i32 to index
        %swap3A_145 = tpu.vector_load %arg10[%swap3A] {strides = array<i32>} : memref<2560xi32, #tpu.memory_space<vmem>>, vector<16xi32>,
        tpu.vector_store %arg10[%swap3A], %add3A_142 {strides = array<i32>} : memref<2560xi32, #tpu.memory_space<vmem>>, vector<16xi32>,
        %while3A_146 = arith.constant 0 : i32
        scf.yield %while3A_146 : i32
      }
      %while3A_68 = arith.constant 1 : i32
      %while3A_69 = scf.for %while3A_81 = %while3A_65 to %while3A_61 step %while3A_68 iter_args(%while3A_82 = %while3A_67) -> (i32)  : i32 {
        %mul3A_83 = arith.constant 16 : i32
        %mul3A_84 = arith.muli %while3A_81, %mul3A_83 : i32
        %add3A_85 = vector.broadcast %mul3A_84 : i32 to vector<16xi32>
        %add3A_86 = arith.addi %add3A_85, %iota3A : vector<16xi32>
        %div3A_87 = vector.broadcast %max3A_58 : i32 to vector<16xi32>
        %div3A_88 = arith.divsi %add3A_86, %div3A_87 : vector<16xi32>
        %sign3A_89 = arith.constant 0 : i32
        %sign3A_90 = vector.broadcast %sign3A_89 : i32 to vector<16xi32>
        %sign3A_91 = arith.cmpi sgt, %add3A_86, %sign3A_90 : vector<16xi32>
        %sign3A_92 = arith.extui %sign3A_91 : vector<16xi1> to vector<16xi32>
        %sign3A_93 = arith.constant 0 : i32
        %sign3A_94 = vector.broadcast %sign3A_93 : i32 to vector<16xi32>
        %sign3A_95 = arith.cmpi slt, %add3A_86, %sign3A_94 : vector<16xi32>
        %sign3A_96 = arith.extui %sign3A_95 : vector<16xi1> to vector<16xi32>
        %sign3A_97 = arith.subi %sign3A_92, %sign3A_96 : vector<16xi32>
        %sign3A_98 = arith.constant 0 : i32
        %sign3A_99 = arith.cmpi sgt, %max3A_58, %sign3A_98 : i32
        %sign3A_100 = arith.extui %sign3A_99 : i1 to i32
        %sign3A_101 = arith.constant 0 : i32
        %sign3A_102 = arith.cmpi slt, %max3A_58, %sign3A_101 : i32
        %sign3A_103 = arith.extui %sign3A_102 : i1 to i32
        %sign3A_104 = arith.subi %sign3A_100, %sign3A_103 : i32
        %ne3A_105 = vector.broadcast %sign3A_104 : i32 to vector<16xi32>
        %ne3A_106 = arith.cmpi ne, %sign3A_97, %ne3A_105 : vector<16xi32>
        %rem3A_107 = vector.broadcast %max3A_58 : i32 to vector<16xi32>
        %rem3A_108 = arith.remsi %add3A_86, %rem3A_107 : vector<16xi32>
        %ne3A_109 = arith.constant 0 : i32
        %ne3A_110 = vector.broadcast %ne3A_109 : i32 to vector<16xi32>
        %ne3A_111 = arith.cmpi ne, %rem3A_108, %ne3A_110 : vector<16xi32>
        %and3A_112 = arith.andi %ne3A_106, %ne3A_111 : vector<16xi1>
        %sub3A_113 = arith.constant 1 : i32
        %sub3A_114 = vector.broadcast %sub3A_113 : i32 to vector<16xi32>
        %sub3A_115 = arith.subi %div3A_88, %sub3A_114 : vector<16xi32>
        %select_n3A_116 = arith.select %and3A_112, %sub3A_115, %div3A_88 : vector<16xi1>, vector<16xi32>
        %min3A = arith.constant 4 : i32
        %min3A_117 = vector.broadcast %min3A : i32 to vector<16xi32>
        %min3A_118 = arith.minsi %select_n3A_116, %min3A_117 : vector<16xi32>
        %mul3A_119 = vector.broadcast %max3A_58 : i32 to vector<16xi32>
        %mul3A_120 = arith.muli %min3A_118, %mul3A_119 : vector<16xi32>
        %sub3A_121 = arith.subi %add3A_86, %mul3A_120 : vector<16xi32>
        %lt3A = vector.broadcast %mul3A_35 : i32 to vector<16xi32>
        %lt3A_122 = arith.cmpi slt, %add3A_86, %lt3A : vector<16xi32>
        %mul3A_123 = arith.constant 512 : i32
        %mul3A_124 = arith.muli %scan3A_31, %mul3A_123 : i32
        %add3A_125 = vector.broadcast %mul3A_124 : i32 to vector<16xi32>
        %add3A_126 = arith.addi %add3A_125, %sub3A_121 : vector<16xi32>
        %gather3A = tpu.vector_load_idx %arg9[%add3A_126] masked %lt3A_122 : memref<8192xi32, #tpu.memory_space<vmem>>[vector<16xi32>], vector<16xi32>, vector<16xi1>
        %jit3A_127 = arith.constant 0 : i32
        %broadcast_in_dim3A_128 = vector.broadcast %jit3A_127 : i32 to vector<16xi32>
        %select_n3A_129 = arith.select %lt3A_122, %gather3A, %broadcast_in_dim3A_128 : vector<16xi1>, vector<16xi32>
        %mul3A_130 = arith.constant 4 : i32
        %mul3A_131 = vector.broadcast %mul3A_130 : i32 to vector<16xi32>
        %mul3A_132 = arith.muli %min3A_118, %mul3A_131 : vector<16xi32>
        %shift_right_arithmetic3A = arith.constant 7 : i32
        %shift_right_arithmetic3A_133 = vector.broadcast %shift_right_arithmetic3A : i32 to vector<16xi32>
        %shift_right_arithmetic3A_134 = arith.shrsi %select_n3A_129, %shift_right_arithmetic3A_133 : vector<16xi32>
        %add3A_135 = arith.addi %mul3A_132, %shift_right_arithmetic3A_134 : vector<16xi32>
        %mul3A_136 = arith.constant 65536 : i32
        %mul3A_137 = vector.broadcast %mul3A_136 : i32 to vector<16xi32>
        %mul3A_138 = arith.muli %add3A_135, %mul3A_137 : vector<16xi32>
        %and3A_139 = arith.constant 127 : i32
        %and3A_140 = vector.broadcast %and3A_139 : i32 to vector<16xi32>
        %and3A_141 = arith.andi %select_n3A_129, %and3A_140 : vector<16xi32>
        %add3A_142 = arith.addi %mul3A_138, %and3A_141 : vector<16xi32>
        %mul3A_143 = arith.constant 16 : i32
        %mul3A_144 = arith.muli %while3A_81, %mul3A_143 : i32
        %swap3A = arith.index_cast %mul3A_144 : i32 to index
        %swap3A_145 = tpu.vector_load %arg10[%swap3A] {strides = array<i32>} : memref<2560xi32, #tpu.memory_space<vmem>>, vector<16xi32>,
        tpu.vector_store %arg10[%swap3A], %add3A_142 {strides = array<i32>} : memref<2560xi32, #tpu.memory_space<vmem>>, vector<16xi32>,
        %while3A_146 = arith.constant 0 : i32
        scf.yield %while3A_146 : i32
      }
      %gt3A = arith.constant 0 : i32
      %gt3A_70 = arith.cmpi sgt, %mul3A_35, %gt3A : i32
      %convert_element_type3A = arith.extui %gt3A_70 : i1 to i32
      %cond3A = arith.constant 0 : i32
      %cond3A_71 = arith.cmpi ne, %convert_element_type3A, %cond3A : i32
      scf.if %cond3A_71 {
        %add3A_81 = arith.addi %mul3A_2, %scan3A_31 : i32
        %mul3A_82 = arith.constant 128 : i32
        %mul3A_83 = arith.muli %add3A_81, %mul3A_82 : i32
        %add3A_84 = arith.constant 0 : i32
        %add3A_85 = arith.addi %add3A_84, %mul3A_83 : i32
        %while3A_86 = arith.constant 0 : i32
        %while3A_87 = arith.constant 0 : i32
        %while3A_88 = arith.subi %mul3A_57, %while3A_86 : i32
        %while3A_89 = arith.addi %while3A_86, %while3A_88 : i32
        %while3A_90 = arith.constant 1 : i32
        %while3A_91 = arith.divsi %while3A_88, %while3A_90 : i32
        %while3A_92 = arith.muli %while3A_91, %while3A_90 : i32
        %while3A_93 = arith.addi %while3A_86, %while3A_92 : i32
        %while3A_94 = arith.constant 1 : i32
        %while3A_95 = scf.for %while3A_110 = %while3A_86 to %while3A_93 step %while3A_94 iter_args(%while3A_111 = %while3A_87) -> (i32)  : i32 {
          %mul3A_112 = arith.constant 16 : i32
          %mul3A_113 = arith.muli %while3A_110, %mul3A_112 : i32
          %get3A_114 = arith.index_cast %mul3A_113 : i32 to index
          %get3A_115 = tpu.vector_load %arg10[%get3A_114] {strides = array<i32>} : memref<2560xi32, #tpu.memory_space<vmem>>, vector<16xi32>,
          %add3A_116 = vector.broadcast %add3A_85 : i32 to vector<16xi32>
          %add3A_117 = arith.addi %get3A_115, %add3A_116 : vector<16xi32>
          %mul3A_118 = arith.constant 16 : i32
          %mul3A_119 = arith.muli %while3A_110, %mul3A_118 : i32
          %swap3A = arith.constant 0 : i32
          %swap3A_120 = arith.index_cast %swap3A : i32 to index
          %swap3A_121 = arith.index_cast %mul3A_119 : i32 to index
          %swap3A_122 = tpu.vector_load %arg12[%swap3A_120, %swap3A_121] {strides = array<i32>} : memref<2x2560xi32, #tpu.memory_space<vmem>>, vector<16xi32>,
          tpu.vector_store %arg12[%swap3A_120, %swap3A_121], %add3A_117 {strides = array<i32>} : memref<2x2560xi32, #tpu.memory_space<vmem>>, vector<16xi32>,
          %while3A_123 = arith.constant 0 : i32
          scf.yield %while3A_123 : i32
        }
        %while3A_96 = arith.constant 1 : i32
        %while3A_97 = scf.for %while3A_110 = %while3A_93 to %while3A_89 step %while3A_96 iter_args(%while3A_111 = %while3A_95) -> (i32)  : i32 {
          %mul3A_112 = arith.constant 16 : i32
          %mul3A_113 = arith.muli %while3A_110, %mul3A_112 : i32
          %get3A_114 = arith.index_cast %mul3A_113 : i32 to index
          %get3A_115 = tpu.vector_load %arg10[%get3A_114] {strides = array<i32>} : memref<2560xi32, #tpu.memory_space<vmem>>, vector<16xi32>,
          %add3A_116 = vector.broadcast %add3A_85 : i32 to vector<16xi32>
          %add3A_117 = arith.addi %get3A_115, %add3A_116 : vector<16xi32>
          %mul3A_118 = arith.constant 16 : i32
          %mul3A_119 = arith.muli %while3A_110, %mul3A_118 : i32
          %swap3A = arith.constant 0 : i32
          %swap3A_120 = arith.index_cast %swap3A : i32 to index
          %swap3A_121 = arith.index_cast %mul3A_119 : i32 to index
          %swap3A_122 = tpu.vector_load %arg12[%swap3A_120, %swap3A_121] {strides = array<i32>} : memref<2x2560xi32, #tpu.memory_space<vmem>>, vector<16xi32>,
          tpu.vector_store %arg12[%swap3A_120, %swap3A_121], %add3A_117 {strides = array<i32>} : memref<2x2560xi32, #tpu.memory_space<vmem>>, vector<16xi32>,
          %while3A_123 = arith.constant 0 : i32
          scf.yield %while3A_123 : i32
        }
        %while3A_98 = arith.constant 0 : i32
        %while3A_99 = arith.constant 0 : i32
        %while3A_100 = arith.subi %select_n3A, %while3A_98 : i32
        %while3A_101 = arith.addi %while3A_98, %while3A_100 : i32
        %while3A_102 = arith.constant 1 : i32
        %while3A_103 = arith.divsi %while3A_100, %while3A_102 : i32
        %while3A_104 = arith.muli %while3A_103, %while3A_102 : i32
        %while3A_105 = arith.addi %while3A_98, %while3A_104 : i32
        %while3A_106 = arith.constant 1 : i32
        %while3A_107 = scf.for %while3A_110 = %while3A_98 to %while3A_105 step %while3A_106 iter_args(%while3A_111 = %while3A_99) -> (i32)  : i32 {
          %mul3A_112 = arith.constant 64 : i32
          %mul3A_113 = arith.muli %while3A_110, %mul3A_112 : i32
          %mul3A_114 = arith.constant 64 : i32
          %mul3A_115 = arith.muli %while3A_110, %mul3A_114 : i32
          %dma_start3A = arith.constant 0 : i32
          %dma_start3A_116 = arith.constant 0 : i32
          %dma_start3A_117 = tpu.memref_slice %arg13[%dma_start3A_116, %mul3A_115] : memref<2x2560xf32, #tpu.memory_space<vmem>> -> memref<1x64xf32, #tpu.memory_space<vmem>>
          %dma_start3A_118 = tpu.memref_squeeze %dma_start3A_117 : memref<1x64xf32, #tpu.memory_space<vmem>> -> memref<64xf32, #tpu.memory_space<vmem>>
          %dma_start3A_119 = tpu.memref_slice %arg12[%dma_start3A, %mul3A_113] : memref<2x2560xi32, #tpu.memory_space<vmem>> -> memref<1x64xi32, #tpu.memory_space<vmem>>
          %dma_start3A_120 = tpu.memref_squeeze %dma_start3A_119 : memref<1x64xi32, #tpu.memory_space<vmem>> -> memref<64xi32, #tpu.memory_space<vmem>>
          %dma_start3A_121 = arith.constant 0 : i32
          %dma_start3A_122 = tpu.memref_slice %arg4[%dma_start3A_121] : memref<83886080xf32, #tpu.memory_space<hbm>> -> memref<83886080xf32, #tpu.memory_space<hbm>>
          tpu.enqueue_indirect_dma source(%dma_start3A_122 : memref<83886080xf32, #tpu.memory_space<hbm>>) target(%dma_start3A_118 : memref<64xf32, #tpu.memory_space<vmem>>) offsets(%dma_start3A_120 : memref<64xi32, #tpu.memory_space<vmem>>) semaphore(%arg15 : memref<!tpu.dma_semaphore, #tpu.memory_space<semaphore_mem>>)
          %while3A_123 = arith.constant 0 : i32
          scf.yield %while3A_123 : i32
        }
        %while3A_108 = arith.constant 1 : i32
        %while3A_109 = scf.for %while3A_110 = %while3A_105 to %while3A_101 step %while3A_108 iter_args(%while3A_111 = %while3A_107) -> (i32)  : i32 {
          %mul3A_112 = arith.constant 64 : i32
          %mul3A_113 = arith.muli %while3A_110, %mul3A_112 : i32
          %mul3A_114 = arith.constant 64 : i32
          %mul3A_115 = arith.muli %while3A_110, %mul3A_114 : i32
          %dma_start3A = arith.constant 0 : i32
          %dma_start3A_116 = arith.constant 0 : i32
          %dma_start3A_117 = tpu.memref_slice %arg13[%dma_start3A_116, %mul3A_115] : memref<2x2560xf32, #tpu.memory_space<vmem>> -> memref<1x64xf32, #tpu.memory_space<vmem>>
          %dma_start3A_118 = tpu.memref_squeeze %dma_start3A_117 : memref<1x64xf32, #tpu.memory_space<vmem>> -> memref<64xf32, #tpu.memory_space<vmem>>
          %dma_start3A_119 = tpu.memref_slice %arg12[%dma_start3A, %mul3A_113] : memref<2x2560xi32, #tpu.memory_space<vmem>> -> memref<1x64xi32, #tpu.memory_space<vmem>>
          %dma_start3A_120 = tpu.memref_squeeze %dma_start3A_119 : memref<1x64xi32, #tpu.memory_space<vmem>> -> memref<64xi32, #tpu.memory_space<vmem>>
          %dma_start3A_121 = arith.constant 0 : i32
          %dma_start3A_122 = tpu.memref_slice %arg4[%dma_start3A_121] : memref<83886080xf32, #tpu.memory_space<hbm>> -> memref<83886080xf32, #tpu.memory_space<hbm>>
          tpu.enqueue_indirect_dma source(%dma_start3A_122 : memref<83886080xf32, #tpu.memory_space<hbm>>) target(%dma_start3A_118 : memref<64xf32, #tpu.memory_space<vmem>>) offsets(%dma_start3A_120 : memref<64xi32, #tpu.memory_space<vmem>>) semaphore(%arg15 : memref<!tpu.dma_semaphore, #tpu.memory_space<semaphore_mem>>)
          %while3A_123 = arith.constant 0 : i32
          scf.yield %while3A_123 : i32
        }
      } else {
      }
      %scan3A_72 = arith.constant 0 : i32
      %scan3A_73 = arith.constant 0 : i32
      %scan3A_74 = arith.constant 64 : i32
      %scan3A_75 = arith.addi %scan3A_73, %scan3A_74 : i32
      %scan3A_76 = arith.constant 1 : i32
      %scan3A_77 = scf.for %scan3A_81 = %scan3A_73 to %scan3A_75 step %scan3A_76 iter_args(%scan3A_82 = %scan3A_72) -> (i32)  : i32 {
        %rem3A_83 = arith.constant 2 : i32
        %rem3A_84 = arith.remsi %scan3A_81, %rem3A_83 : i32
        %eq3A = arith.constant 0 : i32
        %eq3A_85 = arith.cmpi eq, %rem3A_84, %eq3A : i32
        %convert_element_type3A_86 = arith.extui %eq3A_85 : i1 to i32
        %cond3A_87 = arith.constant 0 : i32
        %cond3A_88 = arith.cmpi ne, %convert_element_type3A_86, %cond3A_87 : i32
        scf.if %cond3A_88 {
          %add3A_95 = arith.constant 1 : i32
          %add3A_96 = arith.addi %scan3A_81, %add3A_95 : i32
          %lt3A = arith.constant 64 : i32
          %lt3A_97 = arith.cmpi slt, %add3A_96, %lt3A : i32
          %gt3A_98 = arith.constant 0 : i32
          %gt3A_99 = arith.cmpi sgt, %mul3A_35, %gt3A_98 : i32
          %and3A_100 = arith.andi %lt3A_97, %gt3A_99 : i1
          %convert_element_type3A_101 = arith.extui %and3A_100 : i1 to i32
          %cond3A_102 = arith.constant 0 : i32
          %cond3A_103 = arith.cmpi ne, %convert_element_type3A_101, %cond3A_102 : i32
          scf.if %cond3A_103 {
            %add3A_130 = arith.constant 1 : i32
            %add3A_131 = arith.addi %scan3A_81, %add3A_130 : i32
            %mul3A_132 = arith.constant 1310720 : i32
            %mul3A_133 = arith.muli %add3A_131, %mul3A_132 : i32
            %add3A_134 = arith.addi %mul3A_2, %scan3A_31 : i32
            %mul3A_135 = arith.constant 128 : i32
            %mul3A_136 = arith.muli %add3A_134, %mul3A_135 : i32
            %add3A_137 = arith.addi %mul3A_133, %mul3A_136 : i32
            %while3A_138 = arith.constant 0 : i32
            %while3A_139 = arith.constant 0 : i32
            %while3A_140 = arith.subi %mul3A_57, %while3A_138 : i32
            %while3A_141 = arith.addi %while3A_138, %while3A_140 : i32
            %while3A_142 = arith.constant 1 : i32
            %while3A_143 = arith.divsi %while3A_140, %while3A_142 : i32
            %while3A_144 = arith.muli %while3A_143, %while3A_142 : i32
            %while3A_145 = arith.addi %while3A_138, %while3A_144 : i32
            %while3A_146 = arith.constant 1 : i32
            %while3A_147 = scf.for %while3A_162 = %while3A_138 to %while3A_145 step %while3A_146 iter_args(%while3A_163 = %while3A_139) -> (i32)  : i32 {
              %mul3A_164 = arith.constant 16 : i32
              %mul3A_165 = arith.muli %while3A_162, %mul3A_164 : i32
              %get3A_166 = arith.index_cast %mul3A_165 : i32 to index
              %get3A_167 = tpu.vector_load %arg10[%get3A_166] {strides = array<i32>} : memref<2560xi32, #tpu.memory_space<vmem>>, vector<16xi32>,
              %add3A_168 = vector.broadcast %add3A_137 : i32 to vector<16xi32>
              %add3A_169 = arith.addi %get3A_167, %add3A_168 : vector<16xi32>
              %mul3A_170 = arith.constant 16 : i32
              %mul3A_171 = arith.muli %while3A_162, %mul3A_170 : i32
              %swap3A = arith.constant 1 : i32
              %swap3A_172 = arith.index_cast %swap3A : i32 to index
              %swap3A_173 = arith.index_cast %mul3A_171 : i32 to index
              %swap3A_174 = tpu.vector_load %arg12[%swap3A_172, %swap3A_173] {strides = array<i32>} : memref<2x2560xi32, #tpu.memory_space<vmem>>, vector<16xi32>,
              tpu.vector_store %arg12[%swap3A_172, %swap3A_173], %add3A_169 {strides = array<i32>} : memref<2x2560xi32, #tpu.memory_space<vmem>>, vector<16xi32>,
              %while3A_175 = arith.constant 0 : i32
              scf.yield %while3A_175 : i32
            }
            %while3A_148 = arith.constant 1 : i32
            %while3A_149 = scf.for %while3A_162 = %while3A_145 to %while3A_141 step %while3A_148 iter_args(%while3A_163 = %while3A_147) -> (i32)  : i32 {
              %mul3A_164 = arith.constant 16 : i32
              %mul3A_165 = arith.muli %while3A_162, %mul3A_164 : i32
              %get3A_166 = arith.index_cast %mul3A_165 : i32 to index
              %get3A_167 = tpu.vector_load %arg10[%get3A_166] {strides = array<i32>} : memref<2560xi32, #tpu.memory_space<vmem>>, vector<16xi32>,
              %add3A_168 = vector.broadcast %add3A_137 : i32 to vector<16xi32>
              %add3A_169 = arith.addi %get3A_167, %add3A_168 : vector<16xi32>
              %mul3A_170 = arith.constant 16 : i32
              %mul3A_171 = arith.muli %while3A_162, %mul3A_170 : i32
              %swap3A = arith.constant 1 : i32
              %swap3A_172 = arith.index_cast %swap3A : i32 to index
              %swap3A_173 = arith.index_cast %mul3A_171 : i32 to index
              %swap3A_174 = tpu.vector_load %arg12[%swap3A_172, %swap3A_173] {strides = array<i32>} : memref<2x2560xi32, #tpu.memory_space<vmem>>, vector<16xi32>,
              tpu.vector_store %arg12[%swap3A_172, %swap3A_173], %add3A_169 {strides = array<i32>} : memref<2x2560xi32, #tpu.memory_space<vmem>>, vector<16xi32>,
              %while3A_175 = arith.constant 0 : i32
              scf.yield %while3A_175 : i32
            }
            %while3A_150 = arith.constant 0 : i32
            %while3A_151 = arith.constant 0 : i32
            %while3A_152 = arith.subi %select_n3A, %while3A_150 : i32
            %while3A_153 = arith.addi %while3A_150, %while3A_152 : i32
            %while3A_154 = arith.constant 1 : i32
            %while3A_155 = arith.divsi %while3A_152, %while3A_154 : i32
            %while3A_156 = arith.muli %while3A_155, %while3A_154 : i32
            %while3A_157 = arith.addi %while3A_150, %while3A_156 : i32
            %while3A_158 = arith.constant 1 : i32
            %while3A_159 = scf.for %while3A_162 = %while3A_150 to %while3A_157 step %while3A_158 iter_args(%while3A_163 = %while3A_151) -> (i32)  : i32 {
              %mul3A_164 = arith.constant 64 : i32
              %mul3A_165 = arith.muli %while3A_162, %mul3A_164 : i32
              %mul3A_166 = arith.constant 64 : i32
              %mul3A_167 = arith.muli %while3A_162, %mul3A_166 : i32
              %dma_start3A = arith.constant 1 : i32
              %dma_start3A_168 = arith.constant 1 : i32
              %dma_start3A_169 = tpu.memref_slice %arg13[%dma_start3A_168, %mul3A_167] : memref<2x2560xf32, #tpu.memory_space<vmem>> -> memref<1x64xf32, #tpu.memory_space<vmem>>
              %dma_start3A_170 = tpu.memref_squeeze %dma_start3A_169 : memref<1x64xf32, #tpu.memory_space<vmem>> -> memref<64xf32, #tpu.memory_space<vmem>>
              %dma_start3A_171 = tpu.memref_slice %arg12[%dma_start3A, %mul3A_165] : memref<2x2560xi32, #tpu.memory_space<vmem>> -> memref<1x64xi32, #tpu.memory_space<vmem>>
              %dma_start3A_172 = tpu.memref_squeeze %dma_start3A_171 : memref<1x64xi32, #tpu.memory_space<vmem>> -> memref<64xi32, #tpu.memory_space<vmem>>
              %dma_start3A_173 = arith.constant 0 : i32
              %dma_start3A_174 = tpu.memref_slice %arg4[%dma_start3A_173] : memref<83886080xf32, #tpu.memory_space<hbm>> -> memref<83886080xf32, #tpu.memory_space<hbm>>
              tpu.enqueue_indirect_dma source(%dma_start3A_174 : memref<83886080xf32, #tpu.memory_space<hbm>>) target(%dma_start3A_170 : memref<64xf32, #tpu.memory_space<vmem>>) offsets(%dma_start3A_172 : memref<64xi32, #tpu.memory_space<vmem>>) semaphore(%arg16 : memref<!tpu.dma_semaphore, #tpu.memory_space<semaphore_mem>>)
              %while3A_175 = arith.constant 0 : i32
              scf.yield %while3A_175 : i32
            }
            %while3A_160 = arith.constant 1 : i32
            %while3A_161 = scf.for %while3A_162 = %while3A_157 to %while3A_153 step %while3A_160 iter_args(%while3A_163 = %while3A_159) -> (i32)  : i32 {
              %mul3A_164 = arith.constant 64 : i32
              %mul3A_165 = arith.muli %while3A_162, %mul3A_164 : i32
              %mul3A_166 = arith.constant 64 : i32
              %mul3A_167 = arith.muli %while3A_162, %mul3A_166 : i32
              %dma_start3A = arith.constant 1 : i32
              %dma_start3A_168 = arith.constant 1 : i32
              %dma_start3A_169 = tpu.memref_slice %arg13[%dma_start3A_168, %mul3A_167] : memref<2x2560xf32, #tpu.memory_space<vmem>> -> memref<1x64xf32, #tpu.memory_space<vmem>>
              %dma_start3A_170 = tpu.memref_squeeze %dma_start3A_169 : memref<1x64xf32, #tpu.memory_space<vmem>> -> memref<64xf32, #tpu.memory_space<vmem>>
              %dma_start3A_171 = tpu.memref_slice %arg12[%dma_start3A, %mul3A_165] : memref<2x2560xi32, #tpu.memory_space<vmem>> -> memref<1x64xi32, #tpu.memory_space<vmem>>
              %dma_start3A_172 = tpu.memref_squeeze %dma_start3A_171 : memref<1x64xi32, #tpu.memory_space<vmem>> -> memref<64xi32, #tpu.memory_space<vmem>>
              %dma_start3A_173 = arith.constant 0 : i32
              %dma_start3A_174 = tpu.memref_slice %arg4[%dma_start3A_173] : memref<83886080xf32, #tpu.memory_space<hbm>> -> memref<83886080xf32, #tpu.memory_space<hbm>>
              tpu.enqueue_indirect_dma source(%dma_start3A_174 : memref<83886080xf32, #tpu.memory_space<hbm>>) target(%dma_start3A_170 : memref<64xf32, #tpu.memory_space<vmem>>) offsets(%dma_start3A_172 : memref<64xi32, #tpu.memory_space<vmem>>) semaphore(%arg16 : memref<!tpu.dma_semaphore, #tpu.memory_space<semaphore_mem>>)
              %while3A_175 = arith.constant 0 : i32
              scf.yield %while3A_175 : i32
            }
          } else {
          }
          %gt3A_104 = arith.constant 0 : i32
          %gt3A_105 = arith.cmpi sgt, %mul3A_35, %gt3A_104 : i32
          %convert_element_type3A_106 = arith.extui %gt3A_105 : i1 to i32
          %cond3A_107 = arith.constant 0 : i32
          %cond3A_108 = arith.cmpi ne, %convert_element_type3A_106, %cond3A_107 : i32
          scf.if %cond3A_108 {
            %while3A_130 = arith.constant 0 : i32
            %while3A_131 = arith.constant 0 : i32
            %while3A_132 = arith.subi %select_n3A, %while3A_130 : i32
            %while3A_133 = arith.addi %while3A_130, %while3A_132 : i32
            %while3A_134 = arith.constant 1 : i32
            %while3A_135 = arith.divsi %while3A_132, %while3A_134 : i32
            %while3A_136 = arith.muli %while3A_135, %while3A_134 : i32
            %while3A_137 = arith.addi %while3A_130, %while3A_136 : i32
            %while3A_138 = arith.constant 1 : i32
            %while3A_139 = scf.for %while3A_142 = %while3A_130 to %while3A_137 step %while3A_138 iter_args(%while3A_143 = %while3A_131) -> (i32)  : i32 {
              %mul3A_144 = arith.constant 64 : i32
              %mul3A_145 = arith.muli %while3A_142, %mul3A_144 : i32
              %mul3A_146 = arith.constant 64 : i32
              %mul3A_147 = arith.muli %while3A_142, %mul3A_146 : i32
              %dma_wait3A = arith.constant 0 : i32
              %dma_wait3A_148 = arith.constant 0 : i32
              %dma_wait3A_149 = tpu.memref_slice %arg13[%dma_wait3A_148, %mul3A_147] : memref<2x2560xf32, #tpu.memory_space<vmem>> -> memref<1x64xf32, #tpu.memory_space<vmem>>
              %dma_wait3A_150 = tpu.memref_squeeze %dma_wait3A_149 : memref<1x64xf32, #tpu.memory_space<vmem>> -> memref<64xf32, #tpu.memory_space<vmem>>
              %dma_wait3A_151 = tpu.memref_slice %arg12[%dma_wait3A, %mul3A_145] : memref<2x2560xi32, #tpu.memory_space<vmem>> -> memref<1x64xi32, #tpu.memory_space<vmem>>
              %dma_wait3A_152 = tpu.memref_squeeze %dma_wait3A_151 : memref<1x64xi32, #tpu.memory_space<vmem>> -> memref<64xi32, #tpu.memory_space<vmem>>
              %dma_wait3A_153 = arith.constant 0 : i32
              %dma_wait3A_154 = tpu.memref_slice %arg4[%dma_wait3A_153] : memref<83886080xf32, #tpu.memory_space<hbm>> -> memref<83886080xf32, #tpu.memory_space<hbm>>
              tpu.wait_indirect_dma semaphore(%arg15 : memref<!tpu.dma_semaphore, #tpu.memory_space<semaphore_mem>>) src(%dma_wait3A_154 : memref<83886080xf32, #tpu.memory_space<hbm>>) dst(%dma_wait3A_150 : memref<64xf32, #tpu.memory_space<vmem>>)
              %while3A_155 = arith.constant 0 : i32
              scf.yield %while3A_155 : i32
            }
            %while3A_140 = arith.constant 1 : i32
            %while3A_141 = scf.for %while3A_142 = %while3A_137 to %while3A_133 step %while3A_140 iter_args(%while3A_143 = %while3A_139) -> (i32)  : i32 {
              %mul3A_144 = arith.constant 64 : i32
              %mul3A_145 = arith.muli %while3A_142, %mul3A_144 : i32
              %mul3A_146 = arith.constant 64 : i32
              %mul3A_147 = arith.muli %while3A_142, %mul3A_146 : i32
              %dma_wait3A = arith.constant 0 : i32
              %dma_wait3A_148 = arith.constant 0 : i32
              %dma_wait3A_149 = tpu.memref_slice %arg13[%dma_wait3A_148, %mul3A_147] : memref<2x2560xf32, #tpu.memory_space<vmem>> -> memref<1x64xf32, #tpu.memory_space<vmem>>
              %dma_wait3A_150 = tpu.memref_squeeze %dma_wait3A_149 : memref<1x64xf32, #tpu.memory_space<vmem>> -> memref<64xf32, #tpu.memory_space<vmem>>
              %dma_wait3A_151 = tpu.memref_slice %arg12[%dma_wait3A, %mul3A_145] : memref<2x2560xi32, #tpu.memory_space<vmem>> -> memref<1x64xi32, #tpu.memory_space<vmem>>
              %dma_wait3A_152 = tpu.memref_squeeze %dma_wait3A_151 : memref<1x64xi32, #tpu.memory_space<vmem>> -> memref<64xi32, #tpu.memory_space<vmem>>
              %dma_wait3A_153 = arith.constant 0 : i32
              %dma_wait3A_154 = tpu.memref_slice %arg4[%dma_wait3A_153] : memref<83886080xf32, #tpu.memory_space<hbm>> -> memref<83886080xf32, #tpu.memory_space<hbm>>
              tpu.wait_indirect_dma semaphore(%arg15 : memref<!tpu.dma_semaphore, #tpu.memory_space<semaphore_mem>>) src(%dma_wait3A_154 : memref<83886080xf32, #tpu.memory_space<hbm>>) dst(%dma_wait3A_150 : memref<64xf32, #tpu.memory_space<vmem>>)
              %while3A_155 = arith.constant 0 : i32
              scf.yield %while3A_155 : i32
            }
          } else {
          }
          %broadcast_in_dim3A_109 = arith.constant -1.000000e+09 : f32
          %broadcast_in_dim3A_110 = vector.broadcast %broadcast_in_dim3A_109 : f32 to vector<16xf32>
          %while3A_111 = arith.constant 0 : i32
          %while3A_112 = arith.subi %mul3A_57, %while3A_111 : i32
          %while3A_113 = arith.addi %while3A_111, %while3A_112 : i32
          %while3A_114 = arith.constant 1 : i32
          %while3A_115 = arith.divsi %while3A_112, %while3A_114 : i32
          %while3A_116 = arith.muli %while3A_115, %while3A_114 : i32
          %while3A_117 = arith.addi %while3A_111, %while3A_116 : i32
          %while3A_118 = arith.constant 1 : i32
          %while3A_119 = scf.for %while3A_130 = %while3A_111 to %while3A_117 step %while3A_118 iter_args(%while3A_131 = %broadcast_in_dim3A_110) -> (vector<16xf32>)  : i32 {
            %mul3A_132 = arith.constant 16 : i32
            %mul3A_133 = arith.muli %while3A_130, %mul3A_132 : i32
            %add3A_134 = vector.broadcast %mul3A_133 : i32 to vector<16xi32>
            %add3A_135 = arith.addi %add3A_134, %iota3A : vector<16xi32>
            %mul3A_136 = arith.constant 16 : i32
            %mul3A_137 = arith.muli %while3A_130, %mul3A_136 : i32
            %get3A_138 = arith.constant 0 : i32
            %get3A_139 = arith.index_cast %get3A_138 : i32 to index
            %get3A_140 = arith.index_cast %mul3A_137 : i32 to index
            %get3A_141 = tpu.vector_load %arg13[%get3A_139, %get3A_140] {strides = array<i32>} : memref<2x2560xf32, #tpu.memory_space<vmem>>, vector<16xf32>,
            %lt3A_142 = vector.broadcast %mul3A_35 : i32 to vector<16xi32>
            %lt3A_143 = arith.cmpi slt, %add3A_135, %lt3A_142 : vector<16xi32>
            %jit3A_144 = arith.constant -1.000000e+09 : f32
            %broadcast_in_dim3A_145 = vector.broadcast %jit3A_144 : f32 to vector<16xf32>
            %select_n3A_146 = arith.select %lt3A_143, %get3A_141, %broadcast_in_dim3A_145 : vector<16xi1>, vector<16xf32>
            %sort3A = arith.constant dense<true> : vector<16xi1>
            %sort3A_147, %sort3A_148, %sort3A_149 = tpu.sort %select_n3A_146, %select_n3A_146 masked %sort3A : (vector<16xf32>, vector<16xf32>, vector<16xi1>) -> (vector<16xi1>, vector<16xf32>, vector<16xf32>)
            %rev3A = arith.constant 15 : i32
            %rev3A_150 = vector.broadcast %rev3A : i32 to vector<16xi32>
            %rev3A_151 = tpu.iota {dimensions = array<i32: 0>} : vector<16xi32>
            %rev3A_152 = arith.subi %rev3A_150, %rev3A_151 : vector<16xi32>
            %rev3A_153 = tpu.dynamic_gather %sort3A_148[%rev3A_152] in [0] : vector<16xf32>, vector<16xi32> -> vector<16xf32>
            %max3A_154 = arith.maximumf %while3A_131, %rev3A_153 : vector<16xf32>
            %sort3A_155 = arith.constant dense<true> : vector<16xi1>
            %sort3A_156, %sort3A_157, %sort3A_158 = tpu.sort %max3A_154, %max3A_154 masked %sort3A_155 : (vector<16xf32>, vector<16xf32>, vector<16xi1>) -> (vector<16xi1>, vector<16xf32>, vector<16xf32>)
            scf.yield %sort3A_157 : vector<16xf32>
          }
          %while3A_120 = arith.constant 1 : i32
          %while3A_121 = scf.for %while3A_130 = %while3A_117 to %while3A_113 step %while3A_120 iter_args(%while3A_131 = %while3A_119) -> (vector<16xf32>)  : i32 {
            %mul3A_132 = arith.constant 16 : i32
            %mul3A_133 = arith.muli %while3A_130, %mul3A_132 : i32
            %add3A_134 = vector.broadcast %mul3A_133 : i32 to vector<16xi32>
            %add3A_135 = arith.addi %add3A_134, %iota3A : vector<16xi32>
            %mul3A_136 = arith.constant 16 : i32
            %mul3A_137 = arith.muli %while3A_130, %mul3A_136 : i32
            %get3A_138 = arith.constant 0 : i32
            %get3A_139 = arith.index_cast %get3A_138 : i32 to index
            %get3A_140 = arith.index_cast %mul3A_137 : i32 to index
            %get3A_141 = tpu.vector_load %arg13[%get3A_139, %get3A_140] {strides = array<i32>} : memref<2x2560xf32, #tpu.memory_space<vmem>>, vector<16xf32>,
            %lt3A_142 = vector.broadcast %mul3A_35 : i32 to vector<16xi32>
            %lt3A_143 = arith.cmpi slt, %add3A_135, %lt3A_142 : vector<16xi32>
            %jit3A_144 = arith.constant -1.000000e+09 : f32
            %broadcast_in_dim3A_145 = vector.broadcast %jit3A_144 : f32 to vector<16xf32>
            %select_n3A_146 = arith.select %lt3A_143, %get3A_141, %broadcast_in_dim3A_145 : vector<16xi1>, vector<16xf32>
            %sort3A = arith.constant dense<true> : vector<16xi1>
            %sort3A_147, %sort3A_148, %sort3A_149 = tpu.sort %select_n3A_146, %select_n3A_146 masked %sort3A : (vector<16xf32>, vector<16xf32>, vector<16xi1>) -> (vector<16xi1>, vector<16xf32>, vector<16xf32>)
            %rev3A = arith.constant 15 : i32
            %rev3A_150 = vector.broadcast %rev3A : i32 to vector<16xi32>
            %rev3A_151 = tpu.iota {dimensions = array<i32: 0>} : vector<16xi32>
            %rev3A_152 = arith.subi %rev3A_150, %rev3A_151 : vector<16xi32>
            %rev3A_153 = tpu.dynamic_gather %sort3A_148[%rev3A_152] in [0] : vector<16xf32>, vector<16xi32> -> vector<16xf32>
            %max3A_154 = arith.maximumf %while3A_131, %rev3A_153 : vector<16xf32>
            %sort3A_155 = arith.constant dense<true> : vector<16xi1>
            %sort3A_156, %sort3A_157, %sort3A_158 = tpu.sort %max3A_154, %max3A_154 masked %sort3A_155 : (vector<16xf32>, vector<16xf32>, vector<16xi1>) -> (vector<16xi1>, vector<16xf32>, vector<16xf32>)
            scf.yield %sort3A_157 : vector<16xf32>
          }
          %reduce_min3A = arith.constant true
          %reduce_min3A_122 = vector.broadcast %reduce_min3A : i1 to vector<16xi1>
          %reduce_min3A_123 = tpu.scan <min>, %while3A_121 masked %reduce_min3A_122 : vector<16xf32>, vector<16xi1> -> vector<16xf32>
          %reduce_min3A_124 = vector.extract %reduce_min3A_123[15] : f32 from vector<16xf32>
          %broadcast_in_dim3A_125 = vector.broadcast %scan3A_81 : i32 to vector<16xi32>
          %broadcast_in_dim3A_126 = vector.broadcast %reduce_min3A_124 : f32 to vector<16xf32>
          %eq3A_127 = arith.constant 0 : i32
          %eq3A_128 = vector.broadcast %eq3A_127 : i32 to vector<16xi32>
          %eq3A_129 = arith.cmpi eq, %iota3A, %eq3A_128 : vector<16xi32>
          tpu.vector_store_idx %arg14[%broadcast_in_dim3A_125], %broadcast_in_dim3A_126 masked %eq3A_129 : memref<64xf32, #tpu.memory_space<vmem>>[vector<16xi32>], vector<16xf32>, vector<16xi1>
        } else {
        }
        %eq3A_89 = arith.constant 1 : i32
        %eq3A_90 = arith.cmpi eq, %rem3A_84, %eq3A_89 : i32
        %convert_element_type3A_91 = arith.extui %eq3A_90 : i1 to i32
        %cond3A_92 = arith.constant 0 : i32
        %cond3A_93 = arith.cmpi ne, %convert_element_type3A_91, %cond3A_92 : i32
        scf.if %cond3A_93 {
          %add3A_95 = arith.constant 1 : i32
          %add3A_96 = arith.addi %scan3A_81, %add3A_95 : i32
          %lt3A = arith.constant 64 : i32
          %lt3A_97 = arith.cmpi slt, %add3A_96, %lt3A : i32
          %gt3A_98 = arith.constant 0 : i32
          %gt3A_99 = arith.cmpi sgt, %mul3A_35, %gt3A_98 : i32
          %and3A_100 = arith.andi %lt3A_97, %gt3A_99 : i1
          %convert_element_type3A_101 = arith.extui %and3A_100 : i1 to i32
          %cond3A_102 = arith.constant 0 : i32
          %cond3A_103 = arith.cmpi ne, %convert_element_type3A_101, %cond3A_102 : i32
          scf.if %cond3A_103 {
            %add3A_130 = arith.constant 1 : i32
            %add3A_131 = arith.addi %scan3A_81, %add3A_130 : i32
            %mul3A_132 = arith.constant 1310720 : i32
            %mul3A_133 = arith.muli %add3A_131, %mul3A_132 : i32
            %add3A_134 = arith.addi %mul3A_2, %scan3A_31 : i32
            %mul3A_135 = arith.constant 128 : i32
            %mul3A_136 = arith.muli %add3A_134, %mul3A_135 : i32
            %add3A_137 = arith.addi %mul3A_133, %mul3A_136 : i32
            %while3A_138 = arith.constant 0 : i32
            %while3A_139 = arith.constant 0 : i32
            %while3A_140 = arith.subi %mul3A_57, %while3A_138 : i32
            %while3A_141 = arith.addi %while3A_138, %while3A_140 : i32
            %while3A_142 = arith.constant 1 : i32
            %while3A_143 = arith.divsi %while3A_140, %while3A_142 : i32
            %while3A_144 = arith.muli %while3A_143, %while3A_142 : i32
            %while3A_145 = arith.addi %while3A_138, %while3A_144 : i32
            %while3A_146 = arith.constant 1 : i32
            %while3A_147 = scf.for %while3A_162 = %while3A_138 to %while3A_145 step %while3A_146 iter_args(%while3A_163 = %while3A_139) -> (i32)  : i32 {
              %mul3A_164 = arith.constant 16 : i32
              %mul3A_165 = arith.muli %while3A_162, %mul3A_164 : i32
              %get3A_166 = arith.index_cast %mul3A_165 : i32 to index
              %get3A_167 = tpu.vector_load %arg10[%get3A_166] {strides = array<i32>} : memref<2560xi32, #tpu.memory_space<vmem>>, vector<16xi32>,
              %add3A_168 = vector.broadcast %add3A_137 : i32 to vector<16xi32>
              %add3A_169 = arith.addi %get3A_167, %add3A_168 : vector<16xi32>
              %mul3A_170 = arith.constant 16 : i32
              %mul3A_171 = arith.muli %while3A_162, %mul3A_170 : i32
              %swap3A = arith.constant 0 : i32
              %swap3A_172 = arith.index_cast %swap3A : i32 to index
              %swap3A_173 = arith.index_cast %mul3A_171 : i32 to index
              %swap3A_174 = tpu.vector_load %arg12[%swap3A_172, %swap3A_173] {strides = array<i32>} : memref<2x2560xi32, #tpu.memory_space<vmem>>, vector<16xi32>,
              tpu.vector_store %arg12[%swap3A_172, %swap3A_173], %add3A_169 {strides = array<i32>} : memref<2x2560xi32, #tpu.memory_space<vmem>>, vector<16xi32>,
              %while3A_175 = arith.constant 0 : i32
              scf.yield %while3A_175 : i32
            }
            %while3A_148 = arith.constant 1 : i32
            %while3A_149 = scf.for %while3A_162 = %while3A_145 to %while3A_141 step %while3A_148 iter_args(%while3A_163 = %while3A_147) -> (i32)  : i32 {
              %mul3A_164 = arith.constant 16 : i32
              %mul3A_165 = arith.muli %while3A_162, %mul3A_164 : i32
              %get3A_166 = arith.index_cast %mul3A_165 : i32 to index
              %get3A_167 = tpu.vector_load %arg10[%get3A_166] {strides = array<i32>} : memref<2560xi32, #tpu.memory_space<vmem>>, vector<16xi32>,
              %add3A_168 = vector.broadcast %add3A_137 : i32 to vector<16xi32>
              %add3A_169 = arith.addi %get3A_167, %add3A_168 : vector<16xi32>
              %mul3A_170 = arith.constant 16 : i32
              %mul3A_171 = arith.muli %while3A_162, %mul3A_170 : i32
              %swap3A = arith.constant 0 : i32
              %swap3A_172 = arith.index_cast %swap3A : i32 to index
              %swap3A_173 = arith.index_cast %mul3A_171 : i32 to index
              %swap3A_174 = tpu.vector_load %arg12[%swap3A_172, %swap3A_173] {strides = array<i32>} : memref<2x2560xi32, #tpu.memory_space<vmem>>, vector<16xi32>,
              tpu.vector_store %arg12[%swap3A_172, %swap3A_173], %add3A_169 {strides = array<i32>} : memref<2x2560xi32, #tpu.memory_space<vmem>>, vector<16xi32>,
              %while3A_175 = arith.constant 0 : i32
              scf.yield %while3A_175 : i32
            }
            %while3A_150 = arith.constant 0 : i32
            %while3A_151 = arith.constant 0 : i32
            %while3A_152 = arith.subi %select_n3A, %while3A_150 : i32
            %while3A_153 = arith.addi %while3A_150, %while3A_152 : i32
            %while3A_154 = arith.constant 1 : i32
            %while3A_155 = arith.divsi %while3A_152, %while3A_154 : i32
            %while3A_156 = arith.muli %while3A_155, %while3A_154 : i32
            %while3A_157 = arith.addi %while3A_150, %while3A_156 : i32
            %while3A_158 = arith.constant 1 : i32
            %while3A_159 = scf.for %while3A_162 = %while3A_150 to %while3A_157 step %while3A_158 iter_args(%while3A_163 = %while3A_151) -> (i32)  : i32 {
              %mul3A_164 = arith.constant 64 : i32
              %mul3A_165 = arith.muli %while3A_162, %mul3A_164 : i32
              %mul3A_166 = arith.constant 64 : i32
              %mul3A_167 = arith.muli %while3A_162, %mul3A_166 : i32
              %dma_start3A = arith.constant 0 : i32
              %dma_start3A_168 = arith.constant 0 : i32
              %dma_start3A_169 = tpu.memref_slice %arg13[%dma_start3A_168, %mul3A_167] : memref<2x2560xf32, #tpu.memory_space<vmem>> -> memref<1x64xf32, #tpu.memory_space<vmem>>
              %dma_start3A_170 = tpu.memref_squeeze %dma_start3A_169 : memref<1x64xf32, #tpu.memory_space<vmem>> -> memref<64xf32, #tpu.memory_space<vmem>>
              %dma_start3A_171 = tpu.memref_slice %arg12[%dma_start3A, %mul3A_165] : memref<2x2560xi32, #tpu.memory_space<vmem>> -> memref<1x64xi32, #tpu.memory_space<vmem>>
              %dma_start3A_172 = tpu.memref_squeeze %dma_start3A_171 : memref<1x64xi32, #tpu.memory_space<vmem>> -> memref<64xi32, #tpu.memory_space<vmem>>
              %dma_start3A_173 = arith.constant 0 : i32
              %dma_start3A_174 = tpu.memref_slice %arg4[%dma_start3A_173] : memref<83886080xf32, #tpu.memory_space<hbm>> -> memref<83886080xf32, #tpu.memory_space<hbm>>
              tpu.enqueue_indirect_dma source(%dma_start3A_174 : memref<83886080xf32, #tpu.memory_space<hbm>>) target(%dma_start3A_170 : memref<64xf32, #tpu.memory_space<vmem>>) offsets(%dma_start3A_172 : memref<64xi32, #tpu.memory_space<vmem>>) semaphore(%arg15 : memref<!tpu.dma_semaphore, #tpu.memory_space<semaphore_mem>>)
              %while3A_175 = arith.constant 0 : i32
              scf.yield %while3A_175 : i32
            }
            %while3A_160 = arith.constant 1 : i32
            %while3A_161 = scf.for %while3A_162 = %while3A_157 to %while3A_153 step %while3A_160 iter_args(%while3A_163 = %while3A_159) -> (i32)  : i32 {
              %mul3A_164 = arith.constant 64 : i32
              %mul3A_165 = arith.muli %while3A_162, %mul3A_164 : i32
              %mul3A_166 = arith.constant 64 : i32
              %mul3A_167 = arith.muli %while3A_162, %mul3A_166 : i32
              %dma_start3A = arith.constant 0 : i32
              %dma_start3A_168 = arith.constant 0 : i32
              %dma_start3A_169 = tpu.memref_slice %arg13[%dma_start3A_168, %mul3A_167] : memref<2x2560xf32, #tpu.memory_space<vmem>> -> memref<1x64xf32, #tpu.memory_space<vmem>>
              %dma_start3A_170 = tpu.memref_squeeze %dma_start3A_169 : memref<1x64xf32, #tpu.memory_space<vmem>> -> memref<64xf32, #tpu.memory_space<vmem>>
              %dma_start3A_171 = tpu.memref_slice %arg12[%dma_start3A, %mul3A_165] : memref<2x2560xi32, #tpu.memory_space<vmem>> -> memref<1x64xi32, #tpu.memory_space<vmem>>
              %dma_start3A_172 = tpu.memref_squeeze %dma_start3A_171 : memref<1x64xi32, #tpu.memory_space<vmem>> -> memref<64xi32, #tpu.memory_space<vmem>>
              %dma_start3A_173 = arith.constant 0 : i32
              %dma_start3A_174 = tpu.memref_slice %arg4[%dma_start3A_173] : memref<83886080xf32, #tpu.memory_space<hbm>> -> memref<83886080xf32, #tpu.memory_space<hbm>>
              tpu.enqueue_indirect_dma source(%dma_start3A_174 : memref<83886080xf32, #tpu.memory_space<hbm>>) target(%dma_start3A_170 : memref<64xf32, #tpu.memory_space<vmem>>) offsets(%dma_start3A_172 : memref<64xi32, #tpu.memory_space<vmem>>) semaphore(%arg15 : memref<!tpu.dma_semaphore, #tpu.memory_space<semaphore_mem>>)
              %while3A_175 = arith.constant 0 : i32
              scf.yield %while3A_175 : i32
            }
          } else {
          }
          %gt3A_104 = arith.constant 0 : i32
          %gt3A_105 = arith.cmpi sgt, %mul3A_35, %gt3A_104 : i32
          %convert_element_type3A_106 = arith.extui %gt3A_105 : i1 to i32
          %cond3A_107 = arith.constant 0 : i32
          %cond3A_108 = arith.cmpi ne, %convert_element_type3A_106, %cond3A_107 : i32
          scf.if %cond3A_108 {
            %while3A_130 = arith.constant 0 : i32
            %while3A_131 = arith.constant 0 : i32
            %while3A_132 = arith.subi %select_n3A, %while3A_130 : i32
            %while3A_133 = arith.addi %while3A_130, %while3A_132 : i32
            %while3A_134 = arith.constant 1 : i32
            %while3A_135 = arith.divsi %while3A_132, %while3A_134 : i32
            %while3A_136 = arith.muli %while3A_135, %while3A_134 : i32
            %while3A_137 = arith.addi %while3A_130, %while3A_136 : i32
            %while3A_138 = arith.constant 1 : i32
            %while3A_139 = scf.for %while3A_142 = %while3A_130 to %while3A_137 step %while3A_138 iter_args(%while3A_143 = %while3A_131) -> (i32)  : i32 {
              %mul3A_144 = arith.constant 64 : i32
              %mul3A_145 = arith.muli %while3A_142, %mul3A_144 : i32
              %mul3A_146 = arith.constant 64 : i32
              %mul3A_147 = arith.muli %while3A_142, %mul3A_146 : i32
              %dma_wait3A = arith.constant 1 : i32
              %dma_wait3A_148 = arith.constant 1 : i32
              %dma_wait3A_149 = tpu.memref_slice %arg13[%dma_wait3A_148, %mul3A_147] : memref<2x2560xf32, #tpu.memory_space<vmem>> -> memref<1x64xf32, #tpu.memory_space<vmem>>
              %dma_wait3A_150 = tpu.memref_squeeze %dma_wait3A_149 : memref<1x64xf32, #tpu.memory_space<vmem>> -> memref<64xf32, #tpu.memory_space<vmem>>
              %dma_wait3A_151 = tpu.memref_slice %arg12[%dma_wait3A, %mul3A_145] : memref<2x2560xi32, #tpu.memory_space<vmem>> -> memref<1x64xi32, #tpu.memory_space<vmem>>
              %dma_wait3A_152 = tpu.memref_squeeze %dma_wait3A_151 : memref<1x64xi32, #tpu.memory_space<vmem>> -> memref<64xi32, #tpu.memory_space<vmem>>
              %dma_wait3A_153 = arith.constant 0 : i32
              %dma_wait3A_154 = tpu.memref_slice %arg4[%dma_wait3A_153] : memref<83886080xf32, #tpu.memory_space<hbm>> -> memref<83886080xf32, #tpu.memory_space<hbm>>
              tpu.wait_indirect_dma semaphore(%arg16 : memref<!tpu.dma_semaphore, #tpu.memory_space<semaphore_mem>>) src(%dma_wait3A_154 : memref<83886080xf32, #tpu.memory_space<hbm>>) dst(%dma_wait3A_150 : memref<64xf32, #tpu.memory_space<vmem>>)
              %while3A_155 = arith.constant 0 : i32
              scf.yield %while3A_155 : i32
            }
            %while3A_140 = arith.constant 1 : i32
            %while3A_141 = scf.for %while3A_142 = %while3A_137 to %while3A_133 step %while3A_140 iter_args(%while3A_143 = %while3A_139) -> (i32)  : i32 {
              %mul3A_144 = arith.constant 64 : i32
              %mul3A_145 = arith.muli %while3A_142, %mul3A_144 : i32
              %mul3A_146 = arith.constant 64 : i32
              %mul3A_147 = arith.muli %while3A_142, %mul3A_146 : i32
              %dma_wait3A = arith.constant 1 : i32
              %dma_wait3A_148 = arith.constant 1 : i32
              %dma_wait3A_149 = tpu.memref_slice %arg13[%dma_wait3A_148, %mul3A_147] : memref<2x2560xf32, #tpu.memory_space<vmem>> -> memref<1x64xf32, #tpu.memory_space<vmem>>
              %dma_wait3A_150 = tpu.memref_squeeze %dma_wait3A_149 : memref<1x64xf32, #tpu.memory_space<vmem>> -> memref<64xf32, #tpu.memory_space<vmem>>
              %dma_wait3A_151 = tpu.memref_slice %arg12[%dma_wait3A, %mul3A_145] : memref<2x2560xi32, #tpu.memory_space<vmem>> -> memref<1x64xi32, #tpu.memory_space<vmem>>
              %dma_wait3A_152 = tpu.memref_squeeze %dma_wait3A_151 : memref<1x64xi32, #tpu.memory_space<vmem>> -> memref<64xi32, #tpu.memory_space<vmem>>
              %dma_wait3A_153 = arith.constant 0 : i32
              %dma_wait3A_154 = tpu.memref_slice %arg4[%dma_wait3A_153] : memref<83886080xf32, #tpu.memory_space<hbm>> -> memref<83886080xf32, #tpu.memory_space<hbm>>
              tpu.wait_indirect_dma semaphore(%arg16 : memref<!tpu.dma_semaphore, #tpu.memory_space<semaphore_mem>>) src(%dma_wait3A_154 : memref<83886080xf32, #tpu.memory_space<hbm>>) dst(%dma_wait3A_150 : memref<64xf32, #tpu.memory_space<vmem>>)
              %while3A_155 = arith.constant 0 : i32
              scf.yield %while3A_155 : i32
            }
          } else {
          }
          %broadcast_in_dim3A_109 = arith.constant -1.000000e+09 : f32
          %broadcast_in_dim3A_110 = vector.broadcast %broadcast_in_dim3A_109 : f32 to vector<16xf32>
          %while3A_111 = arith.constant 0 : i32
          %while3A_112 = arith.subi %mul3A_57, %while3A_111 : i32
          %while3A_113 = arith.addi %while3A_111, %while3A_112 : i32
          %while3A_114 = arith.constant 1 : i32
          %while3A_115 = arith.divsi %while3A_112, %while3A_114 : i32
          %while3A_116 = arith.muli %while3A_115, %while3A_114 : i32
          %while3A_117 = arith.addi %while3A_111, %while3A_116 : i32
          %while3A_118 = arith.constant 1 : i32
          %while3A_119 = scf.for %while3A_130 = %while3A_111 to %while3A_117 step %while3A_118 iter_args(%while3A_131 = %broadcast_in_dim3A_110) -> (vector<16xf32>)  : i32 {
            %mul3A_132 = arith.constant 16 : i32
            %mul3A_133 = arith.muli %while3A_130, %mul3A_132 : i32
            %add3A_134 = vector.broadcast %mul3A_133 : i32 to vector<16xi32>
            %add3A_135 = arith.addi %add3A_134, %iota3A : vector<16xi32>
            %mul3A_136 = arith.constant 16 : i32
            %mul3A_137 = arith.muli %while3A_130, %mul3A_136 : i32
            %get3A_138 = arith.constant 1 : i32
            %get3A_139 = arith.index_cast %get3A_138 : i32 to index
            %get3A_140 = arith.index_cast %mul3A_137 : i32 to index
            %get3A_141 = tpu.vector_load %arg13[%get3A_139, %get3A_140] {strides = array<i32>} : memref<2x2560xf32, #tpu.memory_space<vmem>>, vector<16xf32>,
            %lt3A_142 = vector.broadcast %mul3A_35 : i32 to vector<16xi32>
            %lt3A_143 = arith.cmpi slt, %add3A_135, %lt3A_142 : vector<16xi32>
            %jit3A_144 = arith.constant -1.000000e+09 : f32
            %broadcast_in_dim3A_145 = vector.broadcast %jit3A_144 : f32 to vector<16xf32>
            %select_n3A_146 = arith.select %lt3A_143, %get3A_141, %broadcast_in_dim3A_145 : vector<16xi1>, vector<16xf32>
            %sort3A = arith.constant dense<true> : vector<16xi1>
            %sort3A_147, %sort3A_148, %sort3A_149 = tpu.sort %select_n3A_146, %select_n3A_146 masked %sort3A : (vector<16xf32>, vector<16xf32>, vector<16xi1>) -> (vector<16xi1>, vector<16xf32>, vector<16xf32>)
            %rev3A = arith.constant 15 : i32
            %rev3A_150 = vector.broadcast %rev3A : i32 to vector<16xi32>
            %rev3A_151 = tpu.iota {dimensions = array<i32: 0>} : vector<16xi32>
            %rev3A_152 = arith.subi %rev3A_150, %rev3A_151 : vector<16xi32>
            %rev3A_153 = tpu.dynamic_gather %sort3A_148[%rev3A_152] in [0] : vector<16xf32>, vector<16xi32> -> vector<16xf32>
            %max3A_154 = arith.maximumf %while3A_131, %rev3A_153 : vector<16xf32>
            %sort3A_155 = arith.constant dense<true> : vector<16xi1>
            %sort3A_156, %sort3A_157, %sort3A_158 = tpu.sort %max3A_154, %max3A_154 masked %sort3A_155 : (vector<16xf32>, vector<16xf32>, vector<16xi1>) -> (vector<16xi1>, vector<16xf32>, vector<16xf32>)
            scf.yield %sort3A_157 : vector<16xf32>
          }
          %while3A_120 = arith.constant 1 : i32
          %while3A_121 = scf.for %while3A_130 = %while3A_117 to %while3A_113 step %while3A_120 iter_args(%while3A_131 = %while3A_119) -> (vector<16xf32>)  : i32 {
            %mul3A_132 = arith.constant 16 : i32
            %mul3A_133 = arith.muli %while3A_130, %mul3A_132 : i32
            %add3A_134 = vector.broadcast %mul3A_133 : i32 to vector<16xi32>
            %add3A_135 = arith.addi %add3A_134, %iota3A : vector<16xi32>
            %mul3A_136 = arith.constant 16 : i32
            %mul3A_137 = arith.muli %while3A_130, %mul3A_136 : i32
            %get3A_138 = arith.constant 1 : i32
            %get3A_139 = arith.index_cast %get3A_138 : i32 to index
            %get3A_140 = arith.index_cast %mul3A_137 : i32 to index
            %get3A_141 = tpu.vector_load %arg13[%get3A_139, %get3A_140] {strides = array<i32>} : memref<2x2560xf32, #tpu.memory_space<vmem>>, vector<16xf32>,
            %lt3A_142 = vector.broadcast %mul3A_35 : i32 to vector<16xi32>
            %lt3A_143 = arith.cmpi slt, %add3A_135, %lt3A_142 : vector<16xi32>
            %jit3A_144 = arith.constant -1.000000e+09 : f32
            %broadcast_in_dim3A_145 = vector.broadcast %jit3A_144 : f32 to vector<16xf32>
            %select_n3A_146 = arith.select %lt3A_143, %get3A_141, %broadcast_in_dim3A_145 : vector<16xi1>, vector<16xf32>
            %sort3A = arith.constant dense<true> : vector<16xi1>
            %sort3A_147, %sort3A_148, %sort3A_149 = tpu.sort %select_n3A_146, %select_n3A_146 masked %sort3A : (vector<16xf32>, vector<16xf32>, vector<16xi1>) -> (vector<16xi1>, vector<16xf32>, vector<16xf32>)
            %rev3A = arith.constant 15 : i32
            %rev3A_150 = vector.broadcast %rev3A : i32 to vector<16xi32>
            %rev3A_151 = tpu.iota {dimensions = array<i32: 0>} : vector<16xi32>
            %rev3A_152 = arith.subi %rev3A_150, %rev3A_151 : vector<16xi32>
            %rev3A_153 = tpu.dynamic_gather %sort3A_148[%rev3A_152] in [0] : vector<16xf32>, vector<16xi32> -> vector<16xf32>
            %max3A_154 = arith.maximumf %while3A_131, %rev3A_153 : vector<16xf32>
            %sort3A_155 = arith.constant dense<true> : vector<16xi1>
            %sort3A_156, %sort3A_157, %sort3A_158 = tpu.sort %max3A_154, %max3A_154 masked %sort3A_155 : (vector<16xf32>, vector<16xf32>, vector<16xi1>) -> (vector<16xi1>, vector<16xf32>, vector<16xf32>)
            scf.yield %sort3A_157 : vector<16xf32>
          }
          %reduce_min3A = arith.constant true
          %reduce_min3A_122 = vector.broadcast %reduce_min3A : i1 to vector<16xi1>
          %reduce_min3A_123 = tpu.scan <min>, %while3A_121 masked %reduce_min3A_122 : vector<16xf32>, vector<16xi1> -> vector<16xf32>
          %reduce_min3A_124 = vector.extract %reduce_min3A_123[15] : f32 from vector<16xf32>
          %broadcast_in_dim3A_125 = vector.broadcast %scan3A_81 : i32 to vector<16xi32>
          %broadcast_in_dim3A_126 = vector.broadcast %reduce_min3A_124 : f32 to vector<16xf32>
          %eq3A_127 = arith.constant 0 : i32
          %eq3A_128 = vector.broadcast %eq3A_127 : i32 to vector<16xi32>
          %eq3A_129 = arith.cmpi eq, %iota3A, %eq3A_128 : vector<16xi32>
          tpu.vector_store_idx %arg14[%broadcast_in_dim3A_125], %broadcast_in_dim3A_126 masked %eq3A_129 : memref<64xf32, #tpu.memory_space<vmem>>[vector<16xi32>], vector<16xf32>, vector<16xi1>
        } else {
        }
        %scan3A_94 = arith.constant 0 : i32
        scf.yield %scan3A_94 : i32
      }
      %scan3A_78 = arith.constant 64 : i32
      %add3A_79 = arith.addi %mul3A_2, %scan3A_31 : i32
      "tpu.region"() ({
        %run_scoped3A = tpu.sem_alloc : memref<!tpu.dma_semaphore, #tpu.memory_space<semaphore_mem>>
        %dma_start3A = arith.constant 0 : i32
        %dma_start3A_81 = tpu.memref_slice %arg5[%add3A_79, %dma_start3A] : memref<512x64xf32, #tpu.memory_space<hbm>> -> memref<1x64xf32, #tpu.memory_space<hbm>>
        %dma_start3A_82 = tpu.memref_squeeze %dma_start3A_81 : memref<1x64xf32, #tpu.memory_space<hbm>> -> memref<64xf32, #tpu.memory_space<hbm>>
        %dma_start3A_83 = arith.constant 0 : i32
        %dma_start3A_84 = tpu.memref_slice %arg5[%add3A_79, %dma_start3A_83] : memref<512x64xf32, #tpu.memory_space<hbm>> -> memref<1x64xf32, #tpu.memory_space<hbm>>
        %dma_start3A_85 = tpu.memref_squeeze %dma_start3A_84 : memref<1x64xf32, #tpu.memory_space<hbm>> -> memref<64xf32, #tpu.memory_space<hbm>>
        tpu.enqueue_dma source(%arg14 : memref<64xf32, #tpu.memory_space<vmem>>) target(%dma_start3A_85 : memref<64xf32, #tpu.memory_space<hbm>>) target_semaphore(%run_scoped3A : memref<!tpu.dma_semaphore, #tpu.memory_space<semaphore_mem>>)
        %dma_wait3A = arith.constant 0 : i32
        %dma_wait3A_86 = tpu.memref_slice %arg5[%add3A_79, %dma_wait3A] : memref<512x64xf32, #tpu.memory_space<hbm>> -> memref<1x64xf32, #tpu.memory_space<hbm>>
        %dma_wait3A_87 = tpu.memref_squeeze %dma_wait3A_86 : memref<1x64xf32, #tpu.memory_space<hbm>> -> memref<64xf32, #tpu.memory_space<hbm>>
        %dma_wait3A_88 = arith.constant 0 : i32
        %dma_wait3A_89 = tpu.memref_slice %arg5[%add3A_79, %dma_wait3A_88] : memref<512x64xf32, #tpu.memory_space<hbm>> -> memref<1x64xf32, #tpu.memory_space<hbm>>
        %dma_wait3A_90 = tpu.memref_squeeze %dma_wait3A_89 : memref<1x64xf32, #tpu.memory_space<hbm>> -> memref<64xf32, #tpu.memory_space<hbm>>
        tpu.wait_dma2 semaphore(%run_scoped3A : memref<!tpu.dma_semaphore, #tpu.memory_space<semaphore_mem>>) src(%arg14 : memref<64xf32, #tpu.memory_space<vmem>>) dst(%dma_wait3A_90 : memref<64xf32, #tpu.memory_space<hbm>>)
        tpu.yield
      }) : () -> ()
      %scan3A_80 = arith.constant 0 : i32
      scf.yield %scan3A_80 : i32
    }
    %scan3A_30 = arith.constant 16 : i32
    return
  }
}

module attributes {stable_mosaic.version = 14 : i64} {
  func.func @_kproj_body(%arg0: i32, %arg1: i32, %arg2: memref<1x512x256xf32, #tpu.memory_space<vmem>>, %arg3: memref<5x8xf32, #tpu.memory_space<vmem>>, %arg4: memref<264x256xf32, #tpu.memory_space<vmem>>, %arg5: memref<1x1x512x256xf32, #tpu.memory_space<vmem>>) attributes {dimension_semantics = [#tpu.dimension_semantics<arbitrary>, #tpu.dimension_semantics<arbitrary>], iteration_bounds = array<i64: 8, 5>, scalar_prefetch = 0 : i64, scratch_operands = 0 : i64, tpu.core_type = #tpu.core_type<tc>, window_params = [{transform_indices = @transform_0, window_bounds = array<i64: 1, 512, 256>}, {pipeline_mode = #tpu.pipeline_mode<synchronous>, transform_indices = @transform_1, window_bounds = array<i64: 5, 8>}, {pipeline_mode = #tpu.pipeline_mode<synchronous>, transform_indices = @transform_2, window_bounds = array<i64: 264, 256>}, {transform_indices = @transform_3, window_bounds = array<i64: 1, 1, 512, 256>}]} {
    %get3A = arith.index_cast %arg1 : i32 to index
    %get3A_0 = arith.constant 0 : index
    %get3A_1 = vector.load %arg3[%get3A, %get3A_0] : memref<5x8xf32, #tpu.memory_space<vmem>>, vector<1x8xf32>
    %squeeze3A = vector.shape_cast %get3A_1 : vector<1x8xf32> to vector<8xf32>
    %get3A_2 = arith.constant 0 : index
    %get3A_3 = arith.constant 0 : index
    %get3A_4 = arith.constant 0 : index
    %get3A_5 = vector.load %arg2[%get3A_2, %get3A_3, %get3A_4] : memref<1x512x256xf32, #tpu.memory_space<vmem>>, vector<1x512x256xf32>
    %get3A_6 = vector.shape_cast %get3A_5 : vector<1x512x256xf32> to vector<512x256xf32>
    %broadcast_in_dim3A = vector.shape_cast %squeeze3A : vector<8xf32> to vector<1x8xf32>
    %broadcast_in_dim3A_7 = vector.shape_cast %broadcast_in_dim3A : vector<1x8xf32> to vector<1x8xf32>
    %broadcast_in_dim3A_8 = vector.broadcast %broadcast_in_dim3A_7 : vector<1x8xf32> to vector<512x8xf32>
    %concatenate3A = tpu.concatenate %get3A_6, %broadcast_in_dim3A_8 in 1 : vector<512x256xf32>, vector<512x8xf32> -> vector<512x264xf32>
    %get3A_9 = arith.constant 0 : index
    %get3A_10 = arith.constant 0 : index
    %get3A_11 = vector.load %arg4[%get3A_9, %get3A_10] : memref<264x256xf32, #tpu.memory_space<vmem>>, vector<264x256xf32>
    %dot_general3A = arith.constant dense<0.000000e+00> : vector<512x256xf32>
    %dot_general3A_12 = tpu.matmul %concatenate3A, %get3A_11, %dot_general3A {dimension_numbers = #tpu.dot_dimension_numbers<[1], [0], [0], [1], [0, 0, 1, 1], [], []>, transpose_lhs_hint = false} : vector<512x264xf32>, vector<264x256xf32>, vector<512x256xf32> -> vector<512x256xf32>
    %swap3A = arith.constant 0 : index
    %swap3A_13 = arith.constant 0 : index
    %swap3A_14 = arith.constant 0 : index
    %swap3A_15 = arith.constant 0 : index
    %swap3A_16 = vector.load %arg5[%swap3A, %swap3A_13, %swap3A_14, %swap3A_15] : memref<1x1x512x256xf32, #tpu.memory_space<vmem>>, vector<1x1x512x256xf32>
    %swap3A_17 = vector.shape_cast %swap3A_16 : vector<1x1x512x256xf32> to vector<512x256xf32>
    %swap3A_18 = vector.shape_cast %dot_general3A_12 : vector<512x256xf32> to vector<1x1x512x256xf32>
    tpu.vector_store %arg5[%swap3A, %swap3A_13, %swap3A_14, %swap3A_15], %swap3A_18 {strides = array<i32>} : memref<1x1x512x256xf32, #tpu.memory_space<vmem>>, vector<1x1x512x256xf32>,
    return
  }
  func.func @transform_0(%arg0: i32, %arg1: i32) -> (i32, i32, i32) {
    %c0_i32 = arith.constant 0 : i32
    %c0_i32_0 = arith.constant 0 : i32
    %c0_i32_1 = arith.constant 0 : i32
    return %arg0, %c0_i32, %c0_i32_0 : i32, i32, i32
  }
  func.func @transform_1(%arg0: i32, %arg1: i32) -> (i32, i32) {
    %c0_i32 = arith.constant 0 : i32
    %c0_i32_0 = arith.constant 0 : i32
    %c0_i32_1 = arith.constant 0 : i32
    return %c0_i32, %c0_i32_0 : i32, i32
  }
  func.func @transform_2(%arg0: i32, %arg1: i32) -> (i32, i32) {
    %c0_i32 = arith.constant 0 : i32
    %c0_i32_0 = arith.constant 0 : i32
    %c0_i32_1 = arith.constant 0 : i32
    return %c0_i32, %c0_i32_0 : i32, i32
  }
  func.func @transform_3(%arg0: i32, %arg1: i32) -> (i32, i32, i32, i32) {
    %c0_i32 = arith.constant 0 : i32
    %c0_i32_0 = arith.constant 0 : i32
    %c0_i32_1 = arith.constant 0 : i32
    return %arg0, %arg1, %c0_i32, %c0_i32_0 : i32, i32, i32, i32
  }
}

module attributes {stable_mosaic.version = 14 : i64} {
  func.func @_proj_body(%arg0: memref<4096x256xf32, #tpu.memory_space<vmem>>, %arg1: memref<256x256xf32, #tpu.memory_space<vmem>>, %arg2: memref<256x256xf32, #tpu.memory_space<vmem>>, %arg3: memref<4096x256xf32, #tpu.memory_space<vmem>>, %arg4: memref<4096x256xf32, #tpu.memory_space<vmem>>) attributes {dimension_semantics = [], scalar_prefetch = 0 : i64, scratch_operands = 0 : i64, tpu.core_type = #tpu.core_type<tc>} {
    %get3A = arith.constant 0 : index
    %get3A_0 = arith.constant 0 : index
    %get3A_1 = vector.load %arg0[%get3A, %get3A_0] : memref<4096x256xf32, #tpu.memory_space<vmem>>, vector<4096x256xf32>
    %get3A_2 = arith.constant 0 : index
    %get3A_3 = arith.constant 0 : index
    %get3A_4 = vector.load %arg1[%get3A_2, %get3A_3] : memref<256x256xf32, #tpu.memory_space<vmem>>, vector<256x256xf32>
    %dot_general3A = arith.constant dense<0.000000e+00> : vector<4096x256xf32>
    %dot_general3A_5 = tpu.matmul %get3A_1, %get3A_4, %dot_general3A {dimension_numbers = #tpu.dot_dimension_numbers<[1], [0], [0], [1], [0, 0, 1, 1], [], []>, transpose_lhs_hint = false} : vector<4096x256xf32>, vector<256x256xf32>, vector<4096x256xf32> -> vector<4096x256xf32>
    %swap3A = arith.constant 0 : index
    %swap3A_6 = arith.constant 0 : index
    %swap3A_7 = vector.load %arg3[%swap3A, %swap3A_6] : memref<4096x256xf32, #tpu.memory_space<vmem>>, vector<4096x256xf32>
    tpu.vector_store %arg3[%swap3A, %swap3A_6], %dot_general3A_5 {strides = array<i32>} : memref<4096x256xf32, #tpu.memory_space<vmem>>, vector<4096x256xf32>,
    %get3A_8 = arith.constant 0 : index
    %get3A_9 = arith.constant 0 : index
    %get3A_10 = vector.load %arg2[%get3A_8, %get3A_9] : memref<256x256xf32, #tpu.memory_space<vmem>>, vector<256x256xf32>
    %dot_general3A_11 = arith.constant dense<0.000000e+00> : vector<4096x256xf32>
    %dot_general3A_12 = tpu.matmul %get3A_1, %get3A_10, %dot_general3A_11 {dimension_numbers = #tpu.dot_dimension_numbers<[1], [0], [0], [1], [0, 0, 1, 1], [], []>, transpose_lhs_hint = false} : vector<4096x256xf32>, vector<256x256xf32>, vector<4096x256xf32> -> vector<4096x256xf32>
    %swap3A_13 = arith.constant 0 : index
    %swap3A_14 = arith.constant 0 : index
    %swap3A_15 = vector.load %arg4[%swap3A_13, %swap3A_14] : memref<4096x256xf32, #tpu.memory_space<vmem>>, vector<4096x256xf32>
    tpu.vector_store %arg4[%swap3A_13, %swap3A_14], %dot_general3A_12 {strides = array<i32>} : memref<4096x256xf32, #tpu.memory_space<vmem>>, vector<4096x256xf32>,
    return
  }
}

module attributes {stable_mosaic.version = 14 : i64} {
  func.func @_score_body(%arg0: i32, %arg1: i32, %arg2: memref<1x1x512x32xf32, #tpu.memory_space<vmem>>, %arg3: memref<8x5x1x512x32xf32, #tpu.memory_space<vmem>>, %arg4: memref<512x512xf32, #tpu.memory_space<vmem>>, %arg5: memref<8x512xf32, #tpu.memory_space<vmem>>, %arg6: memref<1x5xf32, #tpu.memory_space<vmem>>, %arg7: memref<1x20x512x128xf32, #tpu.memory_space<vmem>>) attributes {dimension_semantics = [#tpu.dimension_semantics<arbitrary>, #tpu.dimension_semantics<arbitrary>], iteration_bounds = array<i64: 8, 8>, scalar_prefetch = 0 : i64, scratch_operands = 0 : i64, tpu.core_type = #tpu.core_type<tc>, window_params = [{transform_indices = @transform_0, window_bounds = array<i64: 1, 1, 512, 32>}, {transform_indices = @transform_1, window_bounds = array<i64: 8, 5, 1, 512, 32>}, {pipeline_mode = #tpu.pipeline_mode<synchronous>, transform_indices = @transform_2, window_bounds = array<i64: 512, 512>}, {pipeline_mode = #tpu.pipeline_mode<synchronous>, transform_indices = @transform_3, window_bounds = array<i64: 8, 512>}, {pipeline_mode = #tpu.pipeline_mode<synchronous>, transform_indices = @transform_4, window_bounds = array<i64: 1, 5>}, {transform_indices = @transform_5, window_bounds = array<i64: 1, 20, 512, 128>}]} {
    %get3A = arith.constant 0 : index
    %get3A_0 = arith.constant 0 : index
    %get3A_1 = arith.constant 0 : index
    %get3A_2 = arith.constant 0 : index
    %get3A_3 = vector.load %arg2[%get3A, %get3A_0, %get3A_1, %get3A_2] : memref<1x1x512x32xf32, #tpu.memory_space<vmem>>, vector<1x1x512x32xf32>
    %get3A_4 = vector.shape_cast %get3A_3 : vector<1x1x512x32xf32> to vector<512x32xf32>
    %get3A_5 = arith.constant 0 : index
    %get3A_6 = arith.constant 0 : index
    %get3A_7 = vector.load %arg4[%get3A_5, %get3A_6] : memref<512x512xf32, #tpu.memory_space<vmem>>, vector<512x512xf32>
    %gt3A = arith.constant 0.000000e+00 : f32
    %gt3A_8 = vector.broadcast %gt3A : f32 to vector<512x512xf32>
    %gt3A_9 = arith.cmpf ogt, %get3A_7, %gt3A_8 : vector<512x512xf32>
    %ge3A = arith.constant 0 : i32
    %ge3A_10 = arith.cmpi sge, %arg0, %ge3A : i32
    %sub3A = arith.constant 0 : i32
    %sub3A_11 = arith.subi %arg0, %sub3A : i32
    %max3A = arith.constant 0 : i32
    %max3A_12 = arith.maxsi %sub3A_11, %max3A : i32
    %get3A_13 = arith.index_cast %max3A_12 : i32 to index
    %get3A_14 = arith.constant 0 : index
    %get3A_15 = arith.constant 0 : index
    %get3A_16 = arith.constant 0 : index
    %get3A_17 = arith.constant 0 : index
    %get3A_18 = vector.load %arg3[%get3A_13, %get3A_14, %get3A_15, %get3A_16, %get3A_17] : memref<8x5x1x512x32xf32, #tpu.memory_space<vmem>>, vector<1x1x1x512x32xf32>
    %get3A_19 = vector.shape_cast %get3A_18 : vector<1x1x1x512x32xf32> to vector<1x512x32xf32>
    %squeeze3A = vector.shape_cast %get3A_19 : vector<1x512x32xf32> to vector<512x32xf32>
    %dot_general3A = arith.constant dense<0.000000e+00> : vector<512x512xf32>
    %dot_general3A_20 = tpu.matmul %get3A_4, %squeeze3A, %dot_general3A {dimension_numbers = #tpu.dot_dimension_numbers<[1], [1], [0], [0], [0, 0, 1, 0], [], []>, transpose_lhs_hint = false} : vector<512x32xf32>, vector<512x32xf32>, vector<512x512xf32> -> vector<512x512xf32>
    %mul3A = arith.constant 0.176776692 : f32
    %mul3A_21 = vector.broadcast %mul3A : f32 to vector<512x512xf32>
    %mul3A_22 = arith.mulf %dot_general3A_20, %mul3A_21 : vector<512x512xf32>
    %get3A_23 = arith.constant 0 : index
    %get3A_24 = arith.constant 0 : index
    %get3A_25 = vector.load %arg6[%get3A_23, %get3A_24] : memref<1x5xf32, #tpu.memory_space<vmem>>, vector<1x1xf32>
    %get3A_26 = vector.extract %get3A_25[0, 0] : f32 from vector<1x1xf32>
    %add3A = vector.broadcast %get3A_26 : f32 to vector<512x512xf32>
    %add3A_27 = arith.addf %mul3A_22, %add3A : vector<512x512xf32>
    %get3A_28 = arith.index_cast %max3A_12 : i32 to index
    %get3A_29 = arith.constant 0 : index
    %get3A_30 = vector.load %arg5[%get3A_28, %get3A_29] : memref<8x512xf32, #tpu.memory_space<vmem>>, vector<1x512xf32>
    %squeeze3A_31 = vector.shape_cast %get3A_30 : vector<1x512xf32> to vector<512xf32>
    %broadcast_in_dim3A = vector.shape_cast %squeeze3A_31 : vector<512xf32> to vector<1x512xf32>
    %add3A_32 = vector.broadcast %broadcast_in_dim3A : vector<1x512xf32> to vector<512x512xf32>
    %add3A_33 = arith.addf %add3A_27, %add3A_32 : vector<512x512xf32>
    %and3A = vector.broadcast %ge3A_10 : i1 to vector<512x512xi1>
    %and3A_34 = arith.andi %gt3A_9, %and3A : vector<512x512xi1>
    %jit3A = arith.constant -1.000000e+09 : f32
    %broadcast_in_dim3A_35 = vector.broadcast %jit3A : f32 to vector<512x512xf32>
    %select_n3A = arith.select %and3A_34, %add3A_33, %broadcast_in_dim3A_35 : vector<512x512xi1>, vector<512x512xf32>
    %slice3A = vector.extract_strided_slice %select_n3A {offsets = [0, 0], sizes = [512, 128], strides = [1, 1]} : vector<512x512xf32> to vector<512x128xf32>
    %swap3A = arith.constant 0 : index
    %swap3A_36 = arith.constant 0 : index
    %swap3A_37 = arith.constant 0 : index
    %swap3A_38 = arith.constant 0 : index
    %swap3A_39 = vector.load %arg7[%swap3A, %swap3A_36, %swap3A_37, %swap3A_38] : memref<1x20x512x128xf32, #tpu.memory_space<vmem>>, vector<1x1x512x128xf32>
    %swap3A_40 = vector.shape_cast %swap3A_39 : vector<1x1x512x128xf32> to vector<512x128xf32>
    %swap3A_41 = vector.shape_cast %slice3A : vector<512x128xf32> to vector<1x1x512x128xf32>
    tpu.vector_store %arg7[%swap3A, %swap3A_36, %swap3A_37, %swap3A_38], %swap3A_41 {strides = array<i32>} : memref<1x20x512x128xf32, #tpu.memory_space<vmem>>, vector<1x1x512x128xf32>,
    %slice3A_42 = vector.extract_strided_slice %select_n3A {offsets = [0, 128], sizes = [512, 128], strides = [1, 1]} : vector<512x512xf32> to vector<512x128xf32>
    %swap3A_43 = arith.constant 0 : index
    %swap3A_44 = arith.constant 1 : index
    %swap3A_45 = arith.constant 0 : index
    %swap3A_46 = arith.constant 0 : index
    %swap3A_47 = vector.load %arg7[%swap3A_43, %swap3A_44, %swap3A_45, %swap3A_46] : memref<1x20x512x128xf32, #tpu.memory_space<vmem>>, vector<1x1x512x128xf32>
    %swap3A_48 = vector.shape_cast %swap3A_47 : vector<1x1x512x128xf32> to vector<512x128xf32>
    %swap3A_49 = vector.shape_cast %slice3A_42 : vector<512x128xf32> to vector<1x1x512x128xf32>
    tpu.vector_store %arg7[%swap3A_43, %swap3A_44, %swap3A_45, %swap3A_46], %swap3A_49 {strides = array<i32>} : memref<1x20x512x128xf32, #tpu.memory_space<vmem>>, vector<1x1x512x128xf32>,
    %slice3A_50 = vector.extract_strided_slice %select_n3A {offsets = [0, 256], sizes = [512, 128], strides = [1, 1]} : vector<512x512xf32> to vector<512x128xf32>
    %swap3A_51 = arith.constant 0 : index
    %swap3A_52 = arith.constant 2 : index
    %swap3A_53 = arith.constant 0 : index
    %swap3A_54 = arith.constant 0 : index
    %swap3A_55 = vector.load %arg7[%swap3A_51, %swap3A_52, %swap3A_53, %swap3A_54] : memref<1x20x512x128xf32, #tpu.memory_space<vmem>>, vector<1x1x512x128xf32>
    %swap3A_56 = vector.shape_cast %swap3A_55 : vector<1x1x512x128xf32> to vector<512x128xf32>
    %swap3A_57 = vector.shape_cast %slice3A_50 : vector<512x128xf32> to vector<1x1x512x128xf32>
    tpu.vector_store %arg7[%swap3A_51, %swap3A_52, %swap3A_53, %swap3A_54], %swap3A_57 {strides = array<i32>} : memref<1x20x512x128xf32, #tpu.memory_space<vmem>>, vector<1x1x512x128xf32>,
    %slice3A_58 = vector.extract_strided_slice %select_n3A {offsets = [0, 384], sizes = [512, 128], strides = [1, 1]} : vector<512x512xf32> to vector<512x128xf32>
    %swap3A_59 = arith.constant 0 : index
    %swap3A_60 = arith.constant 3 : index
    %swap3A_61 = arith.constant 0 : index
    %swap3A_62 = arith.constant 0 : index
    %swap3A_63 = vector.load %arg7[%swap3A_59, %swap3A_60, %swap3A_61, %swap3A_62] : memref<1x20x512x128xf32, #tpu.memory_space<vmem>>, vector<1x1x512x128xf32>
    %swap3A_64 = vector.shape_cast %swap3A_63 : vector<1x1x512x128xf32> to vector<512x128xf32>
    %swap3A_65 = vector.shape_cast %slice3A_58 : vector<512x128xf32> to vector<1x1x512x128xf32>
    tpu.vector_store %arg7[%swap3A_59, %swap3A_60, %swap3A_61, %swap3A_62], %swap3A_65 {strides = array<i32>} : memref<1x20x512x128xf32, #tpu.memory_space<vmem>>, vector<1x1x512x128xf32>,
    %ge3A_66 = arith.constant 1 : i32
    %ge3A_67 = arith.cmpi sge, %arg0, %ge3A_66 : i32
    %sub3A_68 = arith.constant 1 : i32
    %sub3A_69 = arith.subi %arg0, %sub3A_68 : i32
    %max3A_70 = arith.constant 0 : i32
    %max3A_71 = arith.maxsi %sub3A_69, %max3A_70 : i32
    %get3A_72 = arith.index_cast %max3A_71 : i32 to index
    %get3A_73 = arith.constant 1 : index
    %get3A_74 = arith.constant 0 : index
    %get3A_75 = arith.constant 0 : index
    %get3A_76 = arith.constant 0 : index
    %get3A_77 = vector.load %arg3[%get3A_72, %get3A_73, %get3A_74, %get3A_75, %get3A_76] : memref<8x5x1x512x32xf32, #tpu.memory_space<vmem>>, vector<1x1x1x512x32xf32>
    %get3A_78 = vector.shape_cast %get3A_77 : vector<1x1x1x512x32xf32> to vector<1x512x32xf32>
    %squeeze3A_79 = vector.shape_cast %get3A_78 : vector<1x512x32xf32> to vector<512x32xf32>
    %dot_general3A_80 = arith.constant dense<0.000000e+00> : vector<512x512xf32>
    %dot_general3A_81 = tpu.matmul %get3A_4, %squeeze3A_79, %dot_general3A_80 {dimension_numbers = #tpu.dot_dimension_numbers<[1], [1], [0], [0], [0, 0, 1, 0], [], []>, transpose_lhs_hint = false} : vector<512x32xf32>, vector<512x32xf32>, vector<512x512xf32> -> vector<512x512xf32>
    %mul3A_82 = arith.constant 0.176776692 : f32
    %mul3A_83 = vector.broadcast %mul3A_82 : f32 to vector<512x512xf32>
    %mul3A_84 = arith.mulf %dot_general3A_81, %mul3A_83 : vector<512x512xf32>
    %get3A_85 = arith.constant 0 : index
    %get3A_86 = arith.constant 1 : index
    %get3A_87 = vector.load %arg6[%get3A_85, %get3A_86] : memref<1x5xf32, #tpu.memory_space<vmem>>, vector<1x1xf32>
    %get3A_88 = vector.extract %get3A_87[0, 0] : f32 from vector<1x1xf32>
    %add3A_89 = vector.broadcast %get3A_88 : f32 to vector<512x512xf32>
    %add3A_90 = arith.addf %mul3A_84, %add3A_89 : vector<512x512xf32>
    %get3A_91 = arith.index_cast %max3A_71 : i32 to index
    %get3A_92 = arith.constant 0 : index
    %get3A_93 = vector.load %arg5[%get3A_91, %get3A_92] : memref<8x512xf32, #tpu.memory_space<vmem>>, vector<1x512xf32>
    %squeeze3A_94 = vector.shape_cast %get3A_93 : vector<1x512xf32> to vector<512xf32>
    %broadcast_in_dim3A_95 = vector.shape_cast %squeeze3A_94 : vector<512xf32> to vector<1x512xf32>
    %add3A_96 = vector.broadcast %broadcast_in_dim3A_95 : vector<1x512xf32> to vector<512x512xf32>
    %add3A_97 = arith.addf %add3A_90, %add3A_96 : vector<512x512xf32>
    %and3A_98 = vector.broadcast %ge3A_67 : i1 to vector<512x512xi1>
    %and3A_99 = arith.andi %gt3A_9, %and3A_98 : vector<512x512xi1>
    %jit3A_100 = arith.constant -1.000000e+09 : f32
    %broadcast_in_dim3A_101 = vector.broadcast %jit3A_100 : f32 to vector<512x512xf32>
    %select_n3A_102 = arith.select %and3A_99, %add3A_97, %broadcast_in_dim3A_101 : vector<512x512xi1>, vector<512x512xf32>
    %slice3A_103 = vector.extract_strided_slice %select_n3A_102 {offsets = [0, 0], sizes = [512, 128], strides = [1, 1]} : vector<512x512xf32> to vector<512x128xf32>
    %swap3A_104 = arith.constant 0 : index
    %swap3A_105 = arith.constant 4 : index
    %swap3A_106 = arith.constant 0 : index
    %swap3A_107 = arith.constant 0 : index
    %swap3A_108 = vector.load %arg7[%swap3A_104, %swap3A_105, %swap3A_106, %swap3A_107] : memref<1x20x512x128xf32, #tpu.memory_space<vmem>>, vector<1x1x512x128xf32>
    %swap3A_109 = vector.shape_cast %swap3A_108 : vector<1x1x512x128xf32> to vector<512x128xf32>
    %swap3A_110 = vector.shape_cast %slice3A_103 : vector<512x128xf32> to vector<1x1x512x128xf32>
    tpu.vector_store %arg7[%swap3A_104, %swap3A_105, %swap3A_106, %swap3A_107], %swap3A_110 {strides = array<i32>} : memref<1x20x512x128xf32, #tpu.memory_space<vmem>>, vector<1x1x512x128xf32>,
    %slice3A_111 = vector.extract_strided_slice %select_n3A_102 {offsets = [0, 128], sizes = [512, 128], strides = [1, 1]} : vector<512x512xf32> to vector<512x128xf32>
    %swap3A_112 = arith.constant 0 : index
    %swap3A_113 = arith.constant 5 : index
    %swap3A_114 = arith.constant 0 : index
    %swap3A_115 = arith.constant 0 : index
    %swap3A_116 = vector.load %arg7[%swap3A_112, %swap3A_113, %swap3A_114, %swap3A_115] : memref<1x20x512x128xf32, #tpu.memory_space<vmem>>, vector<1x1x512x128xf32>
    %swap3A_117 = vector.shape_cast %swap3A_116 : vector<1x1x512x128xf32> to vector<512x128xf32>
    %swap3A_118 = vector.shape_cast %slice3A_111 : vector<512x128xf32> to vector<1x1x512x128xf32>
    tpu.vector_store %arg7[%swap3A_112, %swap3A_113, %swap3A_114, %swap3A_115], %swap3A_118 {strides = array<i32>} : memref<1x20x512x128xf32, #tpu.memory_space<vmem>>, vector<1x1x512x128xf32>,
    %slice3A_119 = vector.extract_strided_slice %select_n3A_102 {offsets = [0, 256], sizes = [512, 128], strides = [1, 1]} : vector<512x512xf32> to vector<512x128xf32>
    %swap3A_120 = arith.constant 0 : index
    %swap3A_121 = arith.constant 6 : index
    %swap3A_122 = arith.constant 0 : index
    %swap3A_123 = arith.constant 0 : index
    %swap3A_124 = vector.load %arg7[%swap3A_120, %swap3A_121, %swap3A_122, %swap3A_123] : memref<1x20x512x128xf32, #tpu.memory_space<vmem>>, vector<1x1x512x128xf32>
    %swap3A_125 = vector.shape_cast %swap3A_124 : vector<1x1x512x128xf32> to vector<512x128xf32>
    %swap3A_126 = vector.shape_cast %slice3A_119 : vector<512x128xf32> to vector<1x1x512x128xf32>
    tpu.vector_store %arg7[%swap3A_120, %swap3A_121, %swap3A_122, %swap3A_123], %swap3A_126 {strides = array<i32>} : memref<1x20x512x128xf32, #tpu.memory_space<vmem>>, vector<1x1x512x128xf32>,
    %slice3A_127 = vector.extract_strided_slice %select_n3A_102 {offsets = [0, 384], sizes = [512, 128], strides = [1, 1]} : vector<512x512xf32> to vector<512x128xf32>
    %swap3A_128 = arith.constant 0 : index
    %swap3A_129 = arith.constant 7 : index
    %swap3A_130 = arith.constant 0 : index
    %swap3A_131 = arith.constant 0 : index
    %swap3A_132 = vector.load %arg7[%swap3A_128, %swap3A_129, %swap3A_130, %swap3A_131] : memref<1x20x512x128xf32, #tpu.memory_space<vmem>>, vector<1x1x512x128xf32>
    %swap3A_133 = vector.shape_cast %swap3A_132 : vector<1x1x512x128xf32> to vector<512x128xf32>
    %swap3A_134 = vector.shape_cast %slice3A_127 : vector<512x128xf32> to vector<1x1x512x128xf32>
    tpu.vector_store %arg7[%swap3A_128, %swap3A_129, %swap3A_130, %swap3A_131], %swap3A_134 {strides = array<i32>} : memref<1x20x512x128xf32, #tpu.memory_space<vmem>>, vector<1x1x512x128xf32>,
    %ge3A_135 = arith.constant 2 : i32
    %ge3A_136 = arith.cmpi sge, %arg0, %ge3A_135 : i32
    %sub3A_137 = arith.constant 2 : i32
    %sub3A_138 = arith.subi %arg0, %sub3A_137 : i32
    %max3A_139 = arith.constant 0 : i32
    %max3A_140 = arith.maxsi %sub3A_138, %max3A_139 : i32
    %get3A_141 = arith.index_cast %max3A_140 : i32 to index
    %get3A_142 = arith.constant 2 : index
    %get3A_143 = arith.constant 0 : index
    %get3A_144 = arith.constant 0 : index
    %get3A_145 = arith.constant 0 : index
    %get3A_146 = vector.load %arg3[%get3A_141, %get3A_142, %get3A_143, %get3A_144, %get3A_145] : memref<8x5x1x512x32xf32, #tpu.memory_space<vmem>>, vector<1x1x1x512x32xf32>
    %get3A_147 = vector.shape_cast %get3A_146 : vector<1x1x1x512x32xf32> to vector<1x512x32xf32>
    %squeeze3A_148 = vector.shape_cast %get3A_147 : vector<1x512x32xf32> to vector<512x32xf32>
    %dot_general3A_149 = arith.constant dense<0.000000e+00> : vector<512x512xf32>
    %dot_general3A_150 = tpu.matmul %get3A_4, %squeeze3A_148, %dot_general3A_149 {dimension_numbers = #tpu.dot_dimension_numbers<[1], [1], [0], [0], [0, 0, 1, 0], [], []>, transpose_lhs_hint = false} : vector<512x32xf32>, vector<512x32xf32>, vector<512x512xf32> -> vector<512x512xf32>
    %mul3A_151 = arith.constant 0.176776692 : f32
    %mul3A_152 = vector.broadcast %mul3A_151 : f32 to vector<512x512xf32>
    %mul3A_153 = arith.mulf %dot_general3A_150, %mul3A_152 : vector<512x512xf32>
    %get3A_154 = arith.constant 0 : index
    %get3A_155 = arith.constant 2 : index
    %get3A_156 = vector.load %arg6[%get3A_154, %get3A_155] : memref<1x5xf32, #tpu.memory_space<vmem>>, vector<1x1xf32>
    %get3A_157 = vector.extract %get3A_156[0, 0] : f32 from vector<1x1xf32>
    %add3A_158 = vector.broadcast %get3A_157 : f32 to vector<512x512xf32>
    %add3A_159 = arith.addf %mul3A_153, %add3A_158 : vector<512x512xf32>
    %get3A_160 = arith.index_cast %max3A_140 : i32 to index
    %get3A_161 = arith.constant 0 : index
    %get3A_162 = vector.load %arg5[%get3A_160, %get3A_161] : memref<8x512xf32, #tpu.memory_space<vmem>>, vector<1x512xf32>
    %squeeze3A_163 = vector.shape_cast %get3A_162 : vector<1x512xf32> to vector<512xf32>
    %broadcast_in_dim3A_164 = vector.shape_cast %squeeze3A_163 : vector<512xf32> to vector<1x512xf32>
    %add3A_165 = vector.broadcast %broadcast_in_dim3A_164 : vector<1x512xf32> to vector<512x512xf32>
    %add3A_166 = arith.addf %add3A_159, %add3A_165 : vector<512x512xf32>
    %and3A_167 = vector.broadcast %ge3A_136 : i1 to vector<512x512xi1>
    %and3A_168 = arith.andi %gt3A_9, %and3A_167 : vector<512x512xi1>
    %jit3A_169 = arith.constant -1.000000e+09 : f32
    %broadcast_in_dim3A_170 = vector.broadcast %jit3A_169 : f32 to vector<512x512xf32>
    %select_n3A_171 = arith.select %and3A_168, %add3A_166, %broadcast_in_dim3A_170 : vector<512x512xi1>, vector<512x512xf32>
    %slice3A_172 = vector.extract_strided_slice %select_n3A_171 {offsets = [0, 0], sizes = [512, 128], strides = [1, 1]} : vector<512x512xf32> to vector<512x128xf32>
    %swap3A_173 = arith.constant 0 : index
    %swap3A_174 = arith.constant 8 : index
    %swap3A_175 = arith.constant 0 : index
    %swap3A_176 = arith.constant 0 : index
    %swap3A_177 = vector.load %arg7[%swap3A_173, %swap3A_174, %swap3A_175, %swap3A_176] : memref<1x20x512x128xf32, #tpu.memory_space<vmem>>, vector<1x1x512x128xf32>
    %swap3A_178 = vector.shape_cast %swap3A_177 : vector<1x1x512x128xf32> to vector<512x128xf32>
    %swap3A_179 = vector.shape_cast %slice3A_172 : vector<512x128xf32> to vector<1x1x512x128xf32>
    tpu.vector_store %arg7[%swap3A_173, %swap3A_174, %swap3A_175, %swap3A_176], %swap3A_179 {strides = array<i32>} : memref<1x20x512x128xf32, #tpu.memory_space<vmem>>, vector<1x1x512x128xf32>,
    %slice3A_180 = vector.extract_strided_slice %select_n3A_171 {offsets = [0, 128], sizes = [512, 128], strides = [1, 1]} : vector<512x512xf32> to vector<512x128xf32>
    %swap3A_181 = arith.constant 0 : index
    %swap3A_182 = arith.constant 9 : index
    %swap3A_183 = arith.constant 0 : index
    %swap3A_184 = arith.constant 0 : index
    %swap3A_185 = vector.load %arg7[%swap3A_181, %swap3A_182, %swap3A_183, %swap3A_184] : memref<1x20x512x128xf32, #tpu.memory_space<vmem>>, vector<1x1x512x128xf32>
    %swap3A_186 = vector.shape_cast %swap3A_185 : vector<1x1x512x128xf32> to vector<512x128xf32>
    %swap3A_187 = vector.shape_cast %slice3A_180 : vector<512x128xf32> to vector<1x1x512x128xf32>
    tpu.vector_store %arg7[%swap3A_181, %swap3A_182, %swap3A_183, %swap3A_184], %swap3A_187 {strides = array<i32>} : memref<1x20x512x128xf32, #tpu.memory_space<vmem>>, vector<1x1x512x128xf32>,
    %slice3A_188 = vector.extract_strided_slice %select_n3A_171 {offsets = [0, 256], sizes = [512, 128], strides = [1, 1]} : vector<512x512xf32> to vector<512x128xf32>
    %swap3A_189 = arith.constant 0 : index
    %swap3A_190 = arith.constant 10 : index
    %swap3A_191 = arith.constant 0 : index
    %swap3A_192 = arith.constant 0 : index
    %swap3A_193 = vector.load %arg7[%swap3A_189, %swap3A_190, %swap3A_191, %swap3A_192] : memref<1x20x512x128xf32, #tpu.memory_space<vmem>>, vector<1x1x512x128xf32>
    %swap3A_194 = vector.shape_cast %swap3A_193 : vector<1x1x512x128xf32> to vector<512x128xf32>
    %swap3A_195 = vector.shape_cast %slice3A_188 : vector<512x128xf32> to vector<1x1x512x128xf32>
    tpu.vector_store %arg7[%swap3A_189, %swap3A_190, %swap3A_191, %swap3A_192], %swap3A_195 {strides = array<i32>} : memref<1x20x512x128xf32, #tpu.memory_space<vmem>>, vector<1x1x512x128xf32>,
    %slice3A_196 = vector.extract_strided_slice %select_n3A_171 {offsets = [0, 384], sizes = [512, 128], strides = [1, 1]} : vector<512x512xf32> to vector<512x128xf32>
    %swap3A_197 = arith.constant 0 : index
    %swap3A_198 = arith.constant 11 : index
    %swap3A_199 = arith.constant 0 : index
    %swap3A_200 = arith.constant 0 : index
    %swap3A_201 = vector.load %arg7[%swap3A_197, %swap3A_198, %swap3A_199, %swap3A_200] : memref<1x20x512x128xf32, #tpu.memory_space<vmem>>, vector<1x1x512x128xf32>
    %swap3A_202 = vector.shape_cast %swap3A_201 : vector<1x1x512x128xf32> to vector<512x128xf32>
    %swap3A_203 = vector.shape_cast %slice3A_196 : vector<512x128xf32> to vector<1x1x512x128xf32>
    tpu.vector_store %arg7[%swap3A_197, %swap3A_198, %swap3A_199, %swap3A_200], %swap3A_203 {strides = array<i32>} : memref<1x20x512x128xf32, #tpu.memory_space<vmem>>, vector<1x1x512x128xf32>,
    %ge3A_204 = arith.constant 3 : i32
    %ge3A_205 = arith.cmpi sge, %arg0, %ge3A_204 : i32
    %sub3A_206 = arith.constant 3 : i32
    %sub3A_207 = arith.subi %arg0, %sub3A_206 : i32
    %max3A_208 = arith.constant 0 : i32
    %max3A_209 = arith.maxsi %sub3A_207, %max3A_208 : i32
    %get3A_210 = arith.index_cast %max3A_209 : i32 to index
    %get3A_211 = arith.constant 3 : index
    %get3A_212 = arith.constant 0 : index
    %get3A_213 = arith.constant 0 : index
    %get3A_214 = arith.constant 0 : index
    %get3A_215 = vector.load %arg3[%get3A_210, %get3A_211, %get3A_212, %get3A_213, %get3A_214] : memref<8x5x1x512x32xf32, #tpu.memory_space<vmem>>, vector<1x1x1x512x32xf32>
    %get3A_216 = vector.shape_cast %get3A_215 : vector<1x1x1x512x32xf32> to vector<1x512x32xf32>
    %squeeze3A_217 = vector.shape_cast %get3A_216 : vector<1x512x32xf32> to vector<512x32xf32>
    %dot_general3A_218 = arith.constant dense<0.000000e+00> : vector<512x512xf32>
    %dot_general3A_219 = tpu.matmul %get3A_4, %squeeze3A_217, %dot_general3A_218 {dimension_numbers = #tpu.dot_dimension_numbers<[1], [1], [0], [0], [0, 0, 1, 0], [], []>, transpose_lhs_hint = false} : vector<512x32xf32>, vector<512x32xf32>, vector<512x512xf32> -> vector<512x512xf32>
    %mul3A_220 = arith.constant 0.176776692 : f32
    %mul3A_221 = vector.broadcast %mul3A_220 : f32 to vector<512x512xf32>
    %mul3A_222 = arith.mulf %dot_general3A_219, %mul3A_221 : vector<512x512xf32>
    %get3A_223 = arith.constant 0 : index
    %get3A_224 = arith.constant 3 : index
    %get3A_225 = vector.load %arg6[%get3A_223, %get3A_224] : memref<1x5xf32, #tpu.memory_space<vmem>>, vector<1x1xf32>
    %get3A_226 = vector.extract %get3A_225[0, 0] : f32 from vector<1x1xf32>
    %add3A_227 = vector.broadcast %get3A_226 : f32 to vector<512x512xf32>
    %add3A_228 = arith.addf %mul3A_222, %add3A_227 : vector<512x512xf32>
    %get3A_229 = arith.index_cast %max3A_209 : i32 to index
    %get3A_230 = arith.constant 0 : index
    %get3A_231 = vector.load %arg5[%get3A_229, %get3A_230] : memref<8x512xf32, #tpu.memory_space<vmem>>, vector<1x512xf32>
    %squeeze3A_232 = vector.shape_cast %get3A_231 : vector<1x512xf32> to vector<512xf32>
    %broadcast_in_dim3A_233 = vector.shape_cast %squeeze3A_232 : vector<512xf32> to vector<1x512xf32>
    %add3A_234 = vector.broadcast %broadcast_in_dim3A_233 : vector<1x512xf32> to vector<512x512xf32>
    %add3A_235 = arith.addf %add3A_228, %add3A_234 : vector<512x512xf32>
    %and3A_236 = vector.broadcast %ge3A_205 : i1 to vector<512x512xi1>
    %and3A_237 = arith.andi %gt3A_9, %and3A_236 : vector<512x512xi1>
    %jit3A_238 = arith.constant -1.000000e+09 : f32
    %broadcast_in_dim3A_239 = vector.broadcast %jit3A_238 : f32 to vector<512x512xf32>
    %select_n3A_240 = arith.select %and3A_237, %add3A_235, %broadcast_in_dim3A_239 : vector<512x512xi1>, vector<512x512xf32>
    %slice3A_241 = vector.extract_strided_slice %select_n3A_240 {offsets = [0, 0], sizes = [512, 128], strides = [1, 1]} : vector<512x512xf32> to vector<512x128xf32>
    %swap3A_242 = arith.constant 0 : index
    %swap3A_243 = arith.constant 12 : index
    %swap3A_244 = arith.constant 0 : index
    %swap3A_245 = arith.constant 0 : index
    %swap3A_246 = vector.load %arg7[%swap3A_242, %swap3A_243, %swap3A_244, %swap3A_245] : memref<1x20x512x128xf32, #tpu.memory_space<vmem>>, vector<1x1x512x128xf32>
    %swap3A_247 = vector.shape_cast %swap3A_246 : vector<1x1x512x128xf32> to vector<512x128xf32>
    %swap3A_248 = vector.shape_cast %slice3A_241 : vector<512x128xf32> to vector<1x1x512x128xf32>
    tpu.vector_store %arg7[%swap3A_242, %swap3A_243, %swap3A_244, %swap3A_245], %swap3A_248 {strides = array<i32>} : memref<1x20x512x128xf32, #tpu.memory_space<vmem>>, vector<1x1x512x128xf32>,
    %slice3A_249 = vector.extract_strided_slice %select_n3A_240 {offsets = [0, 128], sizes = [512, 128], strides = [1, 1]} : vector<512x512xf32> to vector<512x128xf32>
    %swap3A_250 = arith.constant 0 : index
    %swap3A_251 = arith.constant 13 : index
    %swap3A_252 = arith.constant 0 : index
    %swap3A_253 = arith.constant 0 : index
    %swap3A_254 = vector.load %arg7[%swap3A_250, %swap3A_251, %swap3A_252, %swap3A_253] : memref<1x20x512x128xf32, #tpu.memory_space<vmem>>, vector<1x1x512x128xf32>
    %swap3A_255 = vector.shape_cast %swap3A_254 : vector<1x1x512x128xf32> to vector<512x128xf32>
    %swap3A_256 = vector.shape_cast %slice3A_249 : vector<512x128xf32> to vector<1x1x512x128xf32>
    tpu.vector_store %arg7[%swap3A_250, %swap3A_251, %swap3A_252, %swap3A_253], %swap3A_256 {strides = array<i32>} : memref<1x20x512x128xf32, #tpu.memory_space<vmem>>, vector<1x1x512x128xf32>,
    %slice3A_257 = vector.extract_strided_slice %select_n3A_240 {offsets = [0, 256], sizes = [512, 128], strides = [1, 1]} : vector<512x512xf32> to vector<512x128xf32>
    %swap3A_258 = arith.constant 0 : index
    %swap3A_259 = arith.constant 14 : index
    %swap3A_260 = arith.constant 0 : index
    %swap3A_261 = arith.constant 0 : index
    %swap3A_262 = vector.load %arg7[%swap3A_258, %swap3A_259, %swap3A_260, %swap3A_261] : memref<1x20x512x128xf32, #tpu.memory_space<vmem>>, vector<1x1x512x128xf32>
    %swap3A_263 = vector.shape_cast %swap3A_262 : vector<1x1x512x128xf32> to vector<512x128xf32>
    %swap3A_264 = vector.shape_cast %slice3A_257 : vector<512x128xf32> to vector<1x1x512x128xf32>
    tpu.vector_store %arg7[%swap3A_258, %swap3A_259, %swap3A_260, %swap3A_261], %swap3A_264 {strides = array<i32>} : memref<1x20x512x128xf32, #tpu.memory_space<vmem>>, vector<1x1x512x128xf32>,
    %slice3A_265 = vector.extract_strided_slice %select_n3A_240 {offsets = [0, 384], sizes = [512, 128], strides = [1, 1]} : vector<512x512xf32> to vector<512x128xf32>
    %swap3A_266 = arith.constant 0 : index
    %swap3A_267 = arith.constant 15 : index
    %swap3A_268 = arith.constant 0 : index
    %swap3A_269 = arith.constant 0 : index
    %swap3A_270 = vector.load %arg7[%swap3A_266, %swap3A_267, %swap3A_268, %swap3A_269] : memref<1x20x512x128xf32, #tpu.memory_space<vmem>>, vector<1x1x512x128xf32>
    %swap3A_271 = vector.shape_cast %swap3A_270 : vector<1x1x512x128xf32> to vector<512x128xf32>
    %swap3A_272 = vector.shape_cast %slice3A_265 : vector<512x128xf32> to vector<1x1x512x128xf32>
    tpu.vector_store %arg7[%swap3A_266, %swap3A_267, %swap3A_268, %swap3A_269], %swap3A_272 {strides = array<i32>} : memref<1x20x512x128xf32, #tpu.memory_space<vmem>>, vector<1x1x512x128xf32>,
    %ge3A_273 = arith.constant 4 : i32
    %ge3A_274 = arith.cmpi sge, %arg0, %ge3A_273 : i32
    %sub3A_275 = arith.constant 4 : i32
    %sub3A_276 = arith.subi %arg0, %sub3A_275 : i32
    %max3A_277 = arith.constant 0 : i32
    %max3A_278 = arith.maxsi %sub3A_276, %max3A_277 : i32
    %get3A_279 = arith.index_cast %max3A_278 : i32 to index
    %get3A_280 = arith.constant 4 : index
    %get3A_281 = arith.constant 0 : index
    %get3A_282 = arith.constant 0 : index
    %get3A_283 = arith.constant 0 : index
    %get3A_284 = vector.load %arg3[%get3A_279, %get3A_280, %get3A_281, %get3A_282, %get3A_283] : memref<8x5x1x512x32xf32, #tpu.memory_space<vmem>>, vector<1x1x1x512x32xf32>
    %get3A_285 = vector.shape_cast %get3A_284 : vector<1x1x1x512x32xf32> to vector<1x512x32xf32>
    %squeeze3A_286 = vector.shape_cast %get3A_285 : vector<1x512x32xf32> to vector<512x32xf32>
    %dot_general3A_287 = arith.constant dense<0.000000e+00> : vector<512x512xf32>
    %dot_general3A_288 = tpu.matmul %get3A_4, %squeeze3A_286, %dot_general3A_287 {dimension_numbers = #tpu.dot_dimension_numbers<[1], [1], [0], [0], [0, 0, 1, 0], [], []>, transpose_lhs_hint = false} : vector<512x32xf32>, vector<512x32xf32>, vector<512x512xf32> -> vector<512x512xf32>
    %mul3A_289 = arith.constant 0.176776692 : f32
    %mul3A_290 = vector.broadcast %mul3A_289 : f32 to vector<512x512xf32>
    %mul3A_291 = arith.mulf %dot_general3A_288, %mul3A_290 : vector<512x512xf32>
    %get3A_292 = arith.constant 0 : index
    %get3A_293 = arith.constant 4 : index
    %get3A_294 = vector.load %arg6[%get3A_292, %get3A_293] : memref<1x5xf32, #tpu.memory_space<vmem>>, vector<1x1xf32>
    %get3A_295 = vector.extract %get3A_294[0, 0] : f32 from vector<1x1xf32>
    %add3A_296 = vector.broadcast %get3A_295 : f32 to vector<512x512xf32>
    %add3A_297 = arith.addf %mul3A_291, %add3A_296 : vector<512x512xf32>
    %get3A_298 = arith.index_cast %max3A_278 : i32 to index
    %get3A_299 = arith.constant 0 : index
    %get3A_300 = vector.load %arg5[%get3A_298, %get3A_299] : memref<8x512xf32, #tpu.memory_space<vmem>>, vector<1x512xf32>
    %squeeze3A_301 = vector.shape_cast %get3A_300 : vector<1x512xf32> to vector<512xf32>
    %broadcast_in_dim3A_302 = vector.shape_cast %squeeze3A_301 : vector<512xf32> to vector<1x512xf32>
    %add3A_303 = vector.broadcast %broadcast_in_dim3A_302 : vector<1x512xf32> to vector<512x512xf32>
    %add3A_304 = arith.addf %add3A_297, %add3A_303 : vector<512x512xf32>
    %and3A_305 = vector.broadcast %ge3A_274 : i1 to vector<512x512xi1>
    %and3A_306 = arith.andi %gt3A_9, %and3A_305 : vector<512x512xi1>
    %jit3A_307 = arith.constant -1.000000e+09 : f32
    %broadcast_in_dim3A_308 = vector.broadcast %jit3A_307 : f32 to vector<512x512xf32>
    %select_n3A_309 = arith.select %and3A_306, %add3A_304, %broadcast_in_dim3A_308 : vector<512x512xi1>, vector<512x512xf32>
    %slice3A_310 = vector.extract_strided_slice %select_n3A_309 {offsets = [0, 0], sizes = [512, 128], strides = [1, 1]} : vector<512x512xf32> to vector<512x128xf32>
    %swap3A_311 = arith.constant 0 : index
    %swap3A_312 = arith.constant 16 : index
    %swap3A_313 = arith.constant 0 : index
    %swap3A_314 = arith.constant 0 : index
    %swap3A_315 = vector.load %arg7[%swap3A_311, %swap3A_312, %swap3A_313, %swap3A_314] : memref<1x20x512x128xf32, #tpu.memory_space<vmem>>, vector<1x1x512x128xf32>
    %swap3A_316 = vector.shape_cast %swap3A_315 : vector<1x1x512x128xf32> to vector<512x128xf32>
    %swap3A_317 = vector.shape_cast %slice3A_310 : vector<512x128xf32> to vector<1x1x512x128xf32>
    tpu.vector_store %arg7[%swap3A_311, %swap3A_312, %swap3A_313, %swap3A_314], %swap3A_317 {strides = array<i32>} : memref<1x20x512x128xf32, #tpu.memory_space<vmem>>, vector<1x1x512x128xf32>,
    %slice3A_318 = vector.extract_strided_slice %select_n3A_309 {offsets = [0, 128], sizes = [512, 128], strides = [1, 1]} : vector<512x512xf32> to vector<512x128xf32>
    %swap3A_319 = arith.constant 0 : index
    %swap3A_320 = arith.constant 17 : index
    %swap3A_321 = arith.constant 0 : index
    %swap3A_322 = arith.constant 0 : index
    %swap3A_323 = vector.load %arg7[%swap3A_319, %swap3A_320, %swap3A_321, %swap3A_322] : memref<1x20x512x128xf32, #tpu.memory_space<vmem>>, vector<1x1x512x128xf32>
    %swap3A_324 = vector.shape_cast %swap3A_323 : vector<1x1x512x128xf32> to vector<512x128xf32>
    %swap3A_325 = vector.shape_cast %slice3A_318 : vector<512x128xf32> to vector<1x1x512x128xf32>
    tpu.vector_store %arg7[%swap3A_319, %swap3A_320, %swap3A_321, %swap3A_322], %swap3A_325 {strides = array<i32>} : memref<1x20x512x128xf32, #tpu.memory_space<vmem>>, vector<1x1x512x128xf32>,
    %slice3A_326 = vector.extract_strided_slice %select_n3A_309 {offsets = [0, 256], sizes = [512, 128], strides = [1, 1]} : vector<512x512xf32> to vector<512x128xf32>
    %swap3A_327 = arith.constant 0 : index
    %swap3A_328 = arith.constant 18 : index
    %swap3A_329 = arith.constant 0 : index
    %swap3A_330 = arith.constant 0 : index
    %swap3A_331 = vector.load %arg7[%swap3A_327, %swap3A_328, %swap3A_329, %swap3A_330] : memref<1x20x512x128xf32, #tpu.memory_space<vmem>>, vector<1x1x512x128xf32>
    %swap3A_332 = vector.shape_cast %swap3A_331 : vector<1x1x512x128xf32> to vector<512x128xf32>
    %swap3A_333 = vector.shape_cast %slice3A_326 : vector<512x128xf32> to vector<1x1x512x128xf32>
    tpu.vector_store %arg7[%swap3A_327, %swap3A_328, %swap3A_329, %swap3A_330], %swap3A_333 {strides = array<i32>} : memref<1x20x512x128xf32, #tpu.memory_space<vmem>>, vector<1x1x512x128xf32>,
    %slice3A_334 = vector.extract_strided_slice %select_n3A_309 {offsets = [0, 384], sizes = [512, 128], strides = [1, 1]} : vector<512x512xf32> to vector<512x128xf32>
    %swap3A_335 = arith.constant 0 : index
    %swap3A_336 = arith.constant 19 : index
    %swap3A_337 = arith.constant 0 : index
    %swap3A_338 = arith.constant 0 : index
    %swap3A_339 = vector.load %arg7[%swap3A_335, %swap3A_336, %swap3A_337, %swap3A_338] : memref<1x20x512x128xf32, #tpu.memory_space<vmem>>, vector<1x1x512x128xf32>
    %swap3A_340 = vector.shape_cast %swap3A_339 : vector<1x1x512x128xf32> to vector<512x128xf32>
    %swap3A_341 = vector.shape_cast %slice3A_334 : vector<512x128xf32> to vector<1x1x512x128xf32>
    tpu.vector_store %arg7[%swap3A_335, %swap3A_336, %swap3A_337, %swap3A_338], %swap3A_341 {strides = array<i32>} : memref<1x20x512x128xf32, #tpu.memory_space<vmem>>, vector<1x1x512x128xf32>,
    return
  }
  func.func @transform_0(%arg0: i32, %arg1: i32) -> (i32, i32, i32, i32) {
    %c0_i32 = arith.constant 0 : i32
    %c0_i32_0 = arith.constant 0 : i32
    %c0_i32_1 = arith.constant 0 : i32
    return %arg0, %arg1, %c0_i32, %c0_i32_0 : i32, i32, i32, i32
  }
  func.func @transform_1(%arg0: i32, %arg1: i32) -> (i32, i32, i32, i32, i32) {
    %c0_i32 = arith.constant 0 : i32
    %c0_i32_0 = arith.constant 0 : i32
    %c0_i32_1 = arith.constant 0 : i32
    %c0_i32_2 = arith.constant 0 : i32
    %c0_i32_3 = arith.constant 0 : i32
    return %c0_i32, %c0_i32_0, %arg1, %c0_i32_1, %c0_i32_2 : i32, i32, i32, i32, i32
  }
  func.func @transform_2(%arg0: i32, %arg1: i32) -> (i32, i32) {
    %c0_i32 = arith.constant 0 : i32
    %c0_i32_0 = arith.constant 0 : i32
    %c0_i32_1 = arith.constant 0 : i32
    return %c0_i32, %c0_i32_0 : i32, i32
  }
  func.func @transform_3(%arg0: i32, %arg1: i32) -> (i32, i32) {
    %c0_i32 = arith.constant 0 : i32
    %c0_i32_0 = arith.constant 0 : i32
    %c0_i32_1 = arith.constant 0 : i32
    return %c0_i32, %c0_i32_0 : i32, i32
  }
  func.func @transform_4(%arg0: i32, %arg1: i32) -> (i32, i32) {
    %c0_i32 = arith.constant 0 : i32
    %c0_i32_0 = arith.constant 0 : i32
    %c0_i32_1 = arith.constant 0 : i32
    return %c0_i32, %c0_i32_0 : i32, i32
  }
  func.func @transform_5(%arg0: i32, %arg1: i32) -> (i32, i32, i32, i32) {
    %mul3A = arith.constant 8 : i32
    %mul3A_0 = arith.muli %arg0, %mul3A : i32
    %add3A = arith.addi %mul3A_0, %arg1 : i32
    %c0_i32 = arith.constant 0 : i32
    %c0_i32_1 = arith.constant 0 : i32
    %c0_i32_2 = arith.constant 0 : i32
    %c0_i32_3 = arith.constant 0 : i32
    return %add3A, %c0_i32, %c0_i32_1, %c0_i32_2 : i32, i32, i32, i32
  }
}

module attributes {stable_mosaic.version = 14 : i64} {
  func.func @_finish_body(%arg0: i32, %arg1: i32, %arg2: memref<1x20x512x128xf32, #tpu.memory_space<vmem>>, %arg3: memref<8x1x512x32xf32, #tpu.memory_space<vmem>>, %arg4: memref<512x512xf32, #tpu.memory_space<vmem>>, %arg5: memref<1x1x1x512xf32, #tpu.memory_space<vmem>>, %arg6: memref<1x1x512x32xf32, #tpu.memory_space<vmem>>) attributes {dimension_semantics = [#tpu.dimension_semantics<arbitrary>, #tpu.dimension_semantics<arbitrary>], iteration_bounds = array<i64: 8, 8>, scalar_prefetch = 0 : i64, scratch_operands = 0 : i64, tpu.core_type = #tpu.core_type<tc>, window_params = [{transform_indices = @transform_0, window_bounds = array<i64: 1, 20, 512, 128>}, {transform_indices = @transform_1, window_bounds = array<i64: 8, 1, 512, 32>}, {pipeline_mode = #tpu.pipeline_mode<synchronous>, transform_indices = @transform_2, window_bounds = array<i64: 512, 512>}, {transform_indices = @transform_3, window_bounds = array<i64: 1, 1, 1, 512>}, {transform_indices = @transform_4, window_bounds = array<i64: 1, 1, 512, 32>}]} {
    %get3A = arith.constant 0 : index
    %get3A_0 = arith.constant 0 : index
    %get3A_1 = vector.load %arg4[%get3A, %get3A_0] : memref<512x512xf32, #tpu.memory_space<vmem>>, vector<512x512xf32>
    %gt3A = arith.constant 0.000000e+00 : f32
    %gt3A_2 = vector.broadcast %gt3A : f32 to vector<512x512xf32>
    %gt3A_3 = arith.cmpf ogt, %get3A_1, %gt3A_2 : vector<512x512xf32>
    %get3A_4 = arith.constant 0 : index
    %get3A_5 = arith.constant 0 : index
    %get3A_6 = arith.constant 0 : index
    %get3A_7 = arith.constant 0 : index
    %get3A_8 = vector.load %arg5[%get3A_4, %get3A_5, %get3A_6, %get3A_7] : memref<1x1x1x512xf32, #tpu.memory_space<vmem>>, vector<1x1x1x512xf32>
    %get3A_9 = vector.shape_cast %get3A_8 : vector<1x1x1x512xf32> to vector<512xf32>
    %broadcast_in_dim3A = vector.shape_cast %get3A_9 : vector<512xf32> to vector<512x1xf32>
    %broadcast_in_dim3A_10 = arith.constant -1.000000e+09 : f32
    %broadcast_in_dim3A_11 = vector.broadcast %broadcast_in_dim3A_10 : f32 to vector<512x1xf32>
    %get3A_12 = arith.constant 0 : index
    %get3A_13 = arith.constant 0 : index
    %get3A_14 = arith.constant 0 : index
    %get3A_15 = arith.constant 0 : index
    %get3A_16 = vector.load %arg2[%get3A_12, %get3A_13, %get3A_14, %get3A_15] : memref<1x20x512x128xf32, #tpu.memory_space<vmem>>, vector<1x1x512x128xf32>
    %get3A_17 = vector.shape_cast %get3A_16 : vector<1x1x512x128xf32> to vector<512x128xf32>
    %get3A_18 = arith.constant 0 : index
    %get3A_19 = arith.constant 1 : index
    %get3A_20 = arith.constant 0 : index
    %get3A_21 = arith.constant 0 : index
    %get3A_22 = vector.load %arg2[%get3A_18, %get3A_19, %get3A_20, %get3A_21] : memref<1x20x512x128xf32, #tpu.memory_space<vmem>>, vector<1x1x512x128xf32>
    %get3A_23 = vector.shape_cast %get3A_22 : vector<1x1x512x128xf32> to vector<512x128xf32>
    %get3A_24 = arith.constant 0 : index
    %get3A_25 = arith.constant 2 : index
    %get3A_26 = arith.constant 0 : index
    %get3A_27 = arith.constant 0 : index
    %get3A_28 = vector.load %arg2[%get3A_24, %get3A_25, %get3A_26, %get3A_27] : memref<1x20x512x128xf32, #tpu.memory_space<vmem>>, vector<1x1x512x128xf32>
    %get3A_29 = vector.shape_cast %get3A_28 : vector<1x1x512x128xf32> to vector<512x128xf32>
    %get3A_30 = arith.constant 0 : index
    %get3A_31 = arith.constant 3 : index
    %get3A_32 = arith.constant 0 : index
    %get3A_33 = arith.constant 0 : index
    %get3A_34 = vector.load %arg2[%get3A_30, %get3A_31, %get3A_32, %get3A_33] : memref<1x20x512x128xf32, #tpu.memory_space<vmem>>, vector<1x1x512x128xf32>
    %get3A_35 = vector.shape_cast %get3A_34 : vector<1x1x512x128xf32> to vector<512x128xf32>
    %concatenate3A = tpu.concatenate %get3A_17, %get3A_23, %get3A_29, %get3A_35 in 1 : vector<512x128xf32>, vector<512x128xf32>, vector<512x128xf32>, vector<512x128xf32> -> vector<512x512xf32>
    %ge3A = vector.broadcast %broadcast_in_dim3A : vector<512x1xf32> to vector<512x512xf32>
    %ge3A_36 = arith.cmpf oge, %concatenate3A, %ge3A : vector<512x512xf32>
    %and3A = arith.andi %ge3A_36, %gt3A_3 : vector<512x512xi1>
    %ge3A_37 = arith.constant 0 : i32
    %ge3A_38 = arith.cmpi sge, %arg0, %ge3A_37 : i32
    %and3A_39 = vector.broadcast %ge3A_38 : i1 to vector<512x512xi1>
    %and3A_40 = arith.andi %and3A, %and3A_39 : vector<512x512xi1>
    %jit3A = arith.constant -1.000000e+09 : f32
    %broadcast_in_dim3A_41 = vector.broadcast %jit3A : f32 to vector<512x512xf32>
    %select_n3A = arith.select %and3A_40, %concatenate3A, %broadcast_in_dim3A_41 : vector<512x512xi1>, vector<512x512xf32>
    %reduce_max3A = arith.constant dense<0xFF800000> : vector<512xf32>
    %reduce_max3A_42 = vector.multi_reduction <maximumf>, %select_n3A, %reduce_max3A [1] : vector<512x512xf32> to vector<512xf32>
    %broadcast_in_dim3A_43 = vector.shape_cast %reduce_max3A_42 : vector<512xf32> to vector<512x1xf32>
    %max3A = arith.maximumf %broadcast_in_dim3A_11, %broadcast_in_dim3A_43 : vector<512x1xf32>
    %get3A_44 = arith.constant 0 : index
    %get3A_45 = arith.constant 4 : index
    %get3A_46 = arith.constant 0 : index
    %get3A_47 = arith.constant 0 : index
    %get3A_48 = vector.load %arg2[%get3A_44, %get3A_45, %get3A_46, %get3A_47] : memref<1x20x512x128xf32, #tpu.memory_space<vmem>>, vector<1x1x512x128xf32>
    %get3A_49 = vector.shape_cast %get3A_48 : vector<1x1x512x128xf32> to vector<512x128xf32>
    %get3A_50 = arith.constant 0 : index
    %get3A_51 = arith.constant 5 : index
    %get3A_52 = arith.constant 0 : index
    %get3A_53 = arith.constant 0 : index
    %get3A_54 = vector.load %arg2[%get3A_50, %get3A_51, %get3A_52, %get3A_53] : memref<1x20x512x128xf32, #tpu.memory_space<vmem>>, vector<1x1x512x128xf32>
    %get3A_55 = vector.shape_cast %get3A_54 : vector<1x1x512x128xf32> to vector<512x128xf32>
    %get3A_56 = arith.constant 0 : index
    %get3A_57 = arith.constant 6 : index
    %get3A_58 = arith.constant 0 : index
    %get3A_59 = arith.constant 0 : index
    %get3A_60 = vector.load %arg2[%get3A_56, %get3A_57, %get3A_58, %get3A_59] : memref<1x20x512x128xf32, #tpu.memory_space<vmem>>, vector<1x1x512x128xf32>
    %get3A_61 = vector.shape_cast %get3A_60 : vector<1x1x512x128xf32> to vector<512x128xf32>
    %get3A_62 = arith.constant 0 : index
    %get3A_63 = arith.constant 7 : index
    %get3A_64 = arith.constant 0 : index
    %get3A_65 = arith.constant 0 : index
    %get3A_66 = vector.load %arg2[%get3A_62, %get3A_63, %get3A_64, %get3A_65] : memref<1x20x512x128xf32, #tpu.memory_space<vmem>>, vector<1x1x512x128xf32>
    %get3A_67 = vector.shape_cast %get3A_66 : vector<1x1x512x128xf32> to vector<512x128xf32>
    %concatenate3A_68 = tpu.concatenate %get3A_49, %get3A_55, %get3A_61, %get3A_67 in 1 : vector<512x128xf32>, vector<512x128xf32>, vector<512x128xf32>, vector<512x128xf32> -> vector<512x512xf32>
    %ge3A_69 = vector.broadcast %broadcast_in_dim3A : vector<512x1xf32> to vector<512x512xf32>
    %ge3A_70 = arith.cmpf oge, %concatenate3A_68, %ge3A_69 : vector<512x512xf32>
    %and3A_71 = arith.andi %ge3A_70, %gt3A_3 : vector<512x512xi1>
    %ge3A_72 = arith.constant 1 : i32
    %ge3A_73 = arith.cmpi sge, %arg0, %ge3A_72 : i32
    %and3A_74 = vector.broadcast %ge3A_73 : i1 to vector<512x512xi1>
    %and3A_75 = arith.andi %and3A_71, %and3A_74 : vector<512x512xi1>
    %jit3A_76 = arith.constant -1.000000e+09 : f32
    %broadcast_in_dim3A_77 = vector.broadcast %jit3A_76 : f32 to vector<512x512xf32>
    %select_n3A_78 = arith.select %and3A_75, %concatenate3A_68, %broadcast_in_dim3A_77 : vector<512x512xi1>, vector<512x512xf32>
    %reduce_max3A_79 = arith.constant dense<0xFF800000> : vector<512xf32>
    %reduce_max3A_80 = vector.multi_reduction <maximumf>, %select_n3A_78, %reduce_max3A_79 [1] : vector<512x512xf32> to vector<512xf32>
    %broadcast_in_dim3A_81 = vector.shape_cast %reduce_max3A_80 : vector<512xf32> to vector<512x1xf32>
    %max3A_82 = arith.maximumf %max3A, %broadcast_in_dim3A_81 : vector<512x1xf32>
    %get3A_83 = arith.constant 0 : index
    %get3A_84 = arith.constant 8 : index
    %get3A_85 = arith.constant 0 : index
    %get3A_86 = arith.constant 0 : index
    %get3A_87 = vector.load %arg2[%get3A_83, %get3A_84, %get3A_85, %get3A_86] : memref<1x20x512x128xf32, #tpu.memory_space<vmem>>, vector<1x1x512x128xf32>
    %get3A_88 = vector.shape_cast %get3A_87 : vector<1x1x512x128xf32> to vector<512x128xf32>
    %get3A_89 = arith.constant 0 : index
    %get3A_90 = arith.constant 9 : index
    %get3A_91 = arith.constant 0 : index
    %get3A_92 = arith.constant 0 : index
    %get3A_93 = vector.load %arg2[%get3A_89, %get3A_90, %get3A_91, %get3A_92] : memref<1x20x512x128xf32, #tpu.memory_space<vmem>>, vector<1x1x512x128xf32>
    %get3A_94 = vector.shape_cast %get3A_93 : vector<1x1x512x128xf32> to vector<512x128xf32>
    %get3A_95 = arith.constant 0 : index
    %get3A_96 = arith.constant 10 : index
    %get3A_97 = arith.constant 0 : index
    %get3A_98 = arith.constant 0 : index
    %get3A_99 = vector.load %arg2[%get3A_95, %get3A_96, %get3A_97, %get3A_98] : memref<1x20x512x128xf32, #tpu.memory_space<vmem>>, vector<1x1x512x128xf32>
    %get3A_100 = vector.shape_cast %get3A_99 : vector<1x1x512x128xf32> to vector<512x128xf32>
    %get3A_101 = arith.constant 0 : index
    %get3A_102 = arith.constant 11 : index
    %get3A_103 = arith.constant 0 : index
    %get3A_104 = arith.constant 0 : index
    %get3A_105 = vector.load %arg2[%get3A_101, %get3A_102, %get3A_103, %get3A_104] : memref<1x20x512x128xf32, #tpu.memory_space<vmem>>, vector<1x1x512x128xf32>
    %get3A_106 = vector.shape_cast %get3A_105 : vector<1x1x512x128xf32> to vector<512x128xf32>
    %concatenate3A_107 = tpu.concatenate %get3A_88, %get3A_94, %get3A_100, %get3A_106 in 1 : vector<512x128xf32>, vector<512x128xf32>, vector<512x128xf32>, vector<512x128xf32> -> vector<512x512xf32>
    %ge3A_108 = vector.broadcast %broadcast_in_dim3A : vector<512x1xf32> to vector<512x512xf32>
    %ge3A_109 = arith.cmpf oge, %concatenate3A_107, %ge3A_108 : vector<512x512xf32>
    %and3A_110 = arith.andi %ge3A_109, %gt3A_3 : vector<512x512xi1>
    %ge3A_111 = arith.constant 2 : i32
    %ge3A_112 = arith.cmpi sge, %arg0, %ge3A_111 : i32
    %and3A_113 = vector.broadcast %ge3A_112 : i1 to vector<512x512xi1>
    %and3A_114 = arith.andi %and3A_110, %and3A_113 : vector<512x512xi1>
    %jit3A_115 = arith.constant -1.000000e+09 : f32
    %broadcast_in_dim3A_116 = vector.broadcast %jit3A_115 : f32 to vector<512x512xf32>
    %select_n3A_117 = arith.select %and3A_114, %concatenate3A_107, %broadcast_in_dim3A_116 : vector<512x512xi1>, vector<512x512xf32>
    %reduce_max3A_118 = arith.constant dense<0xFF800000> : vector<512xf32>
    %reduce_max3A_119 = vector.multi_reduction <maximumf>, %select_n3A_117, %reduce_max3A_118 [1] : vector<512x512xf32> to vector<512xf32>
    %broadcast_in_dim3A_120 = vector.shape_cast %reduce_max3A_119 : vector<512xf32> to vector<512x1xf32>
    %max3A_121 = arith.maximumf %max3A_82, %broadcast_in_dim3A_120 : vector<512x1xf32>
    %get3A_122 = arith.constant 0 : index
    %get3A_123 = arith.constant 12 : index
    %get3A_124 = arith.constant 0 : index
    %get3A_125 = arith.constant 0 : index
    %get3A_126 = vector.load %arg2[%get3A_122, %get3A_123, %get3A_124, %get3A_125] : memref<1x20x512x128xf32, #tpu.memory_space<vmem>>, vector<1x1x512x128xf32>
    %get3A_127 = vector.shape_cast %get3A_126 : vector<1x1x512x128xf32> to vector<512x128xf32>
    %get3A_128 = arith.constant 0 : index
    %get3A_129 = arith.constant 13 : index
    %get3A_130 = arith.constant 0 : index
    %get3A_131 = arith.constant 0 : index
    %get3A_132 = vector.load %arg2[%get3A_128, %get3A_129, %get3A_130, %get3A_131] : memref<1x20x512x128xf32, #tpu.memory_space<vmem>>, vector<1x1x512x128xf32>
    %get3A_133 = vector.shape_cast %get3A_132 : vector<1x1x512x128xf32> to vector<512x128xf32>
    %get3A_134 = arith.constant 0 : index
    %get3A_135 = arith.constant 14 : index
    %get3A_136 = arith.constant 0 : index
    %get3A_137 = arith.constant 0 : index
    %get3A_138 = vector.load %arg2[%get3A_134, %get3A_135, %get3A_136, %get3A_137] : memref<1x20x512x128xf32, #tpu.memory_space<vmem>>, vector<1x1x512x128xf32>
    %get3A_139 = vector.shape_cast %get3A_138 : vector<1x1x512x128xf32> to vector<512x128xf32>
    %get3A_140 = arith.constant 0 : index
    %get3A_141 = arith.constant 15 : index
    %get3A_142 = arith.constant 0 : index
    %get3A_143 = arith.constant 0 : index
    %get3A_144 = vector.load %arg2[%get3A_140, %get3A_141, %get3A_142, %get3A_143] : memref<1x20x512x128xf32, #tpu.memory_space<vmem>>, vector<1x1x512x128xf32>
    %get3A_145 = vector.shape_cast %get3A_144 : vector<1x1x512x128xf32> to vector<512x128xf32>
    %concatenate3A_146 = tpu.concatenate %get3A_127, %get3A_133, %get3A_139, %get3A_145 in 1 : vector<512x128xf32>, vector<512x128xf32>, vector<512x128xf32>, vector<512x128xf32> -> vector<512x512xf32>
    %ge3A_147 = vector.broadcast %broadcast_in_dim3A : vector<512x1xf32> to vector<512x512xf32>
    %ge3A_148 = arith.cmpf oge, %concatenate3A_146, %ge3A_147 : vector<512x512xf32>
    %and3A_149 = arith.andi %ge3A_148, %gt3A_3 : vector<512x512xi1>
    %ge3A_150 = arith.constant 3 : i32
    %ge3A_151 = arith.cmpi sge, %arg0, %ge3A_150 : i32
    %and3A_152 = vector.broadcast %ge3A_151 : i1 to vector<512x512xi1>
    %and3A_153 = arith.andi %and3A_149, %and3A_152 : vector<512x512xi1>
    %jit3A_154 = arith.constant -1.000000e+09 : f32
    %broadcast_in_dim3A_155 = vector.broadcast %jit3A_154 : f32 to vector<512x512xf32>
    %select_n3A_156 = arith.select %and3A_153, %concatenate3A_146, %broadcast_in_dim3A_155 : vector<512x512xi1>, vector<512x512xf32>
    %reduce_max3A_157 = arith.constant dense<0xFF800000> : vector<512xf32>
    %reduce_max3A_158 = vector.multi_reduction <maximumf>, %select_n3A_156, %reduce_max3A_157 [1] : vector<512x512xf32> to vector<512xf32>
    %broadcast_in_dim3A_159 = vector.shape_cast %reduce_max3A_158 : vector<512xf32> to vector<512x1xf32>
    %max3A_160 = arith.maximumf %max3A_121, %broadcast_in_dim3A_159 : vector<512x1xf32>
    %get3A_161 = arith.constant 0 : index
    %get3A_162 = arith.constant 16 : index
    %get3A_163 = arith.constant 0 : index
    %get3A_164 = arith.constant 0 : index
    %get3A_165 = vector.load %arg2[%get3A_161, %get3A_162, %get3A_163, %get3A_164] : memref<1x20x512x128xf32, #tpu.memory_space<vmem>>, vector<1x1x512x128xf32>
    %get3A_166 = vector.shape_cast %get3A_165 : vector<1x1x512x128xf32> to vector<512x128xf32>
    %get3A_167 = arith.constant 0 : index
    %get3A_168 = arith.constant 17 : index
    %get3A_169 = arith.constant 0 : index
    %get3A_170 = arith.constant 0 : index
    %get3A_171 = vector.load %arg2[%get3A_167, %get3A_168, %get3A_169, %get3A_170] : memref<1x20x512x128xf32, #tpu.memory_space<vmem>>, vector<1x1x512x128xf32>
    %get3A_172 = vector.shape_cast %get3A_171 : vector<1x1x512x128xf32> to vector<512x128xf32>
    %get3A_173 = arith.constant 0 : index
    %get3A_174 = arith.constant 18 : index
    %get3A_175 = arith.constant 0 : index
    %get3A_176 = arith.constant 0 : index
    %get3A_177 = vector.load %arg2[%get3A_173, %get3A_174, %get3A_175, %get3A_176] : memref<1x20x512x128xf32, #tpu.memory_space<vmem>>, vector<1x1x512x128xf32>
    %get3A_178 = vector.shape_cast %get3A_177 : vector<1x1x512x128xf32> to vector<512x128xf32>
    %get3A_179 = arith.constant 0 : index
    %get3A_180 = arith.constant 19 : index
    %get3A_181 = arith.constant 0 : index
    %get3A_182 = arith.constant 0 : index
    %get3A_183 = vector.load %arg2[%get3A_179, %get3A_180, %get3A_181, %get3A_182] : memref<1x20x512x128xf32, #tpu.memory_space<vmem>>, vector<1x1x512x128xf32>
    %get3A_184 = vector.shape_cast %get3A_183 : vector<1x1x512x128xf32> to vector<512x128xf32>
    %concatenate3A_185 = tpu.concatenate %get3A_166, %get3A_172, %get3A_178, %get3A_184 in 1 : vector<512x128xf32>, vector<512x128xf32>, vector<512x128xf32>, vector<512x128xf32> -> vector<512x512xf32>
    %ge3A_186 = vector.broadcast %broadcast_in_dim3A : vector<512x1xf32> to vector<512x512xf32>
    %ge3A_187 = arith.cmpf oge, %concatenate3A_185, %ge3A_186 : vector<512x512xf32>
    %and3A_188 = arith.andi %ge3A_187, %gt3A_3 : vector<512x512xi1>
    %ge3A_189 = arith.constant 4 : i32
    %ge3A_190 = arith.cmpi sge, %arg0, %ge3A_189 : i32
    %and3A_191 = vector.broadcast %ge3A_190 : i1 to vector<512x512xi1>
    %and3A_192 = arith.andi %and3A_188, %and3A_191 : vector<512x512xi1>
    %jit3A_193 = arith.constant -1.000000e+09 : f32
    %broadcast_in_dim3A_194 = vector.broadcast %jit3A_193 : f32 to vector<512x512xf32>
    %select_n3A_195 = arith.select %and3A_192, %concatenate3A_185, %broadcast_in_dim3A_194 : vector<512x512xi1>, vector<512x512xf32>
    %reduce_max3A_196 = arith.constant dense<0xFF800000> : vector<512xf32>
    %reduce_max3A_197 = vector.multi_reduction <maximumf>, %select_n3A_195, %reduce_max3A_196 [1] : vector<512x512xf32> to vector<512xf32>
    %broadcast_in_dim3A_198 = vector.shape_cast %reduce_max3A_197 : vector<512xf32> to vector<512x1xf32>
    %max3A_199 = arith.maximumf %max3A_160, %broadcast_in_dim3A_198 : vector<512x1xf32>
    %broadcast_in_dim3A_200 = arith.constant 0.000000e+00 : f32
    %broadcast_in_dim3A_201 = vector.broadcast %broadcast_in_dim3A_200 : f32 to vector<512x1xf32>
    %sub3A = vector.broadcast %max3A_199 : vector<512x1xf32> to vector<512x512xf32>
    %sub3A_202 = arith.subf %concatenate3A, %sub3A : vector<512x512xf32>
    %exp3A = math.exp %sub3A_202 : vector<512x512xf32>
    %jit3A_203 = arith.constant 0.000000e+00 : f32
    %broadcast_in_dim3A_204 = vector.broadcast %jit3A_203 : f32 to vector<512x512xf32>
    %select_n3A_205 = arith.select %and3A_40, %exp3A, %broadcast_in_dim3A_204 : vector<512x512xi1>, vector<512x512xf32>
    %reduce_sum3A = arith.constant dense<0.000000e+00> : vector<512xf32>
    %reduce_sum3A_206 = vector.multi_reduction <add>, %select_n3A_205, %reduce_sum3A [1] : vector<512x512xf32> to vector<512xf32>
    %broadcast_in_dim3A_207 = vector.shape_cast %reduce_sum3A_206 : vector<512xf32> to vector<512x1xf32>
    %add3A = arith.addf %broadcast_in_dim3A_201, %broadcast_in_dim3A_207 : vector<512x1xf32>
    %sub3A_208 = vector.broadcast %max3A_199 : vector<512x1xf32> to vector<512x512xf32>
    %sub3A_209 = arith.subf %concatenate3A_68, %sub3A_208 : vector<512x512xf32>
    %exp3A_210 = math.exp %sub3A_209 : vector<512x512xf32>
    %jit3A_211 = arith.constant 0.000000e+00 : f32
    %broadcast_in_dim3A_212 = vector.broadcast %jit3A_211 : f32 to vector<512x512xf32>
    %select_n3A_213 = arith.select %and3A_75, %exp3A_210, %broadcast_in_dim3A_212 : vector<512x512xi1>, vector<512x512xf32>
    %reduce_sum3A_214 = arith.constant dense<0.000000e+00> : vector<512xf32>
    %reduce_sum3A_215 = vector.multi_reduction <add>, %select_n3A_213, %reduce_sum3A_214 [1] : vector<512x512xf32> to vector<512xf32>
    %broadcast_in_dim3A_216 = vector.shape_cast %reduce_sum3A_215 : vector<512xf32> to vector<512x1xf32>
    %add3A_217 = arith.addf %add3A, %broadcast_in_dim3A_216 : vector<512x1xf32>
    %sub3A_218 = vector.broadcast %max3A_199 : vector<512x1xf32> to vector<512x512xf32>
    %sub3A_219 = arith.subf %concatenate3A_107, %sub3A_218 : vector<512x512xf32>
    %exp3A_220 = math.exp %sub3A_219 : vector<512x512xf32>
    %jit3A_221 = arith.constant 0.000000e+00 : f32
    %broadcast_in_dim3A_222 = vector.broadcast %jit3A_221 : f32 to vector<512x512xf32>
    %select_n3A_223 = arith.select %and3A_114, %exp3A_220, %broadcast_in_dim3A_222 : vector<512x512xi1>, vector<512x512xf32>
    %reduce_sum3A_224 = arith.constant dense<0.000000e+00> : vector<512xf32>
    %reduce_sum3A_225 = vector.multi_reduction <add>, %select_n3A_223, %reduce_sum3A_224 [1] : vector<512x512xf32> to vector<512xf32>
    %broadcast_in_dim3A_226 = vector.shape_cast %reduce_sum3A_225 : vector<512xf32> to vector<512x1xf32>
    %add3A_227 = arith.addf %add3A_217, %broadcast_in_dim3A_226 : vector<512x1xf32>
    %sub3A_228 = vector.broadcast %max3A_199 : vector<512x1xf32> to vector<512x512xf32>
    %sub3A_229 = arith.subf %concatenate3A_146, %sub3A_228 : vector<512x512xf32>
    %exp3A_230 = math.exp %sub3A_229 : vector<512x512xf32>
    %jit3A_231 = arith.constant 0.000000e+00 : f32
    %broadcast_in_dim3A_232 = vector.broadcast %jit3A_231 : f32 to vector<512x512xf32>
    %select_n3A_233 = arith.select %and3A_153, %exp3A_230, %broadcast_in_dim3A_232 : vector<512x512xi1>, vector<512x512xf32>
    %reduce_sum3A_234 = arith.constant dense<0.000000e+00> : vector<512xf32>
    %reduce_sum3A_235 = vector.multi_reduction <add>, %select_n3A_233, %reduce_sum3A_234 [1] : vector<512x512xf32> to vector<512xf32>
    %broadcast_in_dim3A_236 = vector.shape_cast %reduce_sum3A_235 : vector<512xf32> to vector<512x1xf32>
    %add3A_237 = arith.addf %add3A_227, %broadcast_in_dim3A_236 : vector<512x1xf32>
    %sub3A_238 = vector.broadcast %max3A_199 : vector<512x1xf32> to vector<512x512xf32>
    %sub3A_239 = arith.subf %concatenate3A_185, %sub3A_238 : vector<512x512xf32>
    %exp3A_240 = math.exp %sub3A_239 : vector<512x512xf32>
    %jit3A_241 = arith.constant 0.000000e+00 : f32
    %broadcast_in_dim3A_242 = vector.broadcast %jit3A_241 : f32 to vector<512x512xf32>
    %select_n3A_243 = arith.select %and3A_192, %exp3A_240, %broadcast_in_dim3A_242 : vector<512x512xi1>, vector<512x512xf32>
    %reduce_sum3A_244 = arith.constant dense<0.000000e+00> : vector<512xf32>
    %reduce_sum3A_245 = vector.multi_reduction <add>, %select_n3A_243, %reduce_sum3A_244 [1] : vector<512x512xf32> to vector<512xf32>
    %broadcast_in_dim3A_246 = vector.shape_cast %reduce_sum3A_245 : vector<512xf32> to vector<512x1xf32>
    %add3A_247 = arith.addf %add3A_237, %broadcast_in_dim3A_246 : vector<512x1xf32>
    %max3A_248 = arith.constant 9.99999996E-13 : f32
    %max3A_249 = vector.broadcast %max3A_248 : f32 to vector<512x1xf32>
    %max3A_250 = arith.maximumf %add3A_247, %max3A_249 : vector<512x1xf32>
    %div3A = arith.constant 1.000000e+00 : f32
    %div3A_251 = vector.broadcast %div3A : f32 to vector<512x1xf32>
    %div3A_252 = arith.divf %div3A_251, %max3A_250 : vector<512x1xf32>
    %broadcast_in_dim3A_253 = arith.constant 0.000000e+00 : f32
    %broadcast_in_dim3A_254 = vector.broadcast %broadcast_in_dim3A_253 : f32 to vector<512x32xf32>
    %sub3A_255 = arith.constant 0 : i32
    %sub3A_256 = arith.subi %arg0, %sub3A_255 : i32
    %max3A_257 = arith.constant 0 : i32
    %max3A_258 = arith.maxsi %sub3A_256, %max3A_257 : i32
    %get3A_259 = arith.index_cast %max3A_258 : i32 to index
    %get3A_260 = arith.constant 0 : index
    %get3A_261 = arith.constant 0 : index
    %get3A_262 = arith.constant 0 : index
    %get3A_263 = vector.load %arg3[%get3A_259, %get3A_260, %get3A_261, %get3A_262] : memref<8x1x512x32xf32, #tpu.memory_space<vmem>>, vector<1x1x512x32xf32>
    %get3A_264 = vector.shape_cast %get3A_263 : vector<1x1x512x32xf32> to vector<1x512x32xf32>
    %squeeze3A = vector.shape_cast %get3A_264 : vector<1x512x32xf32> to vector<512x32xf32>
    %mul3A = vector.broadcast %div3A_252 : vector<512x1xf32> to vector<512x512xf32>
    %mul3A_265 = arith.mulf %select_n3A_205, %mul3A : vector<512x512xf32>
    %dot_general3A = arith.constant dense<0.000000e+00> : vector<512x32xf32>
    %dot_general3A_266 = tpu.matmul %mul3A_265, %squeeze3A, %dot_general3A {dimension_numbers = #tpu.dot_dimension_numbers<[1], [0], [0], [1], [0, 0, 1, 1], [], []>, transpose_lhs_hint = false} : vector<512x512xf32>, vector<512x32xf32>, vector<512x32xf32> -> vector<512x32xf32>
    %add3A_267 = arith.addf %broadcast_in_dim3A_254, %dot_general3A_266 : vector<512x32xf32>
    %sub3A_268 = arith.constant 1 : i32
    %sub3A_269 = arith.subi %arg0, %sub3A_268 : i32
    %max3A_270 = arith.constant 0 : i32
    %max3A_271 = arith.maxsi %sub3A_269, %max3A_270 : i32
    %get3A_272 = arith.index_cast %max3A_271 : i32 to index
    %get3A_273 = arith.constant 0 : index
    %get3A_274 = arith.constant 0 : index
    %get3A_275 = arith.constant 0 : index
    %get3A_276 = vector.load %arg3[%get3A_272, %get3A_273, %get3A_274, %get3A_275] : memref<8x1x512x32xf32, #tpu.memory_space<vmem>>, vector<1x1x512x32xf32>
    %get3A_277 = vector.shape_cast %get3A_276 : vector<1x1x512x32xf32> to vector<1x512x32xf32>
    %squeeze3A_278 = vector.shape_cast %get3A_277 : vector<1x512x32xf32> to vector<512x32xf32>
    %mul3A_279 = vector.broadcast %div3A_252 : vector<512x1xf32> to vector<512x512xf32>
    %mul3A_280 = arith.mulf %select_n3A_213, %mul3A_279 : vector<512x512xf32>
    %dot_general3A_281 = arith.constant dense<0.000000e+00> : vector<512x32xf32>
    %dot_general3A_282 = tpu.matmul %mul3A_280, %squeeze3A_278, %dot_general3A_281 {dimension_numbers = #tpu.dot_dimension_numbers<[1], [0], [0], [1], [0, 0, 1, 1], [], []>, transpose_lhs_hint = false} : vector<512x512xf32>, vector<512x32xf32>, vector<512x32xf32> -> vector<512x32xf32>
    %add3A_283 = arith.addf %add3A_267, %dot_general3A_282 : vector<512x32xf32>
    %sub3A_284 = arith.constant 2 : i32
    %sub3A_285 = arith.subi %arg0, %sub3A_284 : i32
    %max3A_286 = arith.constant 0 : i32
    %max3A_287 = arith.maxsi %sub3A_285, %max3A_286 : i32
    %get3A_288 = arith.index_cast %max3A_287 : i32 to index
    %get3A_289 = arith.constant 0 : index
    %get3A_290 = arith.constant 0 : index
    %get3A_291 = arith.constant 0 : index
    %get3A_292 = vector.load %arg3[%get3A_288, %get3A_289, %get3A_290, %get3A_291] : memref<8x1x512x32xf32, #tpu.memory_space<vmem>>, vector<1x1x512x32xf32>
    %get3A_293 = vector.shape_cast %get3A_292 : vector<1x1x512x32xf32> to vector<1x512x32xf32>
    %squeeze3A_294 = vector.shape_cast %get3A_293 : vector<1x512x32xf32> to vector<512x32xf32>
    %mul3A_295 = vector.broadcast %div3A_252 : vector<512x1xf32> to vector<512x512xf32>
    %mul3A_296 = arith.mulf %select_n3A_223, %mul3A_295 : vector<512x512xf32>
    %dot_general3A_297 = arith.constant dense<0.000000e+00> : vector<512x32xf32>
    %dot_general3A_298 = tpu.matmul %mul3A_296, %squeeze3A_294, %dot_general3A_297 {dimension_numbers = #tpu.dot_dimension_numbers<[1], [0], [0], [1], [0, 0, 1, 1], [], []>, transpose_lhs_hint = false} : vector<512x512xf32>, vector<512x32xf32>, vector<512x32xf32> -> vector<512x32xf32>
    %add3A_299 = arith.addf %add3A_283, %dot_general3A_298 : vector<512x32xf32>
    %sub3A_300 = arith.constant 3 : i32
    %sub3A_301 = arith.subi %arg0, %sub3A_300 : i32
    %max3A_302 = arith.constant 0 : i32
    %max3A_303 = arith.maxsi %sub3A_301, %max3A_302 : i32
    %get3A_304 = arith.index_cast %max3A_303 : i32 to index
    %get3A_305 = arith.constant 0 : index
    %get3A_306 = arith.constant 0 : index
    %get3A_307 = arith.constant 0 : index
    %get3A_308 = vector.load %arg3[%get3A_304, %get3A_305, %get3A_306, %get3A_307] : memref<8x1x512x32xf32, #tpu.memory_space<vmem>>, vector<1x1x512x32xf32>
    %get3A_309 = vector.shape_cast %get3A_308 : vector<1x1x512x32xf32> to vector<1x512x32xf32>
    %squeeze3A_310 = vector.shape_cast %get3A_309 : vector<1x512x32xf32> to vector<512x32xf32>
    %mul3A_311 = vector.broadcast %div3A_252 : vector<512x1xf32> to vector<512x512xf32>
    %mul3A_312 = arith.mulf %select_n3A_233, %mul3A_311 : vector<512x512xf32>
    %dot_general3A_313 = arith.constant dense<0.000000e+00> : vector<512x32xf32>
    %dot_general3A_314 = tpu.matmul %mul3A_312, %squeeze3A_310, %dot_general3A_313 {dimension_numbers = #tpu.dot_dimension_numbers<[1], [0], [0], [1], [0, 0, 1, 1], [], []>, transpose_lhs_hint = false} : vector<512x512xf32>, vector<512x32xf32>, vector<512x32xf32> -> vector<512x32xf32>
    %add3A_315 = arith.addf %add3A_299, %dot_general3A_314 : vector<512x32xf32>
    %sub3A_316 = arith.constant 4 : i32
    %sub3A_317 = arith.subi %arg0, %sub3A_316 : i32
    %max3A_318 = arith.constant 0 : i32
    %max3A_319 = arith.maxsi %sub3A_317, %max3A_318 : i32
    %get3A_320 = arith.index_cast %max3A_319 : i32 to index
    %get3A_321 = arith.constant 0 : index
    %get3A_322 = arith.constant 0 : index
    %get3A_323 = arith.constant 0 : index
    %get3A_324 = vector.load %arg3[%get3A_320, %get3A_321, %get3A_322, %get3A_323] : memref<8x1x512x32xf32, #tpu.memory_space<vmem>>, vector<1x1x512x32xf32>
    %get3A_325 = vector.shape_cast %get3A_324 : vector<1x1x512x32xf32> to vector<1x512x32xf32>
    %squeeze3A_326 = vector.shape_cast %get3A_325 : vector<1x512x32xf32> to vector<512x32xf32>
    %mul3A_327 = vector.broadcast %div3A_252 : vector<512x1xf32> to vector<512x512xf32>
    %mul3A_328 = arith.mulf %select_n3A_243, %mul3A_327 : vector<512x512xf32>
    %dot_general3A_329 = arith.constant dense<0.000000e+00> : vector<512x32xf32>
    %dot_general3A_330 = tpu.matmul %mul3A_328, %squeeze3A_326, %dot_general3A_329 {dimension_numbers = #tpu.dot_dimension_numbers<[1], [0], [0], [1], [0, 0, 1, 1], [], []>, transpose_lhs_hint = false} : vector<512x512xf32>, vector<512x32xf32>, vector<512x32xf32> -> vector<512x32xf32>
    %add3A_331 = arith.addf %add3A_315, %dot_general3A_330 : vector<512x32xf32>
    %swap3A = arith.constant 0 : index
    %swap3A_332 = arith.constant 0 : index
    %swap3A_333 = arith.constant 0 : index
    %swap3A_334 = arith.constant 0 : index
    %swap3A_335 = vector.load %arg6[%swap3A, %swap3A_332, %swap3A_333, %swap3A_334] : memref<1x1x512x32xf32, #tpu.memory_space<vmem>>, vector<1x1x512x32xf32>
    %swap3A_336 = vector.shape_cast %swap3A_335 : vector<1x1x512x32xf32> to vector<512x32xf32>
    %swap3A_337 = vector.shape_cast %add3A_331 : vector<512x32xf32> to vector<1x1x512x32xf32>
    tpu.vector_store %arg6[%swap3A, %swap3A_332, %swap3A_333, %swap3A_334], %swap3A_337 {strides = array<i32>} : memref<1x1x512x32xf32, #tpu.memory_space<vmem>>, vector<1x1x512x32xf32>,
    return
  }
  func.func @transform_0(%arg0: i32, %arg1: i32) -> (i32, i32, i32, i32) {
    %mul3A = arith.constant 8 : i32
    %mul3A_0 = arith.muli %arg0, %mul3A : i32
    %add3A = arith.addi %mul3A_0, %arg1 : i32
    %c0_i32 = arith.constant 0 : i32
    %c0_i32_1 = arith.constant 0 : i32
    %c0_i32_2 = arith.constant 0 : i32
    %c0_i32_3 = arith.constant 0 : i32
    return %add3A, %c0_i32, %c0_i32_1, %c0_i32_2 : i32, i32, i32, i32
  }
  func.func @transform_1(%arg0: i32, %arg1: i32) -> (i32, i32, i32, i32) {
    %c0_i32 = arith.constant 0 : i32
    %c0_i32_0 = arith.constant 0 : i32
    %c0_i32_1 = arith.constant 0 : i32
    %c0_i32_2 = arith.constant 0 : i32
    return %c0_i32, %arg1, %c0_i32_0, %c0_i32_1 : i32, i32, i32, i32
  }
  func.func @transform_2(%arg0: i32, %arg1: i32) -> (i32, i32) {
    %c0_i32 = arith.constant 0 : i32
    %c0_i32_0 = arith.constant 0 : i32
    %c0_i32_1 = arith.constant 0 : i32
    return %c0_i32, %c0_i32_0 : i32, i32
  }
  func.func @transform_3(%arg0: i32, %arg1: i32) -> (i32, i32, i32, i32) {
    %c0_i32 = arith.constant 0 : i32
    %c0_i32_0 = arith.constant 0 : i32
    %c0_i32_1 = arith.constant 0 : i32
    return %arg0, %arg1, %c0_i32, %c0_i32_0 : i32, i32, i32, i32
  }
  func.func @transform_4(%arg0: i32, %arg1: i32) -> (i32, i32, i32, i32) {
    %c0_i32 = arith.constant 0 : i32
    %c0_i32_0 = arith.constant 0 : i32
    %c0_i32_1 = arith.constant 0 : i32
    return %arg0, %arg1, %c0_i32, %c0_i32_0 : i32, i32, i32, i32
  }
}

</mosaic_0001>

<sc_bundles>
// kernel: kernel.7.cloned.1.call-start
scs
__scs_entry_jumppad:
0x0: {  	(pc) =	sbr.rel $0x88, $3  }
0x1: {  	(tag) =	ssettag $0x0;
	lr =	simm.s32 $0x1  }
0x2: {  	[smem:$0x3F9B] =	sst lr;
	_ =	strace $0xD0000000  }
0x3: {  	_ = 	snop  }
0x4: {  	_ = 	snop  }
0x5: {  	_ = 	snop  }
0x6: {  	_ = 	snop  }
0x7: {  	_ = 	snop  }
__scs_overlays_trampoline_lowered:
0x8: {  	[smem:$0x3FAA] =	sst s0  }
0x9: {  	[smem:$0x3FAB] =	sst s1  }
0xa: {  	[smem:$0x3FAC] =	sst s2  }
0xb: {  	[smem:$0x3FAD] =	sst s3  }
0xc: {  	[smem:$0x3FAE] =	sst s4  }
0xd: {  	[smem:$0x3FAF] =	sst s5  }
0xe: {  	[smem:$0x3FB0] =	sst s6  }
0xf: {  	[smem:$0x3FB1] =	sst s7  }
0x10: {  	[smem:$0x3FB2] =	sst s8  }
0x11: {  	[smem:$0x3FB3] =	sst s9;
	s0 =	simm.s32 @!p0 $0x0  }
0x12: {  	s1 =	sld [smem:$0x3F99];
	s0 =	simm.s32 @p0 $0x1  }
0x13: {  	[smem:$0x3FB4] =	sst s0;
	s0 =	simm.s32 @!p1 $0x0  }
0x14: {  	s2 =	sld [smem:$0x3F98];
	s0 =	simm.s32 @p1 $0x1  }
0x15: {  	[smem:$0x3FB5] =	sst s0;
	s0 =	simm.s32 @!p2 $0x0  }
0x16: {  	s3 =	sld [smem:$0x3FDB];
	s0 =	simm.s32 @p2 $0x1  }
0x17: {  	s4 =	simm.s32 $0x1BF5;
	[smem:$0x3FB7] =	sst s0  }
0x18: {  	s0 =	sld [smem:$0x3F9A];
	_ =	swait.ge [sflag:s4], $0x0  }
0x19: {  	s7 =	sld [smem:$0x3F9B]  }
0x1a: {  	s8 =	sadd.s32 $0xFFFFE003, lr  }
0x1b: {  	s9 =	sadd.s32 $0xFFFFFEF7, lr;
	s5 =	simm.s32 $0xFFFFFFFF;
	p2 =	slt.u32 s8, $0xFFFFF086  }
0x1c: {  	p1 =	slt.u32 s9, $0xF7A;
	s5 =	simm.s32 @!p2 $0x0  }
0x1d: {  	s5 =	simm.s32 @p1 $0x1;
	p0 =	seq.s32 s7, s2  }
0x1e: {  	s7 =	smul.u32 @!p0 $0xF7A, s2;
	p2 =	seq.s32 @!p0 s5, $0x0  }
0x1f: {  	s9 =	smul.u32 $0xF7A, s1;
	s8 =	simm.s32 @!p0 $0x1BF5;
	p2 =	por !p2, p0  }
0x20: {  	[sflag:s8] =	ssyncset.s32 @!p0 $0xFFFFF086;
	s6 =	sadd.s32 @!p0 s3, s7;
	s7 =	simm.s32 @!p0 $0x108  }
0x21: {  	s3 =	sadd.s32 s3, s9;
	s6 =	sadd.s32 @!p0 $0x88, s6;
	s7 =	simm.s32 @p2 $0x1082  }
0x22: {  	[simem:s7], [sflag:s8] =	dma.local @!p0 [hbm:s6], $0xF7A  }
0x23: {  	s9 =	sor.u32 $0xD0000000, s2;
	s6 =	simm.s32 $0x108;
	_ =	swait.ge @!p0 [sflag:s8], $0x0  }
0x24: {  	s3 =	sadd.s32 $0x88, s3;
	s6 =	simm.s32 @!p1 $0x1082;
	[sflag:s4] =	ssyncset.s32 $0xFFFFF086  }
0x25: {  	[simem:s6], [sflag:s4] =	dma.local [hbm:s3], $0xF7A  }
0x26: {  	[smem:$0x3F9B] =	sst s1;
	(tag) =	ssettag s2;
	_ =	strace s9  }
0x27: {  	s1 =	sld [smem:$0x3FAB]  }
0x28: {  	s2 =	sld [smem:$0x3FAC]  }
0x29: {  	s4 =	sld [smem:$0x3FAE]  }
0x2a: {  	p0 =	seq.s32 s5, $0x0;
	s5 =	sld [smem:$0x3FAF]  }
0x2b: {  	s6 =	sld [smem:$0x3FB0]  }
0x2c: {  	s7 =	sld [smem:$0x3FB1]  }
0x2d: {  	s3 =	simm.s32 $0x108;
	s8 =	sld [smem:$0x3FB2]  }
0x2e: {  	s3 =	simm.s32 @!p0 $0x1082;
	s9 =	sld [smem:$0x3FB3]  }
0x2f: {  	lr =	sadd.s32 s0, s3;
	s0 =	sld [smem:$0x3FAA]  }
0x30: {  	s3 =	sld [smem:$0x3FAD]  }
0x31: {  	[smem:$0x3FB6] =	sst s10  }
0x32: {  	s10 =	sld [smem:$0x3FB4];
	_ =	sdelay $0x3  }
0x33: {  	p0 =	seq.s32 s10, $0x1;
	s10 =	sld [smem:$0x3FB6];
	_ =	sdelay $0x3  }
0x34: {  	[smem:$0x3FB6] =	sst s10  }
0x35: {  	s10 =	sld [smem:$0x3FB5];
	_ =	sdelay $0x3  }
0x36: {  	p1 =	seq.s32 s10, $0x1;
	s10 =	sld [smem:$0x3FB6];
	_ =	sdelay $0x3  }
0x37: {  	[smem:$0x3FB6] =	sst s10  }
0x38: {  	s10 =	sld [smem:$0x3FB7]  }
0x39: {  	_ = 	snop;
	(pc) =	sbr.ind lr, $3  }
0x3a: {  	_ = 	snop  }
0x3b: {  	_ = 	snop  }
0x3c: {  	p2 =	seq.s32 s10, $0x1;
	s10 =	sld [smem:$0x3FB6]  }
0x3d: {  	_ =	shalt  }
0x3e: {  	_ =	shalt  }
0x3f: {  	_ =	shalt  }
0x40: {  	_ =	shalt  }
0x41: {  	_ =	shalt  }
0x42: {  	_ =	shalt  }
0x43: {  	_ =	shalt  }
0x44: {  	_ =	shalt  }
0x45: {  	_ =	shalt  }
0x46: {  	_ =	shalt  }
0x47: {  	_ =	shalt  }
0x48: {  	_ =	shalt  }
0x49: {  	_ =	shalt  }
0x4a: {  	_ =	shalt  }
0x4b: {  	_ =	shalt  }
0x4c: {  	_ =	shalt  }
0x4d: {  	_ =	shalt  }
0x4e: {  	_ =	shalt  }
0x4f: {  	_ =	shalt  }
0x50: {  	_ =	shalt  }
0x51: {  	_ =	shalt  }
0x52: {  	_ =	shalt  }
0x53: {  	_ =	shalt  }
0x54: {  	_ =	shalt  }
0x55: {  	_ =	shalt  }
0x56: {  	_ =	shalt  }
0x57: {  	_ =	shalt  }
0x58: {  	_ =	shalt  }
0x59: {  	_ =	shalt  }
0x5a: {  	_ =	shalt  }
0x5b: {  	_ =	shalt  }
0x5c: {  	_ =	shalt  }
0x5d: {  	_ =	shalt  }
0x5e: {  	_ =	shalt  }
0x5f: {  	_ =	shalt  }
0x60: {  	_ =	shalt  }
0x61: {  	_ =	shalt  }
0x62: {  	_ =	shalt  }
0x63: {  	_ =	shalt  }
0x64: {  	_ =	shalt  }
0x65: {  	_ =	shalt  }
0x66: {  	_ =	shalt  }
0x67: {  	_ =	shalt  }
0x68: {  	_ =	shalt  }
0x69: {  	_ =	shalt  }
0x6a: {  	_ =	shalt  }
0x6b: {  	_ =	shalt  }
0x6c: {  	_ =	shalt  }
0x6d: {  	_ =	shalt  }
0x6e: {  	_ =	shalt  }
0x6f: {  	_ =	shalt  }
0x70: {  	_ =	shalt  }
0x71: {  	_ =	shalt  }
0x72: {  	_ =	shalt  }
0x73: {  	_ =	shalt  }
0x74: {  	_ =	shalt  }
0x75: {  	_ =	shalt  }
0x76: {  	_ =	shalt  }
0x77: {  	_ =	shalt  }
0x78: {  	_ =	shalt  }
0x79: {  	_ =	shalt  }
0x7a: {  	_ =	shalt  }
0x7b: {  	_ =	shalt  }
0x7c: {  	_ =	shalt  }
0x7d: {  	_ =	shalt  }
0x7e: {  	_ =	shalt  }
0x7f: {  	_ =	shalt  }
0x80: {  	_ =	shalt  }
0x81: {  	_ =	shalt  }
0x82: {  	_ =	shalt  }
0x83: {  	_ =	shalt  }
0x84: {  	_ =	shalt  }
0x85: {  	_ =	shalt  }
0x86: {  	_ =	shalt  }
0x87: {  	_ =	shalt  }
.Lfunc_end0:
.L_simem_size_0:
called_computation_lowered:
.L_overlay_start_0:
0x88: {  	s2 =	sld [smem:$0x3FD9]  }
0x89: {  	s3 =	sld [smem:$0x3FFE];
	_ =	sdelay $0x1  }
0x8a: {  	s1 =	srdreg.scid  }
0x8b: {  	s0 =	sand.u32 $0x1, s1  }
0x8c: {  	s16 =	sshll.u32 s0, $0xA;
	s2 =	sadd.s32 s3, s2  }
0x8d: {  	s2 =	sadd.s32 s2, s16  }
0x8e: {  	[smem:$0x3FC2] =	sst s2  }
0x8f: {  	_ = 	snop  }
0x90: {  	(tm) =	ssettm $0x1  }
0x91: {  	s17 =	sld [smem:$0x3FFB];
	_ =	sdelay $0x3  }
0x92: {  	_ =	strace s17  }
0x93: {  	s2 =	sld [smem:$0x3FFC];
	_ =	sdelay $0x3  }
0x94: {  	_ =	strace s2  }
0x95: {  	s2 =	sld [smem:$0x3FFD];
	_ =	sdelay $0x3  }
0x96: {  	_ =	strace s2  }
0x97: {  	_ =	strace $0x8FFFFFFF  }
0x98: {  	s18 =	sld [smem:$0x3FDB];
	_ =	sdelay $0x1  }
0x99: {  	s19 =	simm.s32 $_scs_section_size  }
0x9a: {  	s4 =	simm.s32 $_size__tile_overlayer_lowered;
	s5 =	simm.s32 $_tile_overlayer_lowered  }
0x9b: {  	s22 =	simm.s32 $0x1BFF;
	s21 =	sshll.u32 s5, $0x1;
	s2 =	sadd.s32 s19, s18  }
0x9c: {  	s6 =	simm.s32 $0x0;
	s20 =	sshll.u32 s4, $0x1;
	s4 =	sadd.s32 s21, s2  }
0x9d: {  	[timem:s6], [sflag:s22] =	dma.local [hbm:s4], s20  }
0x9e: {  	_ =	swait.ge [sflag:s22], s20  }
0x9f: {  	s3 =	ssub.s32 $0x0, s20;
	[sflag:s22] =	ssyncset.done $0x0  }
0xa0: {  	[sflag:s22] =	ssyncadd.s32 s3;
	_ =	sdelay $0x1  }
0xa1: {  	s23 =	simm.s32 $0x1B8B  }
0xa2: {  	_ =	swait.ge [sflag:s23], $0x1  }
0xa3: {  	[sflag:s23] =	ssyncset.done $0x0  }
0xa4: {  	s25 =	simm.s32 $0x1B8E;
	s24 =	sld [smem:$0x3FFE];
	[sflag:s23] =	ssyncadd.s32 $0xFFFFFFFF  }
0xa5: {  	s26 =	simm.s32 $execute0_lowered;
	[smem:$0x3FD2] =	sst s25  }
0xa6: {  	s4 =	sshll.u32 s26, $0x1;
	_ =	strace $0x80000046;
	[dreg:$0x1] =	wrdreg $0xFFFFFFFF  }
0xa7: {  	s28 =	simm.s32 $_size_execute0_lowered;
	s2 =	sadd.s32 s2, s4;
	[dreg:$0x0] =	wrdreg $0x0  }
0xa8: {  	s4 =	sshll.u32 s28, $0x1;
	[dreg:$0x2] =	wrdreg s2  }
0xa9: {  	[dreg:$0x3] =	wrdreg s4  }
0xaa: {  	[dreg:$0x4] =	wrdreg $0xC0  }
0xab: {  	_ =	task [dreg:s6], $0x5FFFF  }
0xac: {  	[dreg:$0x1] =	wrdreg $0xFFFFFFFF  }
0xad: {  	[dreg:$0x0] =	wrdreg $0x60  }
0xae: {  	[dreg:$0x2] =	wrdreg s24  }
0xaf: {  	[dreg:$0x3] =	wrdreg $0x9  }
0xb0: {  	_ =	task.clear_ibuf [dreg:s6], $0x4FFFF;
	_ =	strace $0x90000046  }
0xb1: {  	s29 =	simm.s32 $0x9;
	_ =	strace $0x80000048  }
0xb2: {  	_ =	swait.ge [sflag:s29], $0x1  }
0xb3: {  	[sflag:s29] =	ssyncadd.s32 $0xFFFFFFFF  }
0xb4: {  	_ =	strace $0x90000048  }
0xb5: {  	_ =	sfence  }
0xb6: {  	s30 =	sld [smem:$0x0];
	_ =	sdelay $0x2  }
0xb7: {  	s31 =	sshll.u32 s1, $0xD;
	s1 =	sshrl.u32 s1, $0x2  }
0xb8: {  	s3 =	sand.u32 $0x4000, s31;
	s1 =	sadd.s32 s1, s30  }
0xb9: {  	s0 =	sor.u32 s3, s0;
	s1 =	sshll.u32 s1, $0x11  }
0xba: {  	s0 =	sor.u32 s1, s0  }
0xbb: {  	s0 =	sadd.s32 $0x8F2B, s0  }
0xbc: {  	[sflag:s0] =	ssyncadd.remote.s32 $0x1  }
0xbd: {  	_ =	sfence.sel $0xFFFF  }
0xbe: {  	[dreg:$0x0] =	wrdreg $0xFFFFFFFF;
	(pc) =	sbr.abs _section_cstart, $3  }
0xbf: {  	[dreg:$0x1] =	wrdreg $0xFFFFFFFF  }
0xc0: {  	_ =	task.clear_ibuf [dreg:s6], $0x2FFFF;
	_ =	strace $0x9FFFFFFF  }
0xc1: {  	(tm) =	ssettm $0x7FFFFFFF  }
tec
execute0_lowered:
.L_overlay_start_1:
0x0: {  	(tag) =	ssettag $0x1  }
0x1: {  	s0 =	srdreg.scid  }
0x2: {  	s1 =	stileid.u32;
	s3 =	rddreg [dreg:$0x0]  }
0x3: {  	s26 =	simm.s32 $0x0;
	s4 =	simm.s32 $0x4000;
	s10 =	simm.s32 $0x6000  }
0x4: {  	s11 =	simm.s32 $0x1;
	s12 =	simm.s32 $0x40;
	s13 =	simm.s32 $0x2  }
0x5: {  	s0 =	sand.u32 $0x1, s0;
	s1 =	sshll.u32 s1, $0x5;
	[smem:$0x7FF] =	sst s26  }
0x6: {  	v2 =	vimm.s32 $0x0;
	v3 =	vimm.s32 $0x1;
	s29 =	sadd.s32 $0x1600, s3;
	s30 =	sadd.s32 $0x1200, s3;
	s31 =	sadd.s32 $0x9A00, s3  }
0x7: {  	v4 =	vlaneseq.u32;
	vm11 =	vcmask $0x704;
	vm8 =	vcmask $0xB08;
	s2 =	sshll.u32 s0, $0x4;
	_ =	strace $0x80000047;
	[smem:$0x7F8] =	sst s29  }
.Ltmp0:
0x8: {  	vm1 =	vcmask $0xF0C;
	vm2 =	vcmask $0x1310;
	vm6 =	vcmask $0x1714;
	s0 =	ssub.s32 $0x2, s0;
	[smem:$0x7F9] =	sst s30;
	(pc) =	sbr.rel .LBB2_1-.Ltmp0, $4  }
0x9: {  	vm4 =	vcmask $0x1B18;
	vm5 =	vcmask $0x2320;
	vm13 =	vcmask $0x2724;
	s9 =	sadd.s32 $0x3C9A00, s3;
	[smem:$0x7FA] =	sst s31;
	s28 =	sshrl.u32 s0, $0x1  }
0xa: {  	vm7 =	vcmask $0x2B28;
	vm12 =	vcmask $0x2F2C;
	v5 =	vmul.u32 $0xFFFFFFFF, v4;
	[smem:$0x7FD] =	sst s9;
	s8 =	sor.u32 s2, s1;
	s0 =	ssub.s32 s0, s28  }
0xb: {  	vm10 =	vcmask $0x3330;
	vm9 =	vcmask $0x3734;
	vm14 =	vcmask $0x3B38;
	s1 =	sadd.s32 $0x10, s8;
	[smem:$0x7FC] =	sst s8;
	s0 =	smax.u32 s0, $0x1  }
0xc: {  	s14 =	simm.s32 $0xB200;
	v5 =	vadd.s32 $0xF, v5;
	v0 =	vmov s8;
	v1 =	vmov s1;
	s1 =	simm.s32 $0x0;
	[smem:$0x7FB] =	sst s0  }
.LBB2_75:
0xd: {  	s1 =	sld [smem:$0x7F7]  }
0xe: {  	s0 =	sld [smem:$0x7FB];
	_ =	sdelay $0x1  }
0xf: {  	s1 =	sadd.s32 $0x1, s1  }
0x10: {  	p0 =	sne.s32 s1, s0  }
.Ltmp1:
0x11: {  	_ = 	snop;
	(pc) =	sbr.rel @!p0 .LBB2_76-.Ltmp1, $2  }
0x12: {  	_ =	sdelay $0x2  }
0x13: {  	s4 =	simm.s32 $0x4000  }
.LBB2_1:
0x14: {  	s30 =	sld [smem:$0x7F8];
	_ =	sdelay $0x1  }
0x15: {  	[smem:$0x7F7] =	sst s1;
	s0 =	simm.s32 $0x0;
	s2 =	simm.s32 $0x3  }
0x16: {  	[tilespmem:s0], [sflag:$0x3] =	stream.linear.gather [hbm4b:s30+s0], $0x2000, $0x38;
	[tilespmem:$0xB280] =	vst v63  }
0x17: {  	_ =	swait.ge [sflag:s2], $0x2000  }
0x18: {  	s31 =	sld [smem:$0x7F9]  }
0x19: {  	[sflag:s2] =	ssyncset.done $0x0  }
0x1a: {  	s3 =	simm.s32 $0x2000;
	[sflag:s2] =	ssyncadd.s32 $0xFFFFE000  }
0x1b: {  	[tilespmem:s3], [sflag:$0x3] =	stream.linear.gather [hbm4b:s31+s0], $0x2000, $0x38;
	[tilespmem:$0xB280] =	vst v63  }
0x1c: {  	_ =	swait.ge [sflag:s2], $0x2000  }
0x1d: {  	[sflag:s2] =	ssyncset.done $0x0  }
0x1e: {  	s1 =	simm.s32 $0x0;
	s0 =	simm.s32 $0x40;
	[sflag:s2] =	ssyncadd.s32 $0xFFFFE000  }
.LBB2_2:
0x1f: {  	p0 =	sne.s32 s0, $0x7FC0;
	[tilespmem:s1+$0x4000] =	vst v2;
	s1 =	smov.u32 s0;
	s0 =	sadd.s32 $0x40, s0  }
.Ltmp2:
0x20: {  	(pc) =	sbr.rel @p0 .LBB2_2-.Ltmp2, $2  }
0x21: {  	_ =	sdelay $0x2  }
0x22: {  	s1 =	sshra.s32 s1, $0x2  }
0x23: {  	[tilespmem:s1+$0x4000] =	vst v2;
	s0 =	simm.s32 $0x0;
	s2 =	simm.s32 $0x0;
	s1 =	simm.s32 $0x40  }
.LBB2_4:
0x24: {  	p0 =	sne.s32 s1, $0x7FC0;
	v6 =	vld [tilespmem:s2+$0x2000];
	_ =	sdelay $0x1  }
0x25: {  	v7 =	vld [tilespmem:s2+$0x0];
	_ =	sdelay $0x2  }
0x26: {  	v8 =	vsub.s32 v6, v0  }
0x27: {  	vm15 =	vge.s32 v6, v0;
	vm0 =	vlt.s32 v6, v1;
	v6 =	vshll.u32 v8, $0x9  }
0x28: {  	vm0 =	vmand vm15, vm0;
	v6 =	vadd.s32 v7, v6  }
0x29: {  	v6 =	vnsel vm0, $0x0, v6  }
.Ltmp3:
0x2a: {  	(pc) =	sbr.rel @p0 .LBB2_4-.Ltmp3, $2  }
0x2b: {  	_ =	sdelay $0x2  }
0x2c: {  	s2 =	sshra.s32 s1, $0x2;
	s1 =	sadd.s32 $0x40, s1;
	[tilespmem:v6+s4+$0x0] =	vst.idx.msk vm0, v3  }
0x2d: {  	v6 =	vld [tilespmem:s2+$0x2000];
	_ =	sdelay $0x1  }
0x2e: {  	v7 =	vld [tilespmem:s2+$0x0];
	_ =	sdelay $0x2  }
0x2f: {  	v8 =	vsub.s32 v6, v0  }
0x30: {  	vm0 =	vge.s32 v6, v0;
	vm15 =	vlt.s32 v6, v1;
	v6 =	vshll.u32 v8, $0x9  }
0x31: {  	vm0 =	vmand vm0, vm15;
	v6 =	vadd.s32 v7, v6  }
0x32: {  	v6 =	vnsel vm0, $0x0, v6;
	_ =	sdelay $0x4  }
0x33: {  	[tilespmem:v6+s4+$0x0] =	vst.idx.msk vm0, v3  }
.LBB2_6:
0x34: {  	s1 =	sshll.u32 s0, $0x9;
	s6 =	simm.s32 $0x0  }
0x35: {  	s2 =	sadd.s32 $0x4000, s1;
	s3 =	sand.u32 $0x180, s6  }
0x36: {  	s4 =	sand.u32 $0x70, s6;
	s3 =	sadd.s32 s3, s2  }
0x37: {  	s3 =	sadd.s32 s4, s3  }
0x38: {  	v6 =	vld [tilespmem:s3+$0x0];
	_ =	sdelay $0x4  }
0x39: {  	vm15 =	vgt.s32 v6, $0x0  }
0x3a: {  	v6 =	vsel vm15, $0x1, v2  }
0x3b: {  	(xrf0) =	vadd.scan.msk.s32 $0xffff, v6;
	_ =	sdelay $0x1  }
0x3c: {  	v6 =	vmov s1  }
0x3d: {  	v6 =	vadd.s32 $0xFFFFFFFF, v6  }
0x3e: {  	v7 =	vmpcnt.ones.xlane vm15;
	v6 =	vbroadcast v6, $0x0  }
0x3f: {  	v8 =	vimm.s32 $0x0  }
0x40: {  	v7 =	vadd.s32 v8, v7;
	v8 =	vadd.s32 v8, v6;
	v9, _, _ =	vpop (xrf0)  }
0x41: {  	v9 =	vadd.s32 v9, v8  }
0x42: {  	s1 =	simm.s32 $0x10  }
0x43: {  	s5 =	sand.u32 $0x180, s1  }
0x44: {  	v10 =	vor.u32 s6, v4;
	s3 =	simm.s32 $0x20;
	s4 =	sand.u32 $0x70, s1;
	s5 =	sadd.s32 s5, s2;
	v8 =	vmov v7  }
.LBB2_7:
0x45: {  	p0 =	sne.s32 s3, $0x1F0  }
0x46: {  	s4 =	sadd.s32 s4, s5;
	[tilespmem:v9+s10+$0x0] =	vst.idx.msk vm15, v10;
	s6 =	smov.u32 s3;
	s3 =	sadd.s32 $0x10, s3  }
0x47: {  	v9 =	vld [tilespmem:s4+$0x0];
	_ =	sdelay $0x4  }
0x48: {  	vm15 =	vgt.s32 v9, $0x0  }
0x49: {  	v9 =	vsel vm15, $0x1, v2;
	v10 =	vmpcnt.ones.xlane vm15  }
0x4a: {  	(xrf0) =	vadd.scan.msk.s32 $0xffff, v9  }
0x4b: {  	v7 =	vadd.s32 v7, v10;
	_ =	sdelay $0x4  }
0x4c: {  	v9 =	vadd.s32 v8, v6;
	v8 =	vmov v7;
	v10, _, _ =	vpop (xrf0)  }
.Ltmp4:
0x4d: {  	v9 =	vadd.s32 v10, v9;
	(pc) =	sbr.rel @p0 .LBB2_7-.Ltmp4, $3  }
0x4e: {  	_ =	sdelay $0x1  }
0x4f: {  	s5 =	sand.u32 $0x180, s6  }
0x50: {  	s4 =	sand.u32 $0x70, s6;
	s5 =	sadd.s32 s5, s2;
	v10 =	vor.u32 s1, v4;
	s1 =	smov.u32 s6  }
0x51: {  	_ =	sdelay $0x4  }
0x52: {  	s2 =	sadd.s32 s4, s5;
	[tilespmem:v9+s10+$0x0] =	vst.idx.msk vm15, v10  }
0x53: {  	v9 =	vld [tilespmem:s2+$0x0];
	_ =	sdelay $0x4  }
0x54: {  	vm0 =	vgt.s32 v9, $0x0  }
0x55: {  	v9 =	vmpcnt.ones.xlane vm0;
	_ =	sdelay $0x1  }
0x56: {  	v62 =	vsel vm0, $0x1, v2;
	v7 =	vadd.s32 v7, v9  }
0x57: {  	(xrf0) =	vadd.scan.msk.s32 $0xffff, v62;
	v7 =	vxor.u32 $0x80000000, v7  }
0x58: {  	(xrf0) =	vmax.scan.msk.u32 $0xffff, v7;
	_ =	sdelay $0x4  }
0x59: {  	v7, _, _ =	vpop (xrf0)  }
0x5a: {  	v63, _, _ =	vpop (xrf0)  }
0x5b: {  	(v2sf) =	vpush v63, $0xF;
	_ =	sdelay $0xe  }
0x5c: {  	s31 =	spop (v2sf)  }
0x5d: {  	s2 =	sxor.u32 $0x80000000, s31  }
0x5e: {  	v6 =	vadd.s32 v8, v6;
	[smem:s0] =	sst s2;
	s0 =	sadd.s32 $0x1, s0  }
0x5f: {  	v6 =	vadd.s32 v7, v6;
	p0 =	sne.s32 s0, $0x10  }
.Ltmp5:
0x60: {  	_ = 	snop;
	(pc) =	sbr.rel @p0 .LBB2_6-.Ltmp5, $3  }
0x61: {  	_ =	sdelay $0x1  }
0x62: {  	v7 =	vor.u32 s1, v4  }
0x63: {  	[tilespmem:v6+s10+$0x0] =	vst.idx.msk vm0, v7  }
.Ltmp6:
0x64: {  	(pc) =	sbr.rel .LBB2_10-.Ltmp6, $2  }
0x65: {  	_ =	sdelay $0x2  }
0x66: {  	s15 =	simm.s32 $0x0;
	vm15 =	vcmask $0x300  }
.LBB2_74:
0x67: {  	s2 =	sld [smem:$0x7FA]  }
0x68: {  	s0 =	sshll.u32 s15, $0x4;
	s1 =	sshll.u32 s21, $0x4  }
0x69: {  	s30 =	simm.s32 $0x0;
	s15 =	sadd.s32 $0x1, s15;
	s0 =	sand.u32 $0x70, s0  }
0x6a: {  	s1 =	sand.u32 $0x1F80, s1;
	p0 =	sne.s32 s15, $0x10;
	s0 =	sadd.s32 s2, s0  }
.Ltmp7:
0x6b: {  	s31 =	simm.s32 $0x3;
	s0 =	sadd.s32 s1, s0;
	(pc) =	sbr.rel @!p0 .LBB2_75-.Ltmp7, $4  }
0x6c: {  	[hbm4b:s0+s30] =	stream.linear.scatter [tilespmem:s14], [sflag:$0x3], $0x80, $0x38;
	[tilespmem:$0xB280] =	vst v63  }
0x6d: {  	_ =	swait.ge [sflag:s31], $0x80  }
0x6e: {  	[sflag:s31] =	ssyncset.done $0x0  }
0x6f: {  	[sflag:s31] =	ssyncadd.s32 $0xFFFFFF80  }
.LBB2_10:
0x70: {  	s0 =	sld [smem:s15+$0x0];
	_ =	sdelay $0x2  }
0x71: {  	s3 =	smul.u32 $0x5, s0;
	_ =	sdelay $0x1  }
0x72: {  	s1 =	sadd.s32 $0x3F, s3  }
0x73: {  	s2 =	sand.u32 $0x3F, s1  }
0x74: {  	s31 =	sshra.s32 s1, $0x1F;
	p1 =	slt.s32 s1, $0x1;
	p0 =	sne.s32 s2, $0x0  }
0x75: {  	s2 =	sshrl.u32 s31, $0x1A;
	p0 =	por !p1, !p0  }
0x76: {  	s1 =	sadd.s32 s2, s1;
	s2 =	simm.s32 $0x1;
	p0 =	por !p0, !p0  }
0x77: {  	s1 =	sshra.s32 s1, $0x6;
	s2 =	simm.s32 @!p0 $0x0  }
0x78: {  	s16 =	ssub.s32 s1, s2  }
0x79: {  	p0 =	slt.s32 s16, $0x1  }
.Ltmp8:
0x7a: {  	_ = 	snop;
	(pc) =	sbr.rel @p0 .LBB2_15-.Ltmp8, $2  }
0x7b: {  	_ =	sdelay $0x2  }
0x7c: {  	v6 =	vmov s3;
	s17 =	sshll.u32 s16, $0x2  }
0x7d: {  	p1 =	sgt.s32 s0, $0x1  }
0x7e: {  	s0 =	simm.s32 @!p1 $0x1  }
0x7f: {  	v7 =	vmov s0  }
0x80: {  	(v2sf) =	vpush v7, $0x6  }
0x81: {  	(v2sf) =	vpush v7, $0xD  }
0x82: {  	(v2sf) =	vpush v7, $0xC  }
0x83: {  	(v2sf) =	vpush v7, $0xB  }
0x84: {  	(v2sf) =	vpush v7, $0x9  }
0x85: {  	(v2sf) =	vpush v7, $0x8  }
0x86: {  	(v2sf) =	vpush v7, $0x0  }
0x87: {  	s26 =	simm.s32 $0x0;
	(v2sf) =	vpush v7, $0x1  }
0x88: {  	v8 =	vor.u32 s26, v4;
	(v2sf) =	vpush v7, $0x2  }
0x89: {  	(v2sf) =	vpush v8, $0xD  }
0x8a: {  	(v2sf) =	vpush v7, $0x3  }
0x8b: {  	(v2sf) =	vpush v8, $0xC  }
0x8c: {  	(v2sf) =	vpush v8, $0xB  }
0x8d: {  	(v2sf) =	vpush v7, $0x4  }
0x8e: {  	(v2sf) =	vpush v7, $0xF  }
0x8f: {  	(v2sf) =	vpush v8, $0x5;
	s13 =	spop (v2sf)  }
0x90: {  	(v2sf) =	vpush v8, $0x7;
	s28 =	spop (v2sf)  }
0x91: {  	(v2sf) =	vpush v8, $0xA;
	s1 =	spop (v2sf)  }
0x92: {  	(v2sf) =	vpush v7, $0x5;
	s22 =	spop (v2sf)  }
0x93: {  	(v2sf) =	vpush v7, $0x7;
	s5 =	spop (v2sf)  }
0x94: {  	(v2sf) =	vpush v8, $0x3;
	s4 =	spop (v2sf)  }
0x95: {  	s21 =	spop (v2sf);
	(v2sf) =	vpush v8, $0x2  }
0x96: {  	(v2sf) =	vpush v8, $0x1;
	s9 =	spop (v2sf)  }
0x97: {  	(v2sf) =	vpush v8, $0xF;
	s12 =	spop (v2sf)  }
0x98: {  	s2 =	spop (v2sf);
	(v2sf) =	vpush v8, $0x8  }
0x99: {  	s10 =	spop (v2sf)  }
0x9a: {  	s8 =	spop (v2sf)  }
0x9b: {  	s25 =	spop (v2sf)  }
0x9c: {  	s14 =	spop (v2sf)  }
0x9d: {  	s23 =	spop (v2sf)  }
0x9e: {  	(v2sf) =	vpush v8, $0x0;
	s26 =	spop (v2sf)  }
0x9f: {  	[smem:$0x7F6] =	sst s17;
	s17 =	spop (v2sf)  }
0xa0: {  	(v2sf) =	vpush v8, $0x6;
	s6 =	spop (v2sf)  }
0xa1: {  	[smem:$0x7F4] =	sst s28;
	s28 =	spop (v2sf)  }
0xa2: {  	s19 =	spop (v2sf)  }
0xa3: {  	s18 =	spop (v2sf)  }
0xa4: {  	[smem:$0x7F5] =	sst s15;
	s15 =	spop (v2sf)  }
0xa5: {  	s30 =	spop (v2sf)  }
0xa6: {  	s24 =	spop (v2sf)  }
0xa7: {  	[smem:$0x7F2] =	sst s3;
	s3 =	sshra.s32 s4, $0x1F;
	s7 =	spop (v2sf)  }
0xa8: {  	[smem:$0x7F3] =	sst s16;
	s11 =	sxor.u32 s3, s4;
	s4 =	sshra.s32 s7, $0x1F  }
0xa9: {  	s20 =	ssub.s32 s11, s3;
	s11 =	sshra.s32 s30, $0x1F;
	s7 =	sxor.u32 s4, s7  }
0xaa: {  	s16 =	sxor.u32 s11, s30;
	s29 =	ssub.s32 s7, s4;
	s7 =	sshra.s32 s9, $0x1F  }
0xab: {  	s16 =	ssub.s32 s16, s11;
	s9 =	sxor.u32 s7, s9  }
0xac: {  	(drf) =	sdiv.u32 s29, s20;
	s0 =	ssub.s32 s9, s7;
	s9 =	sshra.s32 s12, $0x1F  }
0xad: {  	s29 =	spop (v2sf);
	s30 =	sxor.u32 s9, s12;
	s12 =	sshra.s32 s15, $0x1F  }
0xae: {  	(drf) =	sdiv.u32 s16, s0;
	s16 =	sshra.s32 s13, $0x1F;
	s15 =	sxor.u32 s12, s15  }
0xaf: {  	(v2sf) =	vpush v8, $0x9;
	s0 =	ssub.s32 s30, s9;
	s30 =	spop (v2sf);
	s15 =	ssub.s32 s15, s12  }
0xb0: {  	(v2sf) =	vpush v8, $0x4;
	s20 =	sxor.u32 s16, s13;
	s13 =	sshra.s32 s30, $0x1F;
	(drf) =	sdiv.u32 s15, s0  }
0xb1: {  	s0 =	ssub.s32 s20, s16;
	s30 =	sxor.u32 s13, s30;
	s15 =	sshra.s32 s17, $0x1F  }
0xb2: {  	s20 =	sshra.s32 s28, $0x1F;
	s31 =	sxor.u32 s15, s17;
	s30 =	ssub.s32 s30, s13  }
0xb3: {  	s17 =	sshra.s32 s19, $0x1F;
	s28 =	sxor.u32 s20, s28;
	(drf) =	sdiv.u32 s30, s0  }
0xb4: {  	s19 =	sxor.u32 s17, s19;
	s0 =	ssub.s32 s31, s15;
	s28 =	ssub.s32 s28, s20  }
0xb5: {  	(v2sf) =	vpush v7, $0xA;
	s30 =	sshra.s32 s25, $0x1F;
	s31 =	ssub.s32 s19, s17;
	s19 =	sshra.s32 s26, $0x1F  }
0xb6: {  	s25 =	sxor.u32 s30, s25;
	[dreg:$0x5] =	wrdreg s30;
	(drf) =	sdiv.u32 s0, s31  }
0xb7: {  	s26 =	sxor.u32 s19, s26;
	s0 =	sshra.s32 s22, $0x1F;
	s25 =	ssub.s32 s25, s30  }
0xb8: {  	s31 =	sshra.s32 s18, $0x1F;
	s26 =	ssub.s32 s26, s19;
	s22 =	sxor.u32 s0, s22  }
0xb9: {  	(drf) =	sdiv.u32 s26, s28;
	s26 =	ssub.s32 s22, s0;
	s22 =	sshra.s32 s21, $0x1F  }
0xba: {  	[dreg:$0x3] =	wrdreg s0;
	s18 =	sxor.u32 s31, s18;
	s0 =	sxor.u32 s22, s21  }
0xbb: {  	s21 =	sshra.s32 s29, $0x1F;
	(drf) =	sdiv.u32 s25, s26;
	s26 =	sshra.s32 s23, $0x1F  }
0xbc: {  	s25 =	sshra.s32 s14, $0x1F;
	s0 =	ssub.s32 s0, s22;
	s28 =	sxor.u32 s21, s29  }
0xbd: {  	s29 =	sshra.s32 s24, $0x1F;
	s23 =	sxor.u32 s26, s23;
	s30 =	ssub.s32 s28, s21  }
0xbe: {  	s24 =	sxor.u32 s29, s24;
	s23 =	ssub.s32 s23, s26;
	s28 =	spop (v2sf)  }
0xbf: {  	(drf) =	sdiv.u32 s30, s0;
	s24 =	ssub.s32 s24, s29;
	s0 =	spop (v2sf)  }
0xc0: {  	s30 =	sshra.s32 s10, $0x1F;
	(drf) =	sdiv.u32 s24, s23;
	s24 =	sshra.s32 s0, $0x1F  }
0xc1: {  	s14 =	sxor.u32 s25, s14;
	s10 =	sxor.u32 s30, s10;
	s23 =	sxor.u32 s24, s0  }
0xc2: {  	s14 =	ssub.s32 s14, s25;
	s10 =	ssub.s32 s10, s30;
	s23 =	ssub.s32 s23, s24  }
0xc3: {  	s0 =	sshra.s32 s28, $0x1F;
	(drf) =	sdiv.u32 s23, s14;
	s14 =	ssub.s32 s18, s31  }
0xc4: {  	s18 =	sshra.s32 s5, $0x1F;
	s23 =	sxor.u32 s0, s28;
	s28 =	spop (v2sf)  }
0xc5: {  	(drf) =	sdiv.u32 s14, s10;
	s5 =	sxor.u32 s18, s5;
	s10 =	ssub.s32 s23, s0  }
0xc6: {  	s14 =	sshra.s32 s1, $0x1F;
	s23 =	sshra.s32 s6, $0x1F;
	s5 =	ssub.s32 s5, s18  }
0xc7: {  	s1 =	sxor.u32 s14, s1;
	(drf) =	sdiv.u32 s10, s5;
	s5 =	sshra.s32 s8, $0x1F  }
0xc8: {  	s6 =	sxor.u32 s23, s6;
	s10 =	sshra.s32 s28, $0x1F;
	s8 =	sxor.u32 s5, s8  }
0xc9: {  	s1 =	ssub.s32 s1, s14;
	s28 =	sxor.u32 s10, s28;
	s8 =	ssub.s32 s8, s5  }
0xca: {  	s6 =	ssub.s32 s6, s23;
	s28 =	ssub.s32 s28, s10;
	(drf) =	sdiv.u32 s8, s1  }
0xcb: {  	(drf) =	sdiv.u32 s6, s28;
	s6 =	sld [smem:$0x7F4]  }
0xcc: {  	s11 =	sxor.u32 s7, s11;
	(v2sf) =	vpush v7, $0xE  }
0xcd: {  	s9 =	sxor.u32 s9, s12;
	s13 =	sxor.u32 s16, s13;
	s28 =	sshra.s32 s2, $0x1F  }
0xce: {  	(v2sf) =	vpush v8, $0xE;
	s5 =	sxor.u32 s14, s5;
	s2 =	sxor.u32 s28, s2;
	s8 =	sshra.s32 s6, $0x1F  }
0xcf: {  	[dreg:$0x8] =	wrdreg s28;
	s2 =	ssub.s32 s2, s28;
	s1 =	sxor.u32 s8, s6  }
0xd0: {  	s6 =	spop (drf);
	[dreg:$0x4] =	wrdreg s8;
	s1 =	ssub.s32 s1, s8  }
0xd1: {  	s28 =	spop (drf);
	s8 =	sxor.u32 s3, s4;
	(drf) =	sdiv.u32 s2, s1  }
0xd2: {  	s1 =	sxor.u32 s30, s31;
	s30 =	spop (drf);
	s31 =	sxor.u32 s20, s19  }
0xd3: {  	s19 =	sxor.u32 s26, s29;
	s3 =	sxor.u32 s8, s6;
	s7 =	spop (drf)  }
0xd4: {  	s29 =	ssub.s32 s3, s8;
	s8 =	sxor.u32 s22, s21;
	s20 =	spop (drf)  }
0xd5: {  	s3 =	sxor.u32 s17, s15;
	s22 =	sxor.u32 s13, s7;
	s4 =	spop (drf)  }
0xd6: {  	s7 =	ssub.s32 s22, s13;
	s22 =	sld [smem:$0x7F6];
	s2 =	spop (drf)  }
0xd7: {  	s17 =	sxor.u32 s18, s0;
	s18 =	sxor.u32 s25, s24;
	s21 =	spop (drf)  }
0xd8: {  	s25 =	sxor.u32 s11, s28;
	s16 =	spop (drf);
	s13 =	sxor.u32 s8, s21  }
0xd9: {  	p1 =	sne.s32 s22, $0x1;
	s22 =	sadd.s32 $0xFFFFFFFF, s22;
	s24 =	spop (drf)  }
0xda: {  	s21 =	ssub.s32 s13, s8;
	s13 =	ssub.s32 s25, s11;
	s8 =	sld [smem:$0x7F5]  }
0xdb: {  	s11 =	sxor.u32 s9, s30;
	s14 =	sxor.u32 s19, s16;
	s30 =	spop (v2sf)  }
0xdc: {  	s25 =	simm.s32 $0x0;
	s26 =	spop (drf);
	s0 =	sxor.u32 s18, s24  }
0xdd: {  	s12 =	ssub.s32 s11, s9;
	s9 =	sshra.s32 s30, $0x1F;
	s11 =	spop (v2sf)  }
0xde: {  	[dreg:$0x2] =	wrdreg s25;
	s28 =	sxor.u32 s1, s26;
	s16 =	ssub.s32 s0, s18  }
0xdf: {  	s18 =	spop (drf);
	s26 =	sxor.u32 s3, s20;
	s20 =	ssub.s32 s14, s19  }
0xe0: {  	vm3 =	vmmov vm14;
	vm14 =	vmmov vm9;
	s24 =	sxor.u32 s9, s30;
	s14 =	sxor.u32 s31, s4;
	s15 =	ssub.s32 s28, s1  }
.Ltmp9:
0xe1: {  	vm9 =	vmmov vm5;
	vm5 =	vmmov vm2;
	vm2 =	vmmov vm8;
	s1 =	sshll.u32 s8, $0x9;
	s28 =	spop (drf);
	(pc) =	sbr.rel @!p1 .LBB2_13-.Ltmp9, $4  }
0xe2: {  	vm8 =	vmmov vm7;
	vm7 =	vmmov vm4;
	vm4 =	vmmov vm1;
	s8 =	sxor.u32 s17, s18;
	s0 =	sxor.u32 s5, s28;
	s28 =	simm.s32 $0x0  }
0xe3: {  	vm0 =	vgt.s32 v8, $0x0;
	v10 =	vmov s20;
	s20 =	simm.s32 $0x8000;
	s0 =	ssub.s32 s0, s5;
	v9 =	vmov s28;
	s5 =	sshra.s32 s11, $0x1F  }
0xe4: {  	vm1 =	vmmov vm15;
	v13 =	vsel vm0, $0x1, v2;
	s6 =	ssub.s32 s8, s17;
	s17 =	ssub.s32 s24, s9;
	v12 =	vshra.s32 v9, $0x1F;
	s30 =	sxor.u32 s5, s11  }
0xe5: {  	v11 =	vsel vm15, s21, v10;
	s21 =	simm.s32 $0x8000;
	v9 =	vmov s1;
	s1 =	spop (drf);
	v10 =	vadd.s32 v13, v12;
	s18 =	ssub.s32 s30, s5  }
.LBB2_12:
0xe6: {  	(v2sf) =	vpush v7, $0x6  }
0xe7: {  	(v2sf) =	vpush v7, $0xD;
	_ =	sdelay $0x1  }
0xe8: {  	(v2sf) =	vpush v7, $0xC;
	_ =	sdelay $0x1  }
0xe9: {  	s19 =	rddreg [dreg:$0x2];
	(drf) =	sdiv.u32 s18, s17;
	(v2sf) =	vpush v7, $0xB  }
0xea: {  	p2 =	sne.s32 s22, $0x1;
	v11 =	vsel vm11, s13, v11;
	s4 =	rddreg [dreg:$0x3];
	(v2sf) =	vpush v7, $0x9  }
0xeb: {  	s21 =	sadd.s32 $0x10, s21;
	s8 =	ssub.s32 s14, s31;
	s14 =	rddreg [dreg:$0x5];
	v11 =	vsel vm2, s12, v11  }
0xec: {  	s18 =	sadd.s32 $0xFFFFFFFF, s22;
	s3 =	ssub.s32 s26, s3;
	s24 =	rddreg [dreg:$0x4];
	v11 =	vsel vm4, s15, v11;
	(v2sf) =	vpush v7, $0x8  }
0xed: {  	s11 =	rddreg [dreg:$0x8];
	s25 =	smov.u32 s20;
	s26 =	sxor.u32 s10, s23;
	v11 =	vsel vm5, s16, v11  }
0xee: {  	s5 =	sxor.u32 s9, s5;
	[dreg:$0x7] =	wrdreg s21;
	s19 =	sadd.s32 $0x10, s19;
	v11 =	vsel vm6, s8, v11;
	(v2sf) =	vpush v7, $0x0  }
0xef: {  	vm0 =	vcmask $0x1F1C;
	s12 =	sxor.u32 s4, s14;
	[dreg:$0x6] =	wrdreg s18;
	s11 =	sxor.u32 s24, s11;
	v11 =	vsel vm7, s7, v11  }
0xf0: {  	[dreg:$0x11] =	wrdreg s25;
	s30 =	smov.u32 s21;
	s1 =	sxor.u32 s26, s1;
	v11 =	vsel vm0, s3, v11;
	(v2sf) =	vpush v7, $0x1  }
0xf1: {  	s2 =	sxor.u32 s12, s2;
	[dreg:$0x9] =	wrdreg s30;
	s22 =	spop (drf);
	v11 =	vsel vm9, s29, v11;
	(v2sf) =	vpush v7, $0x2  }
0xf2: {  	s1 =	ssub.s32 s1, s26;
	[dreg:$0x2] =	wrdreg s19;
	v11 =	vsel vm13, s6, v11;
	s7 =	spop (drf)  }
0xf3: {  	v13 =	vor.u32 s19, v4;
	s2 =	ssub.s32 s2, s12;
	s28 =	sxor.u32 s11, s22;
	v11 =	vsel vm8, s1, v11;
	s9 =	spop (v2sf)  }
0xf4: {  	s6 =	ssub.s32 s28, s11;
	(v2sf) =	vpush v13, $0xD;
	v11 =	vsel vm12, s2, v11;
	s8 =	sxor.u32 s5, s7;
	s10 =	spop (v2sf)  }
0xf5: {  	(v2sf) =	vpush v7, $0x3;
	v11 =	vsel vm10, s0, v11;
	s0 =	ssub.s32 s8, s5;
	s12 =	sshra.s32 s9, $0x1F;
	s11 =	sshra.s32 s10, $0x1F  }
0xf6: {  	(v2sf) =	vpush v13, $0xC;
	s2 =	spop (v2sf);
	[dreg:$0xb] =	wrdreg s12;
	s14 =	sxor.u32 s12, s9  }
0xf7: {  	s1 =	sxor.u32 s11, s10;
	s4 =	ssub.s32 s14, s12;
	[dreg:$0x4] =	wrdreg s11  }
0xf8: {  	v11 =	vsel vm14, s6, v11;
	s13 =	spop (v2sf);
	s9 =	sshra.s32 s2, $0x1F;
	[dreg:$0xf] =	wrdreg s4  }
0xf9: {  	(v2sf) =	vpush v13, $0xB;
	v11 =	vsel vm3, s0, v11;
	s15 =	sshra.s32 s13, $0x1F;
	s0 =	spop (v2sf);
	[dreg:$0x1d] =	wrdreg s9  }
0xfa: {  	s1 =	ssub.s32 s1, s11;
	s3 =	sxor.u32 s15, s13;
	[dreg:$0x3] =	wrdreg s15  }
0xfb: {  	(v2sf) =	vpush v7, $0x4;
	s16 =	spop (v2sf);
	[dreg:$0xa] =	wrdreg s1;
	s3 =	ssub.s32 s3, s15  }
0xfc: {  	(v2sf) =	vpush v7, $0xF;
	s6 =	sshra.s32 s0, $0x1F;
	s20 =	sshra.s32 s16, $0x1F;
	[dreg:$0xd] =	wrdreg s3  }
0xfd: {  	(v2sf) =	vpush v13, $0x5;
	s18 =	spop (v2sf);
	s10 =	smov.u32 s6;
	[dreg:$0x15] =	wrdreg s20  }
0xfe: {  	(v2sf) =	vpush v13, $0x7;
	s29 =	sxor.u32 s6, s0;
	s22 =	sshra.s32 s18, $0x1F;
	[dreg:$0x18] =	wrdreg s10  }
0xff: {  	v12 =	vmov s19;
	(v2sf) =	vpush v13, $0xA;
	s21 =	spop (v2sf);
	s4 =	sxor.u32 s20, s16;
	[dreg:$0xe] =	wrdreg s22  }
0x100: {  	vm0 =	vgt.s32 v13, $0x0;
	v59 =	vmul.u32 v7, v11;
	(v2sf) =	vpush v7, $0x5;
	s19 =	sshra.s32 s21, $0x1F;
	s23 =	spop (v2sf);
	s14 =	ssub.s32 s4, s20  }
0x101: {  	v14 =	vsel vm0, $0x1, v2;
	(v2sf) =	vpush v7, $0x7;
	s5 =	sxor.u32 s22, s18;
	s1 =	sxor.u32 s19, s21;
	[smem:$0x7EC] =	sst s14  }
0x102: {  	vm0 =	vne.s32 v10, $0x1;
	vm15 =	vne.s32 v8, v59;
	(v2sf) =	vpush v13, $0x3;
	s17 =	sshra.s32 s23, $0x1F;
	s26 =	ssub.s32 s5, s22;
	[dreg:$0x19] =	wrdreg s1  }
0x103: {  	vm0 =	vmand vm0, vm15;
	s24 =	spop (v2sf);
	s25 =	sxor.u32 s17, s23;
	[dreg:$0x10] =	wrdreg s26  }
0x104: {  	v60 =	vsel vm0, $0xFFFFFFFF, v2;
	s15 =	spop (v2sf);
	s28 =	sshra.s32 s24, $0x1F;
	[dreg:$0x1f] =	wrdreg s25  }
0x105: {  	v11 =	vadd.s32 v60, v11;
	s12 =	spop (v2sf);
	s8 =	sshra.s32 s15, $0x1F;
	[dreg:$0x8] =	wrdreg s28  }
0x106: {  	vm0 =	vlt.s32 v11, $0x4;
	(v2sf) =	vpush v13, $0x2;
	s20 =	sxor.u32 s28, s24;
	s24 =	simm.s32 $0x6000;
	[dreg:$0x14] =	wrdreg s12  }
0x107: {  	v61 =	vadd.s32 v9, v8;
	v11 =	vnsel vm0, $0x4, v11;
	(v2sf) =	vpush v13, $0x1;
	s25 =	sshra.s32 s12, $0x1F;
	s12 =	sxor.u32 s9, s2;
	s9 =	rddreg [dreg:$0x11]  }
0x108: {  	v12 =	vshra.s32 v12, $0x1F;
	vm15 =	vlt.s32 v8, v6;
	v8 =	vmovc v13;
	v62 =	vmul.u32 v11, v7;
	s13 =	spop (v2sf);
	s5 =	ssub.s32 s20, s28;
	[dreg:$0x13] =	wrdreg s25  }
0x109: {  	v12 =	vadd.s32 v14, v12;
	(v2sf) =	vpush v8, $0xF;
	s15 =	sxor.u32 s8, s15;
	s18 =	sshra.s32 s13, $0x1F;
	[dreg:$0xc] =	wrdreg s5  }
0x10a: {  	v10 =	vmov v12;
	v12 =	vsub.s32 v61, v62;
	s23 =	spop (v2sf);
	[dreg:$0x1c] =	wrdreg s12;
	s5 =	ssub.s32 s29, s10  }
0x10b: {  	(v2sf) =	vpush v8, $0x8;
	s16 =	sxor.u32 s18, s13;
	s22 =	spop (v2sf);
	[dreg:$0x17] =	wrdreg s5  }
0x10c: {  	(v2sf) =	vpush v8, $0x0;
	[dreg:$0x5] =	wrdreg s18;
	s21 =	sshra.s32 s22, $0x1F;
	s26 =	spop (v2sf)  }
0x10d: {  	[dreg:$0x1e] =	wrdreg s16;
	s30 =	sxor.u32 s21, s22;
	s22 =	spop (v2sf)  }
0x10e: {  	s16 =	sshra.s32 s26, $0x1F;
	[dreg:$0x1b] =	wrdreg s30;
	s7 =	spop (v2sf)  }
0x10f: {  	(v2sf) =	vpush v8, $0x6;
	v12 =	vld.idx.msk [tilespmem:v12+s24+$0x0], vm15;
	s11 =	sxor.u32 s16, s26;
	[dreg:$0x1a] =	wrdreg s7;
	s24 =	spop (v2sf)  }
0x110: {  	s14 =	ssub.s32 s11, s16;
	s25 =	sshra.s32 s24, $0x1F;
	s28 =	spop (v2sf)  }
0x111: {  	(v2sf) =	vpush v8, $0x9;
	[smem:$0x7EE] =	sst s14;
	s13 =	spop (v2sf);
	s20 =	sxor.u32 s25, s24  }
0x112: {  	(v2sf) =	vpush v8, $0x4;
	s24 =	ssub.s32 s15, s8;
	s15 =	sshra.s32 s22, $0x1F;
	[smem:$0x7ED] =	sst s13  }
0x113: {  	s12 =	sshra.s32 s28, $0x1F;
	s16 =	sxor.u32 s25, s16;
	[dreg:$0x16] =	wrdreg s24  }
0x114: {  	v12 =	vnsel vm15, $0x0, v12;
	s2 =	ssub.s32 s20, s25;
	s20 =	sxor.u32 s12, s28;
	s28 =	rddreg [dreg:$0x1f]  }
0x115: {  	v63 =	vshll.u32 v12, $0x9;
	s26 =	sshra.s32 s13, $0x1F;
	s30 =	spop (v2sf);
	s25 =	rddreg [dreg:$0x1d]  }
0x116: {  	v11 =	vshll.u32 v11, $0x12;
	v13 =	vand.u32 $0xFFFF0000, v63;
	s14 =	sxor.u32 s15, s22;
	s3 =	spop (v2sf);
	[smem:$0x7EF] =	sst s2  }
0x117: {  	v12 =	vand.u32 $0x7F, v12;
	v11 =	vadd.s32 v13, v11;
	s31 =	sshra.s32 s30, $0x1F;
	s10 =	sxor.u32 s8, s26;
	s14 =	ssub.s32 s14, s15  }
0x118: {  	s4 =	spop (v2sf);
	s1 =	sshra.s32 s3, $0x1F;
	v11 =	vor.u32 v12, v11;
	[dreg:$0x12] =	wrdreg s10  }
0x119: {  	s13 =	sxor.u32 s31, s30;
	s29 =	sshra.s32 s4, $0x1F;
	[tilespmem:s9+$0x0] =	vst v11;
	s9 =	ssub.s32 s28, s17  }
0x11a: {  	s28 =	sshra.s32 s23, $0x1F;
	s6 =	spop (v2sf);
	s24 =	sxor.u32 s29, s4  }
0x11b: {  	s4 =	sxor.u32 s1, s3;
	s7 =	sshra.s32 s6, $0x1F;
	s10 =	spop (v2sf)  }
0x11c: {  	s11 =	ssub.s32 s24, s29;
	s4 =	ssub.s32 s4, s1;
	s29 =	sxor.u32 s21, s29  }
0x11d: {  	s2 =	sxor.u32 s7, s6;
	[smem:$0x7F0] =	sst s11;
	s22 =	sshra.s32 s10, $0x1F  }
0x11e: {  	s6 =	rddreg [dreg:$0x19];
	s0 =	spop (v2sf);
	s24 =	ssub.s32 s2, s7  }
0x11f: {  	s3 =	ssub.s32 s6, s19;
	s6 =	smov.u32 s23;
	s23 =	sld [smem:$0x7EC]  }
0x120: {  	s5 =	spop (v2sf);
	s8 =	sshra.s32 s0, $0x1F;
	s6 =	sxor.u32 s28, s6  }
0x121: {  	s30 =	sshra.s32 s5, $0x1F;
	s2 =	spop (v2sf);
	s0 =	sxor.u32 s8, s0  }
0x122: {  	(drf) =	sdiv.u32 s24, s23;
	s24 =	sxor.u32 s19, s1;
	s1 =	rddreg [dreg:$0xf]  }
0x123: {  	s6 =	ssub.s32 s6, s28;
	s23 =	ssub.s32 s13, s31;
	s13 =	rddreg [dreg:$0x1b]  }
0x124: {  	s0 =	ssub.s32 s0, s8;
	(drf) =	sdiv.u32 s4, s3;
	s4 =	rddreg [dreg:$0x1e]  }
0x125: {  	s19 =	ssub.s32 s4, s18;
	(drf) =	sdiv.u32 s23, s9;
	s18 =	sxor.u32 s22, s10  }
0x126: {  	s23 =	ssub.s32 s20, s12;
	s10 =	rddreg [dreg:$0x15];
	(drf) =	sdiv.u32 s0, s1  }
0x127: {  	(v2sf) =	vpush v7, $0xA;
	s11 =	sshra.s32 s2, $0x1F;
	(drf) =	sdiv.u32 s14, s23;
	s14 =	sld [smem:$0x7ED]  }
0x128: {  	s5 =	sxor.u32 s30, s5;
	s2 =	sxor.u32 s11, s2;
	s20 =	sld [smem:$0x7EF]  }
0x129: {  	s9 =	ssub.s32 s13, s21;
	s21 =	rddreg [dreg:$0x14];
	s3 =	ssub.s32 s18, s22  }
0x12a: {  	s7 =	sxor.u32 s10, s7;
	s18 =	sld [smem:$0x7EE];
	s0 =	sxor.u32 s26, s14  }
0x12b: {  	s1 =	ssub.s32 s5, s30;
	s23 =	rddreg [dreg:$0x1a];
	s5 =	ssub.s32 s0, s26  }
0x12c: {  	(v2sf) =	vpush v7, $0xE;
	s0 =	sxor.u32 s17, s31;
	s17 =	rddreg [dreg:$0x1c];
	s10 =	spop (drf)  }
0x12d: {  	s2 =	ssub.s32 s2, s11;
	(drf) =	sdiv.u32 s18, s20;
	s20 =	rddreg [dreg:$0x13]  }
0x12e: {  	s13 =	ssub.s32 s17, s25;
	s17 =	rddreg [dreg:$0xd];
	s14 =	sxor.u32 s20, s21  }
0x12f: {  	s26 =	spop (drf);
	s10 =	sxor.u32 s7, s10;
	s21 =	rddreg [dreg:$0x18]  }
0x130: {  	(v2sf) =	vpush v8, $0xE;
	(drf) =	sdiv.u32 s19, s17;
	s19 =	ssub.s32 s10, s7;
	s7 =	sld [smem:$0x7F0]  }
0x131: {  	s31 =	smov.u32 s16;
	s18 =	sxor.u32 s24, s26;
	s26 =	rddreg [dreg:$0x10]  }
0x132: {  	s16 =	smov.u32 s24;
	s10 =	rddreg [dreg:$0xe];
	(drf) =	sdiv.u32 s3, s26  }
0x133: {  	s24 =	smov.u32 s20;
	(drf) =	sdiv.u32 s7, s9;
	s9 =	spop (drf)  }
0x134: {  	s7 =	ssub.s32 s14, s20;
	s20 =	sxor.u32 s10, s22;
	s14 =	rddreg [dreg:$0xb]  }
0x135: {  	s22 =	rddreg [dreg:$0x16];
	s3 =	sxor.u32 s0, s9;
	s9 =	spop (drf)  }
0x136: {  	s4 =	sshra.s32 s23, $0x1F;
	(drf) =	sdiv.u32 s2, s6;
	s2 =	spop (v2sf)  }
0x137: {  	s6 =	sxor.u32 s14, s8;
	s8 =	sxor.u32 s21, s30;
	s30 =	rddreg [dreg:$0x17]  }
0x138: {  	[smem:$0x7F1] =	sst s3;
	s3 =	sxor.u32 s12, s15;
	s17 =	spop (drf)  }
0x139: {  	(drf) =	sdiv.u32 s5, s22;
	s5 =	sxor.u32 s28, s11;
	s10 =	sshra.s32 s2, $0x1F  }
0x13a: {  	s11 =	sxor.u32 s6, s9;
	s15 =	sxor.u32 s4, s23;
	s23 =	smov.u32 s4  }
0x13b: {  	s26 =	sxor.u32 s3, s17;
	(drf) =	sdiv.u32 s1, s30;
	s30 =	spop (v2sf)  }
0x13c: {  	s2 =	sxor.u32 s10, s2;
	s22 =	ssub.s32 s15, s4;
	s1 =	spop (drf)  }
0x13d: {  	(drf) =	sdiv.u32 s7, s13;
	s12 =	ssub.s32 s2, s10;
	s7 =	ssub.s32 s11, s6  }
0x13e: {  	s13 =	ssub.s32 s18, s16;
	s18 =	sxor.u32 s25, s24;
	s2 =	spop (drf)  }
0x13f: {  	s24 =	rddreg [dreg:$0xa];
	s14 =	sxor.u32 s31, s1;
	s1 =	spop (v2sf)  }
0x140: {  	s9 =	sshra.s32 s30, $0x1F;
	s25 =	rddreg [dreg:$0xc];
	s17 =	spop (drf)  }
0x141: {  	s6 =	sxor.u32 s9, s30;
	s4 =	sxor.u32 s20, s17;
	s28 =	spop (drf)  }
0x142: {  	s17 =	ssub.s32 s6, s9;
	(drf) =	sdiv.u32 s22, s12;
	s22 =	rddreg [dreg:$0x6]  }
0x143: {  	s21 =	sxor.u32 s29, s28;
	s11 =	spop (drf);
	s28 =	rddreg [dreg:$0x12]  }
0x144: {  	s20 =	ssub.s32 s4, s20;
	s12 =	spop (drf);
	(drf) =	sdiv.u32 s25, s24  }
0x145: {  	s11 =	sxor.u32 s5, s11;
	s25 =	ssub.s32 s21, s29;
	s16 =	sxor.u32 s28, s12  }
0x146: {  	s29 =	smov.u32 s19;
	s30 =	spop (drf);
	s15 =	ssub.s32 s16, s28  }
.Ltmp10:
0x147: {  	s28 =	sxor.u32 s8, s30;
	s30 =	sld [smem:$0x7F1];
	(pc) =	sbr.rel @p2 .LBB2_12-.Ltmp10, $4  }
0x148: {  	s21 =	rddreg [dreg:$0x7];
	v11 =	vmov s25;
	s12 =	spop (drf);
	s16 =	ssub.s32 s11, s5  }
0x149: {  	s5 =	sshra.s32 s1, $0x1F;
	v11 =	vsel vm1, s20, v11;
	s20 =	rddreg [dreg:$0x9];
	s6 =	sxor.u32 s18, s12  }
0x14a: {  	s1 =	sxor.u32 s5, s1;
	s12 =	ssub.s32 s30, s0;
	s0 =	ssub.s32 s6, s18  }
0x14b: {  	s6 =	ssub.s32 s28, s8;
	s18 =	ssub.s32 s1, s5;
	s1 =	spop (drf)  }
.LBB2_13:
0x14c: {  	v11 =	vsel vm11, s13, v11  }
0x14d: {  	(drf) =	sdiv.u32 s18, s17;
	v11 =	vsel vm2, s12, v11  }
0x14e: {  	v11 =	vsel vm4, s15, v11  }
0x14f: {  	s4 =	ssub.s32 s14, s31;
	v11 =	vsel vm5, s16, v11  }
0x150: {  	v11 =	vsel vm6, s4, v11  }
0x151: {  	s3 =	ssub.s32 s26, s3;
	vm0 =	vcmask $0x1F1C;
	s21 =	rddreg [dreg:$0x3];
	v11 =	vsel vm7, s7, v11  }
0x152: {  	s19 =	sxor.u32 s10, s23;
	s22 =	rddreg [dreg:$0x5];
	v11 =	vsel vm0, s3, v11  }
0x153: {  	s23 =	rddreg [dreg:$0x4];
	s1 =	sxor.u32 s19, s1;
	s3 =	sxor.u32 s21, s22;
	v11 =	vsel vm9, s29, v11  }
0x154: {  	s24 =	rddreg [dreg:$0x8];
	s1 =	ssub.s32 s1, s19;
	s2 =	sxor.u32 s3, s2;
	v11 =	vsel vm13, s6, v11  }
0x155: {  	s25 =	spop (drf);
	s4 =	sxor.u32 s23, s24;
	s2 =	ssub.s32 s2, s3;
	v11 =	vsel vm8, s1, v11  }
0x156: {  	s26 =	sxor.u32 s9, s5;
	s1 =	sxor.u32 s4, s25;
	s28 =	spop (drf);
	v11 =	vsel vm12, s2, v11  }
0x157: {  	s1 =	ssub.s32 s1, s4;
	s29 =	sxor.u32 s26, s28;
	v11 =	vsel vm10, s0, v11  }
0x158: {  	s0 =	ssub.s32 s29, s26;
	v11 =	vsel vm14, s1, v11  }
0x159: {  	v11 =	vsel vm3, s0, v11  }
0x15a: {  	v12 =	vmul.u32 v7, v11;
	_ =	sdelay $0x1  }
0x15b: {  	vm0 =	vne.s32 v10, $0x1;
	vm15 =	vne.s32 v8, v12  }
0x15c: {  	vm0 =	vmand vm0, vm15  }
0x15d: {  	v62 =	vsel vm0, $0xFFFFFFFF, v2  }
0x15e: {  	v10 =	vadd.s32 v62, v11  }
0x15f: {  	vm0 =	vlt.s32 v10, $0x4  }
0x160: {  	v10 =	vnsel vm0, $0x4, v10  }
0x161: {  	v7 =	vmul.u32 v10, v7  }
0x162: {  	v9 =	vadd.s32 v9, v8;
	vm0 =	vlt.s32 v8, v6  }
0x163: {  	v7 =	vsub.s32 v9, v7;
	_ =	sdelay $0x3  }
0x164: {  	s30 =	simm.s32 $0x6000  }
0x165: {  	v7 =	vld.idx.msk [tilespmem:v7+s30+$0x0], vm0;
	_ =	sdelay $0x1  }
0x166: {  	s31 =	sld [smem:$0x7F2];
	_ =	sdelay $0x2  }
0x167: {  	p2 =	sgt.s32 s31, $0x0;
	v7 =	vnsel vm0, $0x0, v7  }
.Ltmp11:
0x168: {  	vm1 =	vmmov vm2;
	v8 =	vshll.u32 v7, $0x9;
	(pc) =	sbr.rel @!p2 .LBB2_14-.Ltmp11, $4  }
0x169: {  	vm2 =	vmmov vm4;
	v63 =	vshll.u32 v10, $0x12;
	v8 =	vand.u32 $0xFFFF0000, v8  }
0x16a: {  	vm4 =	vmmov vm5;
	v7 =	vand.u32 $0x7F, v7;
	v8 =	vadd.s32 v8, v63  }
0x16b: {  	vm5 =	vmmov vm7;
	vm7 =	vmmov vm8;
	v7 =	vor.u32 v7, v8  }
0x16c: {  	s10 =	simm.s32 $0x6000;
	vm9 =	vmmov vm10;
	vm8 =	vmmov vm14;
	vm14 =	vmmov vm3;
	[tilespmem:s20+$0x0] =	vst v7  }
0x16d: {  	s8 =	sld [smem:$0x7FC]  }
0x16e: {  	s15 =	sld [smem:$0x7F5]  }
.Ltmp12:
0x16f: {  	s2 =	simm.s32 $0x8000;
	s17 =	sld [smem:$0x7F6];
	(pc) =	sbr.rel @!p1 .LBB2_17-.Ltmp12, $4  }
0x170: {  	p2 =	por $0x0, $0x0;
	s9 =	sld [smem:$0x7FD];
	s11 =	simm.s32 $0x1  }
0x171: {  	s12 =	simm.s32 $0x40;
	s13 =	simm.s32 $0x2;
	s0 =	sadd.s32 s8, s15  }
0x172: {  	vm15 =	vcmask $0x300;
	s14 =	simm.s32 $0xB200;
	s1 =	sshll.u32 s0, $0x7;
	s0 =	simm.s32 $0x0  }
0x173: {  	vm3 =	vmmov vm1;
	vm10 =	vmmov vm9;
	s16 =	sld [smem:$0x7F3];
	v8 =	vld [tilespmem:s2+$0x0];
	s2 =	sadd.s32 $0xFFFFFFFF, s17;
	v7 =	vmov s1;
	s1 =	sand.u32 $0xFFFFFF00, s0  }
0x174: {  	_ = 	snop  }
0x175: {  	p1 =	sne.s32 s2, $0x1  }
.Ltmp13:
0x176: {  	_ = 	snop;
	(pc) =	sbr.rel @!p1 .LBB2_19-.Ltmp13, $4  }
0x177: {  	s3 =	sand.u32 $0x70, s0  }
0x178: {  	s3 =	sor.u32 s3, s1;
	v8 =	vadd.s32 v7, v8  }
0x179: {  	s4 =	simm.s32 $0x8010;
	s5 =	sadd.s32 $0xFFFFFFFF, s2;
	[tilespmem:s3+$0x8A00] =	vst v8  }
0x17a: {  	p2 =	por $0x1, $0x1;
	s2 =	simm.s32 $0x0;
	vm1 =	vmmov vm2;
	vm9 =	vmmov vm8;
	s3 =	simm.s32 $0x0;
	v8 =	vld [tilespmem:s4+$0x0]  }
.LBB2_20:
0x17b: {  	p1 =	sne.s32 s5, $0x1;
	_ =	sdelay $0x1  }
.Ltmp14:
0x17c: {  	s2 =	sadd.s32 $0x20, s2;
	s3 =	sadd.s32 $0x10, s3;
	(pc) =	sbr.rel @p1 .LBB2_20-.Ltmp14, $4  }
0x17d: {  	s6 =	sand.u32 $0x70, s3;
	s7 =	sand.u32 $0xFFFFFF00, s2  }
0x17e: {  	s6 =	sor.u32 s6, s7;
	v8 =	vadd.s32 v7, v8  }
0x17f: {  	s4 =	sadd.s32 $0x10, s4;
	[tilespmem:s6+$0x8A00] =	vst v8  }
0x180: {  	s5 =	sadd.s32 $0xFFFFFFFF, s5;
	v8 =	vld [tilespmem:s4+$0x0]  }
0x181: {  	vm2 =	vmmov vm4;
	vm8 =	vmmov vm3  }
.LBB2_22:
0x182: {  	s2 =	sadd.s32 @p2 $0x20, s2;
	s3 =	sadd.s32 @p2 $0x10, s3  }
0x183: {  	s4 =	simm.s32 $0x0;
	s5 =	simm.s32 $0x0;
	s30 =	sand.u32 $0x40, s0  }
0x184: {  	p1 =	sne.s32 s16, $0x1;
	s4 =	smov.u32 @p2 s3;
	s5 =	smov.u32 @p2 s2  }
.Ltmp15:
0x185: {  	s28 =	sand.u32 $0x70, s4;
	s29 =	sand.u32 $0xFFFFFF00, s5;
	(pc) =	sbr.rel @!p1 .LBB2_24-.Ltmp15, $4  }
0x186: {  	s1 =	sor.u32 s30, s1;
	v7 =	vadd.s32 v7, v8;
	s2 =	sor.u32 s28, s29  }
0x187: {  	s31 =	sadd.s32 $0x9E00, s1;
	s1 =	sadd.s32 $0x8A00, s1;
	[tilespmem:s2+$0x8A00] =	vst v7  }
0x188: {  	[tilespmem:s31], [sflag:$0x1] =	stream.indirect.gather [hbm4b:s9+s12], $0x1, s1, s12, $0xb8;
	[tilespmem:$0xB280] =	vst v63  }
0x189: {  	vm4 =	vmmov vm5;
	s2 =	simm.s32 $0x40;
	s1 =	sadd.s32 $0xFFFFFFFF, s16  }
.LBB2_23:
0x18a: {  	s3 =	sand.u32 $0x40, s2;
	s0 =	sadd.s32 $0x80, s0;
	p1 =	sne.s32 s1, $0x1  }
.Ltmp16:
0x18b: {  	s1 =	sadd.s32 $0xFFFFFFFF, s1;
	s4 =	sand.u32 $0xFFFFFF00, s0;
	(pc) =	sbr.rel @p1 .LBB2_23-.Ltmp16, $4  }
0x18c: {  	s3 =	sor.u32 s3, s4  }
0x18d: {  	s4 =	sadd.s32 $0x9E00, s3;
	s3 =	sadd.s32 $0x8A00, s3  }
0x18e: {  	[tilespmem:s4], [sflag:$0x1] =	stream.indirect.gather [hbm4b:s9+s12], $0x1, s3, s12, $0xb8;
	[tilespmem:$0xB280] =	vst v63  }
0x18f: {  	s2 =	sadd.s32 $0x40, s2  }
.LBB2_24:
.Ltmp17:
0x190: {  	(pc) =	sbr.rel .LBB2_25-.Ltmp17, $2  }
0x191: {  	_ =	sdelay $0x2  }
0x192: {  	p1 =	por $0x1, $0x1;
	vm5 =	vcmask $0x2320  }
.LBB2_15:
.Ltmp18:
0x193: {  	(pc) =	sbr.rel .LBB2_25-.Ltmp18, $2  }
0x194: {  	_ =	sdelay $0x2  }
0x195: {  	p1 =	sgt.s32 s3, $0x0  }
.LBB2_14:
0x196: {  	s8 =	sld [smem:$0x7FC]  }
0x197: {  	s9 =	sld [smem:$0x7FD]  }
0x198: {  	p1 =	por $0x0, $0x0;
	vm15 =	vcmask $0x300;
	vm3 =	vmmov vm1;
	vm1 =	vmmov vm2;
	s15 =	sld [smem:$0x7F5]  }
0x199: {  	vm2 =	vmmov vm4;
	vm4 =	vmmov vm5;
	vm5 =	vcmask $0x2320;
	s11 =	simm.s32 $0x1;
	s12 =	simm.s32 $0x40;
	s16 =	sld [smem:$0x7F3]  }
0x19a: {  	vm10 =	vmmov vm9;
	vm9 =	vmmov vm8;
	s13 =	simm.s32 $0x2;
	s14 =	simm.s32 $0xB200;
	s17 =	sld [smem:$0x7F6];
	vm8 =	vmmov vm3  }
.LBB2_25:
.Ltmp19:
0x19b: {  	(pc) =	sbr.rel .LBB2_26-.Ltmp19, $4  }
0x19c: {  	s21 =	sadd.s32 s8, s15  }
0x19d: {  	s23 =	simm.s32 $0x0;
	p2 =	sgt.s32 s16, $0x0;
	s0 =	sshll.u32 s21, $0x7  }
0x19e: {  	p3 =	sgt.s32 s17, $0x1;
	s22 =	sadd.s32 $0x140000, s0;
	p2 =	por !p2, !p1  }
0x19f: {  	s17 =	simm.s32 @!p3 $0x1;
	p2 =	por !p2, !p2;
	p3 =	por !p1, !p1  }
.LBB2_29:
0x1a0: {  	v7 =	vimm.f32 $-1.000000000e+09  }
.LBB2_73:
0x1a1: {  	(xrf0) =	vmin.scan.msk.f32 $0xffff, v7;
	_ =	sdelay $0x2  }
0x1a2: {  	v7 =	vmov s23;
	s23 =	sadd.s32 $0x1, s23  }
0x1a3: {  	p4 =	sne.s32 s23, $0x40  }
.Ltmp20:
0x1a4: {  	_ = 	snop;
	(pc) =	sbr.rel @!p4 .LBB2_74-.Ltmp20, $3  }
0x1a5: {  	v8, _, _ =	vpop (xrf0)  }
0x1a6: {  	v8 =	vbroadcast v8, $0xF;
	_ =	sdelay $0x1  }
0x1a7: {  	[tilespmem:v7+s14+$0x0] =	vst.idx.msk $0x1, v8  }
.LBB2_26:
0x1a8: {  	s0 =	sand.u32 $0x1, s23  }
0x1a9: {  	p4 =	seq.s32 s0, $0x1  }
.Ltmp21:
0x1aa: {  	_ = 	snop;
	(pc) =	sbr.rel @!p4 .LBB2_27-.Ltmp21, $1  }
0x1ab: {  	_ =	sdelay $0x3  }
0x1ac: {  	p4 =	seq.s32 s23, $0x3F  }
0x1ad: {  	p4 =	por p3, p4  }
.Ltmp22:
0x1ae: {  	_ = 	snop;
	(pc) =	sbr.rel @p4 .LBB2_65-.Ltmp22, $1  }
0x1af: {  	_ =	sdelay $0x3  }
.Ltmp23:
0x1b0: {  	(pc) =	sbr.rel @p0 .LBB2_51-.Ltmp23, $1  }
0x1b1: {  	_ =	sdelay $0x3  }
0x1b2: {  	p5 =	sne.s32 s17, $0x1  }
.Ltmp24:
0x1b3: {  	_ = 	snop;
	(pc) =	sbr.rel @!p5 .LBB2_53-.Ltmp24, $3  }
0x1b4: {  	s0 =	smul.u32 $0x140000, s23;
	_ =	sdelay $0x1  }
0x1b5: {  	s2 =	simm.s32 $0x8000;
	s1 =	sadd.s32 s22, s0;
	s0 =	simm.s32 $0x0  }
0x1b6: {  	p4 =	por $0x0, $0x0;
	v8 =	vld [tilespmem:s2+$0x0];
	s2 =	sadd.s32 $0xFFFFFFFF, s17;
	v7 =	vmov s1;
	s1 =	sand.u32 $0xFFFFFF00, s0  }
0x1b7: {  	_ = 	snop  }
0x1b8: {  	p5 =	sne.s32 s2, $0x1  }
.Ltmp25:
0x1b9: {  	_ = 	snop;
	(pc) =	sbr.rel @!p5 .LBB2_55-.Ltmp25, $4  }
0x1ba: {  	s3 =	sand.u32 $0x70, s0  }
0x1bb: {  	s3 =	sor.u32 s3, s1;
	v8 =	vadd.s32 v7, v8  }
0x1bc: {  	s4 =	simm.s32 $0x8010;
	s5 =	sadd.s32 $0xFFFFFFFF, s2;
	[tilespmem:s3+$0x8A00] =	vst v8  }
0x1bd: {  	p4 =	por $0x1, $0x1;
	s2 =	simm.s32 $0x0;
	s3 =	simm.s32 $0x0;
	v8 =	vld [tilespmem:s4+$0x0]  }
.LBB2_56:
0x1be: {  	p5 =	sne.s32 s5, $0x1;
	_ =	sdelay $0x1  }
.Ltmp26:
0x1bf: {  	s2 =	sadd.s32 $0x20, s2;
	s3 =	sadd.s32 $0x10, s3;
	(pc) =	sbr.rel @p5 .LBB2_56-.Ltmp26, $4  }
0x1c0: {  	s6 =	sand.u32 $0x70, s3;
	s7 =	sand.u32 $0xFFFFFF00, s2  }
0x1c1: {  	s6 =	sor.u32 s6, s7;
	v8 =	vadd.s32 v7, v8  }
0x1c2: {  	s4 =	sadd.s32 $0x10, s4;
	[tilespmem:s6+$0x8A00] =	vst v8  }
0x1c3: {  	s5 =	sadd.s32 $0xFFFFFFFF, s5;
	v8 =	vld [tilespmem:s4+$0x0]  }
.LBB2_57:
0x1c4: {  	s2 =	sadd.s32 @p4 $0x20, s2;
	s3 =	sadd.s32 @p4 $0x10, s3  }
0x1c5: {  	s4 =	simm.s32 $0x0;
	s5 =	simm.s32 $0x0;
	s30 =	sand.u32 $0x40, s0  }
0x1c6: {  	s4 =	smov.u32 @p4 s3;
	s5 =	smov.u32 @p4 s2;
	p4 =	seq.s32 s16, $0x1  }
.Ltmp27:
0x1c7: {  	s28 =	sand.u32 $0x70, s4;
	s29 =	sand.u32 $0xFFFFFF00, s5;
	(pc) =	sbr.rel @p4 .LBB2_59-.Ltmp27, $4  }
0x1c8: {  	s1 =	sor.u32 s30, s1;
	s2 =	sor.u32 s28, s29;
	v7 =	vadd.s32 v7, v8  }
0x1c9: {  	s31 =	sadd.s32 $0x9E00, s1;
	s1 =	sadd.s32 $0x8A00, s1;
	[tilespmem:s2+$0x8A00] =	vst v7  }
0x1ca: {  	[tilespmem:s31], [sflag:$0x1] =	stream.indirect.gather [hbm4b:s9+s12], $0x1, s1, s12, $0xb8;
	[tilespmem:$0xB280] =	vst v63  }
0x1cb: {  	s2 =	simm.s32 $0x40;
	s1 =	sadd.s32 $0xFFFFFFFF, s16  }
.LBB2_58:
0x1cc: {  	s3 =	sand.u32 $0x40, s2;
	s0 =	sadd.s32 $0x80, s0;
	p4 =	seq.s32 s1, $0x1  }
.Ltmp28:
0x1cd: {  	s1 =	sadd.s32 $0xFFFFFFFF, s1;
	s4 =	sand.u32 $0xFFFFFF00, s0;
	(pc) =	sbr.rel @!p4 .LBB2_58-.Ltmp28, $4  }
0x1ce: {  	s3 =	sor.u32 s3, s4  }
0x1cf: {  	s4 =	sadd.s32 $0x9E00, s3;
	s3 =	sadd.s32 $0x8A00, s3  }
0x1d0: {  	[tilespmem:s4], [sflag:$0x1] =	stream.indirect.gather [hbm4b:s9+s12], $0x1, s3, s12, $0xb8;
	[tilespmem:$0xB280] =	vst v63  }
0x1d1: {  	s2 =	sadd.s32 $0x40, s2  }
.LBB2_59:
.Ltmp29:
0x1d2: {  	(pc) =	sbr.rel @!p2 .LBB2_63-.Ltmp29, $4  }
.Ltmp30:
0x1d3: {  	(pc) =	sbr.rel @p2 .LBB2_60-.Ltmp30, $4  }
0x1d4: {  	_ = 	snop  }
0x1d5: {  	_ = 	snop  }
0x1d6: {  	_ = 	snop  }
0x1d7: {  	_ = 	snop  }
.LBB2_27:
.Ltmp31:
0x1d8: {  	(pc) =	sbr.rel @!p1 .LBB2_42-.Ltmp31, $1  }
0x1d9: {  	_ =	sdelay $0x3  }
.Ltmp32:
0x1da: {  	(pc) =	sbr.rel @p0 .LBB2_29-.Ltmp32, $1  }
0x1db: {  	_ =	sdelay $0x3  }
0x1dc: {  	p5 =	sne.s32 s17, $0x1  }
.Ltmp33:
0x1dd: {  	_ = 	snop;
	(pc) =	sbr.rel @!p5 .LBB2_31-.Ltmp33, $3  }
0x1de: {  	s0 =	smul.u32 $0x140000, s23;
	_ =	sdelay $0x1  }
0x1df: {  	s1 =	simm.s32 $0x8000;
	s0 =	sadd.s32 s22, s0  }
0x1e0: {  	p4 =	por $0x0, $0x0;
	v8 =	vld [tilespmem:s1+$0x0];
	s1 =	sadd.s32 $0xFFFFFFFF, s17;
	v7 =	vmov s0;
	s0 =	simm.s32 $0x0  }
0x1e1: {  	_ = 	snop  }
0x1e2: {  	p6 =	sne.s32 s1, $0x1  }
.Ltmp34:
0x1e3: {  	_ = 	snop;
	(pc) =	sbr.rel @!p6 .LBB2_33-.Ltmp34, $4  }
0x1e4: {  	s2 =	sand.u32 $0x70, s0;
	s3 =	sand.u32 $0xFFFFFF00, s0  }
0x1e5: {  	s2 =	sor.u32 s2, s3;
	v8 =	vadd.s32 v7, v8  }
0x1e6: {  	s4 =	sadd.s32 $0xFFFFFFFF, s1;
	s3 =	simm.s32 $0x8010;
	[tilespmem:s2+$0x8A80] =	vst v8  }
0x1e7: {  	p5 =	por $0x1, $0x1;
	s1 =	simm.s32 $0x0;
	s2 =	simm.s32 $0x0;
	v8 =	vld [tilespmem:s3+$0x0]  }
.LBB2_34:
0x1e8: {  	p6 =	sne.s32 s4, $0x1;
	_ =	sdelay $0x1  }
.Ltmp35:
0x1e9: {  	s1 =	sadd.s32 $0x20, s1;
	s2 =	sadd.s32 $0x10, s2;
	(pc) =	sbr.rel @p6 .LBB2_34-.Ltmp35, $4  }
0x1ea: {  	s5 =	sand.u32 $0x70, s2;
	s6 =	sand.u32 $0xFFFFFF00, s1  }
0x1eb: {  	s5 =	sor.u32 s5, s6;
	v8 =	vadd.s32 v7, v8  }
0x1ec: {  	s3 =	sadd.s32 $0x10, s3;
	[tilespmem:s5+$0x8A80] =	vst v8  }
0x1ed: {  	s4 =	sadd.s32 $0xFFFFFFFF, s4;
	v8 =	vld [tilespmem:s3+$0x0]  }
.LBB2_35:
0x1ee: {  	s1 =	sadd.s32 @p5 $0x20, s1;
	s2 =	sadd.s32 @p5 $0x10, s2  }
0x1ef: {  	s3 =	simm.s32 $0x1;
	s4 =	simm.s32 $0x0;
	s5 =	simm.s32 $0x0  }
0x1f0: {  	s3 =	simm.s32 @!p4 $0x0;
	s4 =	smov.u32 @p5 s2;
	s5 =	smov.u32 @p5 s1  }
0x1f1: {  	p5 =	sne.s32 s16, $0x1;
	s29 =	sshll.u32 s3, $0x6;
	s2 =	sand.u32 $0x70, s4  }
.Ltmp36:
0x1f2: {  	s30 =	sand.u32 $0xFFFFFF00, s5;
	s1 =	sadd.s32 $0x0, s29;
	(pc) =	sbr.rel @!p5 .LBB2_37-.Ltmp36, $4  }
0x1f3: {  	s2 =	sor.u32 s2, s30;
	v7 =	vadd.s32 v7, v8;
	s1 =	sor.u32 $0x80, s1  }
0x1f4: {  	[tilespmem:s2+$0x8A80] =	vst v7;
	s31 =	sadd.s32 $0x9E00, s1;
	s1 =	sadd.s32 $0x8A00, s1  }
0x1f5: {  	[tilespmem:s31], [sflag:$0x2] =	stream.indirect.gather [hbm4b:s9+s12], $0x1, s1, s12, $0xb8;
	[tilespmem:$0xB280] =	vst v63  }
0x1f6: {  	p4 =	por !p4, !p4;
	s1 =	sadd.s32 $0xFFFFFFFF, s16  }
.LBB2_36:
0x1f7: {  	s2 =	simm.s32 $0x1  }
0x1f8: {  	p5 =	sne.s32 s1, $0x1;
	s1 =	sadd.s32 $0xFFFFFFFF, s1;
	s2 =	simm.s32 @!p4 $0x0  }
.Ltmp37:
0x1f9: {  	s0 =	sadd.s32 $0x80, s0;
	s2 =	sshll.u32 s2, $0x6;
	(pc) =	sbr.rel @p5 .LBB2_36-.Ltmp37, $4  }
0x1fa: {  	s2 =	sadd.s32 s2, s0  }
0x1fb: {  	s2 =	sor.u32 $0x80, s2  }
0x1fc: {  	p4 =	por !p4, !p4;
	s3 =	sadd.s32 $0x9E00, s2;
	s2 =	sadd.s32 $0x8A00, s2  }
0x1fd: {  	[tilespmem:s3], [sflag:$0x2] =	stream.indirect.gather [hbm4b:s9+s12], $0x1, s2, s12, $0xb8;
	[tilespmem:$0xB280] =	vst v63  }
.LBB2_37:
0x1fe: {  	p4 =	seq.s32 s16, $0x1  }
.Ltmp38:
0x1ff: {  	_ = 	snop;
	(pc) =	sbr.rel @p4 .LBB2_39-.Ltmp38, $3  }
0x200: {  	_ =	sdelay $0x1  }
0x201: {  	_ =	swait.ge [sflag:s11], $0x40  }
0x202: {  	s0 =	sadd.s32 $0xFFFFFFFF, s16;
	[sflag:s11] =	ssyncset.done $0x0  }
.LBB2_38:
0x203: {  	p4 =	seq.s32 s0, $0x1;
	s0 =	sadd.s32 $0xFFFFFFFF, s0;
	[sflag:s11] =	ssyncadd.s32 $0xFFFFFFC0  }
.Ltmp39:
0x204: {  	(pc) =	sbr.rel @!p4 .LBB2_38-.Ltmp39, $3  }
0x205: {  	_ =	sdelay $0x1  }
0x206: {  	_ =	swait.ge [sflag:s11], $0x40  }
0x207: {  	[sflag:s11] =	ssyncset.done $0x0  }
.LBB2_39:
.Ltmp40:
0x208: {  	(pc) =	sbr.rel .LBB2_40-.Ltmp40, $2  }
0x209: {  	_ =	sdelay $0x2  }
0x20a: {  	[sflag:s11] =	ssyncadd.s32 $0xFFFFFFC0  }
.LBB2_65:
.Ltmp41:
0x20b: {  	(pc) =	sbr.rel @!p2 .LBB2_66-.Ltmp41, $1  }
0x20c: {  	_ =	sdelay $0x3  }
.LBB2_60:
0x20d: {  	p4 =	seq.s32 s16, $0x1  }
.Ltmp42:
0x20e: {  	_ = 	snop;
	(pc) =	sbr.rel @p4 .LBB2_62-.Ltmp42, $3  }
0x20f: {  	_ =	sdelay $0x1  }
0x210: {  	_ =	swait.ge [sflag:s13], $0x40  }
0x211: {  	s0 =	sadd.s32 $0xFFFFFFFF, s16;
	[sflag:s13] =	ssyncset.done $0x0  }
.LBB2_61:
0x212: {  	p4 =	seq.s32 s0, $0x1;
	s0 =	sadd.s32 $0xFFFFFFFF, s0;
	[sflag:s13] =	ssyncadd.s32 $0xFFFFFFC0  }
.Ltmp43:
0x213: {  	(pc) =	sbr.rel @!p4 .LBB2_61-.Ltmp43, $3  }
0x214: {  	_ =	sdelay $0x1  }
0x215: {  	_ =	swait.ge [sflag:s13], $0x40  }
0x216: {  	[sflag:s13] =	ssyncset.done $0x0  }
.LBB2_62:
.Ltmp44:
0x217: {  	(pc) =	sbr.rel .LBB2_63-.Ltmp44, $2  }
0x218: {  	_ =	sdelay $0x2  }
0x219: {  	[sflag:s13] =	ssyncadd.s32 $0xFFFFFFC0  }
.LBB2_42:
.Ltmp45:
0x21a: {  	(pc) =	sbr.rel @p0 .LBB2_43-.Ltmp45, $1  }
0x21b: {  	_ =	sdelay $0x3  }
.LBB2_40:
0x21c: {  	p6 =	seq.s32 s17, $0x1  }
.Ltmp46:
0x21d: {  	_ = 	snop;
	(pc) =	sbr.rel @p6 .LBB2_41-.Ltmp46, $3  }
0x21e: {  	_ =	sdelay $0x1  }
0x21f: {  	s0 =	simm.s32 $0x0;
	s1 =	sadd.s32 $0xFFFFFFFF, s17;
	p4 =	por $0x0, $0x0  }
0x220: {  	v7 =	vimm.f32 $-1.000000000e+09;
	p5 =	por $0x0, $0x0;
	s2 =	sand.u32 $0x70, s0;
	s4 =	sand.u32 $0xFFFFFF00, s0  }
0x221: {  	s2 =	sor.u32 s2, s4  }
0x222: {  	v8 =	vld [tilespmem:s2+$0x9E00]  }
0x223: {  	p6 =	seq.s32 s1, $0x1  }
.Ltmp47:
0x224: {  	_ = 	snop;
	(pc) =	sbr.rel @p6 .LBB2_45-.Ltmp47, $4  }
0x225: {  	v9 =	vor.u32 s0, v4  }
0x226: {  	vm0 =	vlt.s32 v9, v6  }
0x227: {  	s0 =	simm.s32 $0x10;
	s3 =	simm.s32 $0x20;
	p4 =	por $0x1, $0x1;
	v8 =	vnsel vm0, $0xCE6E6B28, v8  }
0x228: {  	s2 =	sand.u32 $0x70, s0;
	s4 =	sand.u32 $0xFFFFFF00, s3;
	s3 =	sadd.s32 $0xFFFFFFFF, s1;
	(xrf1) =	vsort.ascd.msk.f32 $0xffff, v8, v8  }
0x229: {  	_ =	sdelay $0x7  }
0x22a: {  	s1 =	sor.u32 s2, s4  }
0x22b: {  	v8 =	vld [tilespmem:s1+$0x9E00];
	_ =	sdelay $0x2  }
0x22c: {  	v9 =	vor.u32 s0, v4  }
0x22d: {  	vm0 =	vlt.s32 v9, v6;
	v10, _, _ =	vpop (xrf1)  }
0x22e: {  	v8 =	vnsel vm0, $0xCE6E6B28, v8;
	v63 =	vperm.xlane v10, v5  }
0x22f: {  	(xrf1) =	vsort.ascd.msk.f32 $0xffff, v8, v8  }
0x230: {  	v8 =	vmax.f32 v7, v63  }
0x231: {  	(xrf1) =	vsort.ascd.msk.f32 $0xffff, v8, v8  }
0x232: {  	p6 =	seq.s32 s3, $0x1  }
.Ltmp48:
0x233: {  	_ = 	snop;
	(pc) =	sbr.rel @p6 .LBB2_48-.Ltmp48, $3  }
0x234: {  	_ =	sdelay $0x1  }
0x235: {  	s0 =	simm.s32 $0x20;
	s3 =	sadd.s32 $0xFFFFFFFF, s3;
	s1 =	simm.s32 $0x40  }
0x236: {  	p5 =	por $0x1, $0x1;
	s2 =	sand.u32 $0x70, s0;
	s4 =	sand.u32 $0xFFFFFF00, s1  }
.LBB2_47:
0x237: {  	p6 =	seq.s32 s3, $0x1;
	s2 =	sor.u32 s2, s4  }
0x238: {  	v8 =	vld [tilespmem:s2+$0x9E00];
	_ =	sdelay $0x2  }
0x239: {  	v10 =	vor.u32 s0, v4  }
0x23a: {  	vm0 =	vlt.s32 v10, v6;
	v9, _, _ =	vpop (xrf1)  }
0x23b: {  	v10 =	vnsel vm0, $0xCE6E6B28, v8;
	v9 =	vperm.xlane v9, v5  }
0x23c: {  	(xrf1) =	vsort.ascd.msk.f32 $0xffff, v10, v10;
	v8, _, _ =	vpop (xrf1)  }
0x23d: {  	v8 =	vmax.f32 v8, v9  }
0x23e: {  	(xrf1) =	vsort.ascd.msk.f32 $0xffff, v8, v8;
	_ =	sdelay $0x1  }
.Ltmp49:
0x23f: {  	(pc) =	sbr.rel @!p6 .LBB2_47-.Ltmp49, $3  }
0x240: {  	_ =	sdelay $0x1  }
0x241: {  	s1 =	sadd.s32 $0x20, s1;
	s0 =	sadd.s32 $0x10, s0  }
0x242: {  	s3 =	sadd.s32 $0xFFFFFFFF, s3;
	s2 =	sand.u32 $0x70, s0;
	s4 =	sand.u32 $0xFFFFFF00, s1  }
.LBB2_48:
0x243: {  	_ =	sdelay $0x1  }
0x244: {  	s1 =	sor.u32 s2, s4  }
0x245: {  	v8 =	vld [tilespmem:s1+$0x9E00];
	_ =	sdelay $0x2  }
0x246: {  	v9 =	vor.u32 s0, v4;
	v10, _, _ =	vpop @p4 (xrf1)  }
0x247: {  	vm0 =	vlt.s32 v9, v6;
	v9 =	vperm.xlane @p4 v10, v5;
	v10, _, _ =	vpop @p5 (xrf1)  }
0x248: {  	v8 =	vnsel vm0, $0xCE6E6B28, v8;
	v10 =	vpsel p5, v10, v7  }
0x249: {  	(xrf1) =	vsort.ascd.msk.f32 $0xffff, v8, v8;
	v8 =	vmax.f32 @p4 v10, v9  }
0x24a: {  	(xrf1) =	vsort.ascd.msk.f32 @p4 $0xffff, v8, v8;
	_ =	sdelay $0xc  }
0x24b: {  	v8, _, _ =	vpop (xrf1)  }
0x24c: {  	v8 =	vperm.xlane v8, v5;
	v9, _, _ =	vpop @p4 (xrf1)  }
0x24d: {  	v7 =	vpsel p4, v9, v7  }
0x24e: {  	v7 =	vmax.f32 v7, v8  }
0x24f: {  	(xrf1) =	vsort.ascd.msk.f32 $0xffff, v7, v7;
	_ =	sdelay $0x9  }
.Ltmp50:
0x250: {  	_ = 	snop;
	(pc) =	sbr.rel .LBB2_73-.Ltmp50, $2  }
0x251: {  	_ =	sdelay $0x2  }
0x252: {  	v7, _, _ =	vpop (xrf1)  }
.LBB2_66:
.Ltmp51:
0x253: {  	(pc) =	sbr.rel @p0 .LBB2_67-.Ltmp51, $1  }
0x254: {  	_ =	sdelay $0x3  }
.LBB2_63:
0x255: {  	p6 =	sne.s32 s17, $0x1  }
.Ltmp52:
0x256: {  	_ = 	snop;
	(pc) =	sbr.rel @!p6 .LBB2_64-.Ltmp52, $3  }
0x257: {  	_ =	sdelay $0x1  }
0x258: {  	s0 =	simm.s32 $0x0;
	s1 =	sadd.s32 $0xFFFFFFFF, s17;
	p4 =	por $0x0, $0x0  }
0x259: {  	v7 =	vimm.f32 $-1.000000000e+09;
	p5 =	por $0x0, $0x0;
	s2 =	sand.u32 $0x70, s0;
	s4 =	sand.u32 $0xFFFFFF00, s0  }
0x25a: {  	s2 =	sor.u32 s2, s4  }
0x25b: {  	v8 =	vld [tilespmem:s2+$0x9E80]  }
0x25c: {  	p6 =	sne.s32 s1, $0x1  }
.Ltmp53:
0x25d: {  	_ = 	snop;
	(pc) =	sbr.rel @!p6 .LBB2_69-.Ltmp53, $4  }
0x25e: {  	v9 =	vor.u32 s0, v4  }
0x25f: {  	vm0 =	vlt.s32 v9, v6  }
0x260: {  	s0 =	simm.s32 $0x10;
	s3 =	simm.s32 $0x20;
	p4 =	por $0x1, $0x1;
	v8 =	vnsel vm0, $0xCE6E6B28, v8  }
0x261: {  	s2 =	sand.u32 $0x70, s0;
	s4 =	sand.u32 $0xFFFFFF00, s3;
	s3 =	sadd.s32 $0xFFFFFFFF, s1;
	(xrf1) =	vsort.ascd.msk.f32 $0xffff, v8, v8  }
0x262: {  	_ =	sdelay $0x7  }
0x263: {  	s1 =	sor.u32 s2, s4  }
0x264: {  	v8 =	vld [tilespmem:s1+$0x9E80];
	_ =	sdelay $0x2  }
0x265: {  	v9 =	vor.u32 s0, v4  }
0x266: {  	vm0 =	vlt.s32 v9, v6;
	v10, _, _ =	vpop (xrf1)  }
0x267: {  	v8 =	vnsel vm0, $0xCE6E6B28, v8;
	v63 =	vperm.xlane v10, v5  }
0x268: {  	(xrf1) =	vsort.ascd.msk.f32 $0xffff, v8, v8  }
0x269: {  	v8 =	vmax.f32 v7, v63  }
0x26a: {  	(xrf1) =	vsort.ascd.msk.f32 $0xffff, v8, v8  }
0x26b: {  	p6 =	sne.s32 s3, $0x1  }
.Ltmp54:
0x26c: {  	_ = 	snop;
	(pc) =	sbr.rel @!p6 .LBB2_72-.Ltmp54, $3  }
0x26d: {  	_ =	sdelay $0x1  }
0x26e: {  	s0 =	simm.s32 $0x20;
	s3 =	sadd.s32 $0xFFFFFFFF, s3;
	s1 =	simm.s32 $0x40  }
0x26f: {  	p5 =	por $0x1, $0x1;
	s2 =	sand.u32 $0x70, s0;
	s4 =	sand.u32 $0xFFFFFF00, s1  }
.LBB2_71:
0x270: {  	p6 =	sne.s32 s3, $0x1;
	s2 =	sor.u32 s2, s4  }
0x271: {  	v8 =	vld [tilespmem:s2+$0x9E80];
	_ =	sdelay $0x2  }
0x272: {  	v10 =	vor.u32 s0, v4  }
0x273: {  	vm0 =	vlt.s32 v10, v6;
	v9, _, _ =	vpop (xrf1)  }
0x274: {  	v10 =	vnsel vm0, $0xCE6E6B28, v8;
	v9 =	vperm.xlane v9, v5  }
0x275: {  	(xrf1) =	vsort.ascd.msk.f32 $0xffff, v10, v10;
	v8, _, _ =	vpop (xrf1)  }
0x276: {  	v8 =	vmax.f32 v8, v9  }
0x277: {  	(xrf1) =	vsort.ascd.msk.f32 $0xffff, v8, v8;
	_ =	sdelay $0x1  }
.Ltmp55:
0x278: {  	(pc) =	sbr.rel @p6 .LBB2_71-.Ltmp55, $3  }
0x279: {  	_ =	sdelay $0x1  }
0x27a: {  	s1 =	sadd.s32 $0x20, s1;
	s0 =	sadd.s32 $0x10, s0  }
0x27b: {  	s3 =	sadd.s32 $0xFFFFFFFF, s3;
	s2 =	sand.u32 $0x70, s0;
	s4 =	sand.u32 $0xFFFFFF00, s1  }
.LBB2_72:
0x27c: {  	_ =	sdelay $0x1  }
0x27d: {  	s1 =	sor.u32 s2, s4  }
0x27e: {  	v8 =	vld [tilespmem:s1+$0x9E80];
	_ =	sdelay $0x2  }
0x27f: {  	v9 =	vor.u32 s0, v4;
	v10, _, _ =	vpop @p4 (xrf1)  }
0x280: {  	vm0 =	vlt.s32 v9, v6;
	v9 =	vperm.xlane @p4 v10, v5;
	v10, _, _ =	vpop @p5 (xrf1)  }
0x281: {  	v8 =	vnsel vm0, $0xCE6E6B28, v8;
	v10 =	vpsel p5, v10, v7  }
0x282: {  	(xrf1) =	vsort.ascd.msk.f32 $0xffff, v8, v8;
	v8 =	vmax.f32 @p4 v10, v9  }
0x283: {  	(xrf1) =	vsort.ascd.msk.f32 @p4 $0xffff, v8, v8;
	_ =	sdelay $0xc  }
0x284: {  	v8, _, _ =	vpop (xrf1)  }
0x285: {  	v8 =	vperm.xlane v8, v5;
	v9, _, _ =	vpop @p4 (xrf1)  }
0x286: {  	v7 =	vpsel p4, v9, v7  }
0x287: {  	v7 =	vmax.f32 v7, v8  }
0x288: {  	(xrf1) =	vsort.ascd.msk.f32 $0xffff, v7, v7;
	_ =	sdelay $0x9  }
.Ltmp56:
0x289: {  	_ = 	snop;
	(pc) =	sbr.rel .LBB2_73-.Ltmp56, $2  }
0x28a: {  	_ =	sdelay $0x2  }
0x28b: {  	v7, _, _ =	vpop (xrf1)  }
.LBB2_51:
.Ltmp57:
0x28c: {  	(pc) =	sbr.rel .LBB2_73-.Ltmp57, $2  }
0x28d: {  	_ =	sdelay $0x2  }
0x28e: {  	v7 =	vimm.f32 $-1.000000000e+09  }
.LBB2_43:
.Ltmp58:
0x28f: {  	(pc) =	sbr.rel .LBB2_73-.Ltmp58, $2  }
0x290: {  	_ =	sdelay $0x2  }
0x291: {  	v7 =	vimm.f32 $-1.000000000e+09  }
.LBB2_67:
.Ltmp59:
0x292: {  	(pc) =	sbr.rel .LBB2_73-.Ltmp59, $2  }
0x293: {  	_ =	sdelay $0x2  }
0x294: {  	v7 =	vimm.f32 $-1.000000000e+09  }
.LBB2_64:
.Ltmp60:
0x295: {  	(pc) =	sbr.rel .LBB2_72-.Ltmp60, $2  }
0x296: {  	_ =	sdelay $0x2  }
0x297: {  	_ = 	snop  }
.LBB2_69:
.Ltmp61:
0x298: {  	(pc) =	sbr.rel .LBB2_72-.Ltmp61, $2  }
0x299: {  	_ =	sdelay $0x2  }
0x29a: {  	_ = 	snop  }
.LBB2_41:
.Ltmp62:
0x29b: {  	(pc) =	sbr.rel .LBB2_48-.Ltmp62, $2  }
0x29c: {  	_ =	sdelay $0x2  }
0x29d: {  	_ = 	snop  }
.LBB2_45:
.Ltmp63:
0x29e: {  	(pc) =	sbr.rel .LBB2_48-.Ltmp63, $2  }
0x29f: {  	_ =	sdelay $0x2  }
0x2a0: {  	_ = 	snop  }
.LBB2_53:
.Ltmp64:
0x2a1: {  	(pc) =	sbr.rel .LBB2_57-.Ltmp64, $2  }
0x2a2: {  	_ =	sdelay $0x2  }
0x2a3: {  	s2 =	simm.s32 $0x0;
	s3 =	simm.s32 $0x0  }
.LBB2_31:
.Ltmp65:
0x2a4: {  	(pc) =	sbr.rel .LBB2_35-.Ltmp65, $2  }
0x2a5: {  	_ =	sdelay $0x2  }
0x2a6: {  	s1 =	simm.s32 $0x0;
	s2 =	simm.s32 $0x0;
	p5 =	por $0x0, $0x0  }
.LBB2_55:
.Ltmp66:
0x2a7: {  	(pc) =	sbr.rel .LBB2_57-.Ltmp66, $2  }
0x2a8: {  	_ =	sdelay $0x2  }
0x2a9: {  	s2 =	simm.s32 $0x0;
	s3 =	simm.s32 $0x0  }
.LBB2_33:
.Ltmp67:
0x2aa: {  	(pc) =	sbr.rel .LBB2_35-.Ltmp67, $2  }
0x2ab: {  	_ =	sdelay $0x2  }
0x2ac: {  	s1 =	simm.s32 $0x0;
	s2 =	simm.s32 $0x0  }
.LBB2_17:
.Ltmp68:
0x2ad: {  	(pc) =	sbr.rel .LBB2_22-.Ltmp68, $3  }
0x2ae: {  	_ =	sdelay $0x1  }
0x2af: {  	vm1 =	vmmov vm2  }
0x2b0: {  	s2 =	simm.s32 $0x0;
	s3 =	simm.s32 $0x0;
	vm2 =	vmmov vm4;
	vm9 =	vmmov vm8;
	vm8 =	vmmov vm3  }
.LBB2_19:
.Ltmp69:
0x2b1: {  	(pc) =	sbr.rel .LBB2_22-.Ltmp69, $2  }
0x2b2: {  	_ =	sdelay $0x2  }
0x2b3: {  	s2 =	simm.s32 $0x0;
	s3 =	simm.s32 $0x0;
	vm2 =	vmmov vm4;
	vm8 =	vmmov vm3  }
.LBB2_76:
0x2b4: {  	_ =	sfence.sel $0x180000  }
0x2b5: {  	[bflag:$0x0] =	sbarrier.arrive $0xFFFF  }
0x2b6: {  	_ =	strace $0x90000047  }
0x2b7: {  	s0 =	stileid.u32;
	[bflag:$0x2] =	sbarrier.arrive $0xFFFF  }
0x2b8: {  	p0 =	sne.s32 s0, $0x0;
	s0 =	rddreg [dreg:$0x1]  }
0x2b9: {  	s0 =	sadd.s32 @!p0 $0x100000, s0  }
0x2ba: {  	[sflag:s0] =	ssyncadd.tile.s32 @!p0 $0x1;
	_ =	shalt  }
.Lfunc_end2:
_tile_overlayer_lowered:
.L_overlay_start_2:
0x2bb: {  	(tag) =	ssettag $0x2  }
0x2bc: {  	s0 =	rddreg [dreg:$0x0];
	s2 =	stileid.u32  }
0x2bd: {  	s1 =	rddreg [dreg:$0x1];
	p0 =	sne.s32 s2, $0x0  }
0x2be: {  	s3 =	rddreg [dreg:$0x2];
	[bflag:$0x3] =	sbarrier.arrive $0xFFFF;
	s2 =	simm.s32 @!p0 $0x1C03  }
0x2bf: {  	[timem:s3], [sflag:s2] =	dma.local @!p0 [hbm:s0], s1  }
0x2c0: {  	s0 =	simm.s32 @!p0 $0x3  }
0x2c1: {  	_ =	swait.ge @!p0 [sflag:s0], s1  }
0x2c2: {  	s1 =	ssub.s32 @!p0 $0x0, s1;
	[sflag:s0] =	ssyncset.done @!p0 $0x0  }
0x2c3: {  	[sflag:s0] =	ssyncadd.s32 @!p0 s1  }
0x2c4: {  	[bflag:$0x3] =	sbarrier.arrive $0xFFFF  }
0x2c5: {  	_ =	shalt  }

</sc_bundles>
